<compile_context>
chip_gen: v7x
topology: tpu7x:2x2x1
jax: 0.10.2.dev20260603
libtpu: 0.0.44.dev20260713+nightly
codegen_flags: <defaults>
</compile_context>

<pallas_src>
import functools

import jax
import jax.numpy as jnp
from jax import lax
from jax.experimental import pallas as pl
from jax.experimental.pallas import tpu as pltpu
from jax.experimental.pallas import tpu_sc as plsc

_F = 26
_V = 100000
_D = 32
_B = 4096
_DN = 13
_OF = _F + 1
_ROWS = _B * _OF

_NC, _NS, _L = 2, 16, 16
_NW = _NC * _NS
_BPW = _B // _NW

_WPF = 25
_WLEN = 4096
_TAILLO = 24 * _WLEN
_TMAIN = 1664
_TEXTRA = _V - _TAILLO - _TMAIN
_NCHUNK = _F * _WPF
_JOBS = 21
_NTASK = _JOBS * 4
_HCAP = 256


def _splat(x):
    return jnp.full((_L,), x, jnp.int32)


def _make_sc_call():
    mesh = plsc.VectorSubcoreMesh(core_axis_name="c", subcore_axis_name="s")

    @functools.partial(
        pl.kernel,
        mesh=mesh,
        out_type=jax.ShapeDtypeStruct((_ROWS, 128), jnp.float32),
        scratch_types=[
            pltpu.VMEM((2, 8, _WLEN), jnp.float32),
            pltpu.VMEM((_D, _TEXTRA), jnp.float32),
            pltpu.VMEM((_B,), jnp.int32),
            pltpu.VMEM((_HCAP, 128), jnp.float32),
            pltpu.VMEM((_HCAP,), jnp.int32),
            pltpu.VMEM((_HCAP,), jnp.int32),
            pltpu.VMEM((16, 16), jnp.int32),
            pltpu.VMEM((16, 128), jnp.float32),
            pltpu.VMEM((_DN, _D), jnp.float32),
            pltpu.VMEM((_D,), jnp.float32),
            pltpu.SMEM((4,), jnp.int32),
            pltpu.SemaphoreType.DMA,
            pltpu.SemaphoreType.DMA,
        ],
        compiler_params=pltpu.CompilerParams(needs_layout_passes=False),
    )
    def sc_embed(tbl, tail3, idxf, dns, wt, bias, out,
                 slab, tail_v, idx_v, hitbuf, hv_v, hr1_v, hrow2d,
                 dv, wt_v, bias_v, smem, ssem, wsem):
        wid = lax.axis_index("s") * _NC + lax.axis_index("c")
        iota = lax.iota(jnp.int32, _L)

        def fire_slab(f_, w_, k_, slot_):
            @pl.when(w_ < _WPF - 1)
            def _():
                pltpu.async_copy(
                    tbl.at[pl.ds(f_ * _D + 8 * k_, 8),
                           pl.ds(_WLEN * w_, _WLEN)],
                    slab.at[slot_], ssem)

            @pl.when(w_ == _WPF - 1)
            def _():
                pltpu.async_copy(
                    tbl.at[pl.ds(f_ * _D + 8 * k_, 8),
                           pl.ds(_TAILLO, _TMAIN)],
                    slab.at[slot_, :, pl.ds(0, _TMAIN)], ssem)

        def wait_slab(f_, w_, k_, slot_):
            @pl.when(w_ < _WPF - 1)
            def _():
                pltpu.make_async_copy(
                    tbl.at[pl.ds(f_ * _D + 8 * k_, 8),
                           pl.ds(_WLEN * w_, _WLEN)],
                    slab.at[slot_], ssem).wait()

            @pl.when(w_ == _WPF - 1)
            def _():
                pltpu.make_async_copy(
                    tbl.at[pl.ds(f_ * _D + 8 * k_, 8),
                           pl.ds(_TAILLO, _TMAIN)],
                    slab.at[slot_, :, pl.ds(0, _TMAIN)], ssem).wait()

        def drain_piece():
            pltpu.make_async_copy(
                hitbuf.at[pl.ds(0, 16), :], out.at[hrow2d.at[0]], wsem).wait()

        smem[0] = 0
        smem[1] = 0
        c0 = jnp.minimum(wid, _NCHUNK - 1)
        fire_slab(c0 // _WPF, c0 % _WPF, 0, 0)

        def task(t, carry):
            c = jnp.minimum(wid + _NW * (t // 4), _NCHUNK - 1)
            k = t % 4
            valid = (wid + _NW * (t // 4)) < _NCHUNK
            f = c // _WPF
            w = c % _WPF
            wlo = _WLEN * w
            whi = jnp.minimum(wlo + _WLEN, _V)
            mainlen = jnp.where(w < _WPF - 1, _WLEN, _TMAIN)
            slot = t % 2

            tn = t + 1
            cn = jnp.minimum(wid + _NW * (tn // 4), _NCHUNK - 1)

            @pl.when(tn < _NTASK)
            def _():
                fire_slab(cn // _WPF, cn % _WPF, tn % 4, tn % 2)

            @pl.when(k == 0)
            def _():
                pltpu.sync_copy(idxf.at[pl.ds(f * _B, _B)], idx_v)

                @pl.when(w == _WPF - 1)
                def _():
                    pltpu.sync_copy(tail3.at[f], tail_v)

                def sbody(t4, off):
                    for u in range(4):
                        t2 = t4 * 4 + u
                        v16 = idx_v[pl.ds(t2 * _L, _L)]
                        m = (v16 >= wlo) & (v16 < whi)
                        row16 = (t2 * _L + iota) * _OF + f
                        mi = jnp.where(m, 1, 0).astype(jnp.int32)
                        inc = plsc.cumsum(mi)
                        slots_t = off + inc - mi
                        plsc.store_scatter(hv_v, [slots_t], v16, mask=m)
                        plsc.store_scatter(hr1_v, [slots_t], row16, mask=m)
                        off = off + inc[15]
                    return off

                hn = lax.fori_loop(0, _B // (_L * 4), sbody, 0)
                smem[0] = hn

                def dbody(_i, carry2):
                    drain_piece()
                    return carry2

                lax.fori_loop(0, smem[1], dbody, 0)
                smem[1] = 0

                @pl.when(hn > 0)
                def _():
                    hv0 = hv_v[pl.ds(0, _L)][0]
                    hr0 = hr1_v[pl.ds(0, _L)][0]

                    def fbody(j2, carry2):
                        sl = j2 * _L + iota
                        cv = hv_v[pl.ds(j2 * _L, _L)]
                        cr = hr1_v[pl.ds(j2 * _L, _L)]
                        hv_v[pl.ds(j2 * _L, _L)] = jnp.where(sl >= hn, hv0, cv)
                        hr1_v[pl.ds(j2 * _L, _L)] = jnp.where(sl >= hn, hr0, cr)
                        hrow2d[j2, :] = jnp.where(sl >= hn, hr0, cr)
                        return carry2

                    lax.fori_loop(0, _HCAP // _L, fbody, 0)

            wait_slab(f, w, k, slot)

            hn2 = smem[0]
            ngr = (hn2 + _L - 1) // _L

            @pl.when(hn2 > 0)
            def _():
                @pl.when(w < _WPF - 1)
                def _():
                    def gbody(g, carry2):
                        sl = g * _L + iota
                        li = hv_v[pl.ds(g * _L, _L)] - wlo
                        for r in range(8):
                            vals = plsc.load_gather(
                                slab, [_splat(slot), _splat(r), li])
                            plsc.store_scatter(
                                hitbuf, [sl, _splat(k * 8 + r)], vals)
                        return carry2

                    lax.fori_loop(0, ngr, gbody, 0)

                @pl.when(w == _WPF - 1)
                def _():
                    def gbody(g, carry2):
                        sl = g * _L + iota
                        li = hv_v[pl.ds(g * _L, _L)] - wlo
                        use_tail = li >= _TMAIN
                        li_m = jnp.minimum(li, _TMAIN - 1)
                        li_t = jnp.clip(li - _TMAIN, 0, _TEXTRA - 1)
                        for r in range(8):
                            vm = plsc.load_gather(
                                slab, [_splat(slot), _splat(r), li_m])
                            vt = plsc.load_gather(
                                tail_v, [_splat(k * 8 + r), li_t])
                            vals = jnp.where(use_tail, vt, vm)
                            plsc.store_scatter(
                                hitbuf, [sl, _splat(k * 8 + r)], vals)
                        return carry2

                    lax.fori_loop(0, ngr, gbody, 0)

            @pl.when((k == 3) & valid & (hn2 > 0))
            def _():
                def pbody(j3, carry2):
                    pltpu.async_copy(hitbuf.at[pl.ds(j3 * _L, _L), :],
                                     out.at[hrow2d.at[j3]], wsem)
                    return carry2

                lax.fori_loop(0, ngr, pbody, 0)
                smem[1] = ngr

            return carry

        lax.fori_loop(0, _NTASK, task, 0)

        def dbody(_i, carry2):
            drain_piece()
            return carry2

        lax.fori_loop(0, smem[1], dbody, 0)

        base = wid * _BPW
        pltpu.sync_copy(dns.at[pl.ds(wid * 16, 16), :], dv)
        pltpu.sync_copy(wt, wt_v)
        pltpu.sync_copy(bias, bias_v)
        bias0 = bias_v[pl.ds(0, _L)]
        bias1 = bias_v[pl.ds(_L, _L)]

        def row_body(bb, carry2):
            acc0, acc1 = bias0, bias1
            drow = dv[bb // 8, pl.ds((bb % 8) * 16, _L)]
            for kk in range(_DN):
                s = drow[kk]
                acc0 = acc0 + s * wt_v[kk, pl.ds(0, _L)]
                acc1 = acc1 + s * wt_v[kk, pl.ds(_L, _L)]
            hitbuf[bb, pl.ds(0, _L)] = acc0
            hitbuf[bb, pl.ds(_L, _L)] = acc1
            return carry2

        lax.fori_loop(0, _BPW, row_body, 0)
        for j in range(8):
            hrow2d[j, :] = (base + j * _L + iota) * _OF + _F
        for j in range(8):
            pltpu.async_copy(hitbuf.at[pl.ds(j * _L, _L), :],
                             out.at[hrow2d.at[j]], wsem)
        for _ in range(8):
            drain_piece()

    return sc_embed


_sc_call = _make_sc_call()


def kernel(sparse_indices, dense_features, tables, W, b):
    tbl_t = tables.transpose(0, 2, 1)
    tbl2d = tbl_t.reshape(_F * _D, _V)
    tail3 = tbl_t[:, :, _TAILLO + _TMAIN:]
    idxf = sparse_indices.T.reshape(-1).astype(jnp.int32)
    dns = jnp.pad(dense_features, ((0, 0), (0, 3))).reshape(_B // 8, 128)
    out = _sc_call(tbl2d, tail3, idxf, dns, W.T, b)
    return out[:, :_D].reshape(_B, _OF * _D)

# --- scband reference (transcript-rebuilt; emitter-appended) ---
"""Pipeline reference for scband-embedding-layer-16776142258865 (READ-ONLY COPY).

The authoritative reference and input builder live on the scoring server;
editing this copy changes nothing except your own understanding.
"""

import jax, jax.numpy as jnp
import numpy as np

NUM_FIELDS = 26
VOCAB = 100000
EMBED_DIM = 32
BATCH = 4096
DENSE_NUM = 13


def setup_inputs(seed: int = 0) -> dict:
    key = jax.random.key(seed)
    k1, k2, k3, k4 = jax.random.split(key, 4)
    sparse_indices = jax.random.randint(k1, (BATCH, NUM_FIELDS), 0, VOCAB, dtype=jnp.int32)
    dense_features = jax.random.normal(k2, (BATCH, DENSE_NUM), dtype=jnp.float32)
    # Stacked embedding tables for all 26 sparse fields: [F, V, D], init N(0, 0.01)
    tables = jax.random.normal(k3, (NUM_FIELDS, VOCAB, EMBED_DIM), dtype=jnp.float32) * 0.01
    # Dense transform: xavier-uniform weight [D, dense_num], zero bias [D]
    bound = float(np.sqrt(6.0 / (DENSE_NUM + EMBED_DIM)))
    W = jax.random.uniform(k4, (EMBED_DIM, DENSE_NUM), minval=-bound, maxval=bound, dtype=jnp.float32)
    b = jnp.zeros((EMBED_DIM,), dtype=jnp.float32)
    return {"sparse_indices": sparse_indices, "dense_features": dense_features,
            "tables": tables, "W": W, "b": b}


def reference(sparse_indices, dense_features, tables, W, b):
    # Per-field embedding lookup: tables[f, idx[b, f]] -> [B, F, D]
    field_ids = jnp.arange(NUM_FIELDS)[None, :]
    embs = tables[field_ids, sparse_indices]
    sparse_out = embs.reshape(embs.shape[0], NUM_FIELDS * EMBED_DIM)
    # Dense transform (nn.Linear): x @ W.T + b -> [B, D]
    dense_emb = dense_features @ W.T + b
    # Concatenate along last dim -> [B, F*D + D]
    return jnp.concatenate([sparse_out, dense_emb], axis=-1)

if __name__ == "__main__":
    import jax
    _d = setup_inputs()
    print(jax.jit(kernel)(*tuple(_d.values())))

</pallas_src>

<mosaic_0001>
#map = affine_map<(d0, d1) -> (0, 0)>
#map1 = affine_map<(d0, d1) -> (0, 0, 0)>
#map2 = affine_map<(d0, d1) -> (0)>
module attributes {stable_mosaic.version = 14 : i64} {
  func.func @sc_embed(%arg0: i32, %arg1: i32, %arg2: memref<832x100000xf32, #tpu.memory_space<hbm>>, %arg3: memref<26x32x32xf32, #tpu.memory_space<hbm>>, %arg4: memref<106496xi32, #tpu.memory_space<hbm>>, %arg5: memref<512x128xf32, #tpu.memory_space<hbm>>, %arg6: memref<13x32xf32, #tpu.memory_space<hbm>>, %arg7: memref<32xf32, #tpu.memory_space<hbm>>, %arg8: memref<110592x128xf32, #tpu.memory_space<hbm>>, %arg9: memref<2x8x4096xf32, #tpu.memory_space<vmem>>, %arg10: memref<32x32xf32, #tpu.memory_space<vmem>>, %arg11: memref<4096xi32, #tpu.memory_space<vmem>>, %arg12: memref<256x128xf32, #tpu.memory_space<vmem>>, %arg13: memref<256xi32, #tpu.memory_space<vmem>>, %arg14: memref<256xi32, #tpu.memory_space<vmem>>, %arg15: memref<16x16xi32, #tpu.memory_space<vmem>>, %arg16: memref<16x128xf32, #tpu.memory_space<vmem>>, %arg17: memref<13x32xf32, #tpu.memory_space<vmem>>, %arg18: memref<32xf32, #tpu.memory_space<vmem>>, %arg19: memref<4xi32, #tpu.memory_space<smem>>, %arg20: memref<!tpu.dma_semaphore, #tpu.memory_space<semaphore_mem>>, %arg21: memref<!tpu.dma_semaphore, #tpu.memory_space<semaphore_mem>>) attributes {dimension_semantics = [#tpu.dimension_semantics<core_parallel>, #tpu.dimension_semantics<subcore_parallel>], iteration_bounds = array<i64: 2, 16>, scalar_prefetch = 0 : i64, scratch_operands = 13 : i64, tpu.core_type = #tpu.core_type<sc_vector_subcore>, window_params = [{transform_indices = #map}, {transform_indices = #map1}, {transform_indices = #map2}, {transform_indices = #map}, {transform_indices = #map}, {transform_indices = #map2}, {transform_indices = #map}]} {
    %mul3A = arith.constant 2 : i32
    %mul3A_0 = arith.muli %arg1, %mul3A : i32
    %add3A = arith.addi %mul3A_0, %arg0 : i32
    %iota3A = tpu.iota {dimensions = array<i32: 0>} : vector<16xi32>
    %swap3A = arith.constant 0 : i32
    %swap3A_1 = arith.constant 0 : i32
    %swap3A_2 = arith.index_cast %swap3A_1 : i32 to index
    %swap3A_3 = memref.load %arg19[%swap3A_2] : memref<4xi32, #tpu.memory_space<smem>>
    memref.store %swap3A, %arg19[%swap3A_2] : memref<4xi32, #tpu.memory_space<smem>>
    %swap3A_4 = arith.constant 0 : i32
    %swap3A_5 = arith.constant 1 : i32
    %swap3A_6 = arith.index_cast %swap3A_5 : i32 to index
    %swap3A_7 = memref.load %arg19[%swap3A_6] : memref<4xi32, #tpu.memory_space<smem>>
    memref.store %swap3A_4, %arg19[%swap3A_6] : memref<4xi32, #tpu.memory_space<smem>>
    %min3A = arith.constant 649 : i32
    %min3A_8 = arith.minsi %add3A, %min3A : i32
    %jit3A = arith.constant 25 : i32
    %div3A = arith.divsi %min3A_8, %jit3A : i32
    %sign3A = arith.constant 0 : i32
    %sign3A_9 = arith.cmpi sgt, %min3A_8, %sign3A : i32
    %sign3A_10 = arith.extui %sign3A_9 : i1 to i32
    %sign3A_11 = arith.constant 0 : i32
    %sign3A_12 = arith.cmpi slt, %min3A_8, %sign3A_11 : i32
    %sign3A_13 = arith.extui %sign3A_12 : i1 to i32
    %sign3A_14 = arith.subi %sign3A_10, %sign3A_13 : i32
    %sign3A_15 = arith.constant 0 : i32
    %sign3A_16 = arith.cmpi sgt, %jit3A, %sign3A_15 : i32
    %sign3A_17 = arith.extui %sign3A_16 : i1 to i32
    %sign3A_18 = arith.constant 0 : i32
    %sign3A_19 = arith.cmpi slt, %jit3A, %sign3A_18 : i32
    %sign3A_20 = arith.extui %sign3A_19 : i1 to i32
    %sign3A_21 = arith.subi %sign3A_17, %sign3A_20 : i32
    %ne3A = arith.cmpi ne, %sign3A_14, %sign3A_21 : i32
    %rem3A = arith.remsi %min3A_8, %jit3A : i32
    %ne3A_22 = arith.constant 0 : i32
    %ne3A_23 = arith.cmpi ne, %rem3A, %ne3A_22 : i32
    %and3A = arith.andi %ne3A, %ne3A_23 : i1
    %sub3A = arith.constant 1 : i32
    %sub3A_24 = arith.subi %div3A, %sub3A : i32
    %select_n3A = arith.select %and3A, %sub3A_24, %div3A : i32
    %jit3A_25 = arith.constant 25 : i32
    %eq3A = arith.constant 0 : i32
    %eq3A_26 = arith.cmpi eq, %jit3A_25, %eq3A : i32
    %jit3A_27 = arith.constant 1 : i32
    %select_n3A_28 = arith.select %eq3A_26, %jit3A_27, %jit3A_25 : i32
    %rem3A_29 = arith.remsi %min3A_8, %select_n3A_28 : i32
    %ne3A_30 = arith.constant 0 : i32
    %ne3A_31 = arith.cmpi ne, %rem3A_29, %ne3A_30 : i32
    %lt3A = arith.constant 0 : i32
    %lt3A_32 = arith.cmpi slt, %rem3A_29, %lt3A : i32
    %lt3A_33 = arith.constant 0 : i32
    %lt3A_34 = arith.cmpi slt, %select_n3A_28, %lt3A_33 : i32
    %ne3A_35 = arith.xori %lt3A_32, %lt3A_34 : i1
    %and3A_36 = arith.andi %ne3A_35, %ne3A_31 : i1
    %add3A_37 = arith.addi %rem3A_29, %select_n3A_28 : i32
    %select_n3A_38 = arith.select %and3A_36, %add3A_37, %rem3A_29 : i32
    %lt3A_39 = arith.constant 24 : i32
    %lt3A_40 = arith.cmpi slt, %select_n3A_38, %lt3A_39 : i32
    %convert_element_type3A = arith.extui %lt3A_40 : i1 to i32
    %cond3A = arith.constant 0 : i32
    %cond3A_41 = arith.cmpi ne, %convert_element_type3A, %cond3A : i32
    scf.if %cond3A_41 {
      %mul3A_347 = arith.constant 32 : i32
      %mul3A_348 = arith.muli %select_n3A, %mul3A_347 : i32
      %add3A_349 = arith.constant 0 : i32
      %add3A_350 = arith.addi %mul3A_348, %add3A_349 : i32
      %mul3A_351 = arith.constant 4096 : i32
      %mul3A_352 = arith.muli %mul3A_351, %select_n3A_38 : i32
      %dma_start3A_353 = arith.constant 0 : i32
      %dma_start3A_354 = arith.constant 0 : i32
      %dma_start3A_355 = arith.constant 0 : i32
      %dma_start3A_356 = tpu.memref_slice %arg9[%dma_start3A_353, %dma_start3A_354, %dma_start3A_355] : memref<2x8x4096xf32, #tpu.memory_space<vmem>> -> memref<1x8x4096xf32, #tpu.memory_space<vmem>>
      %dma_start3A_357 = tpu.memref_squeeze %dma_start3A_356 : memref<1x8x4096xf32, #tpu.memory_space<vmem>> -> memref<8x4096xf32, #tpu.memory_space<vmem>>
      %dma_start3A_358 = tpu.memref_slice %arg2[%add3A_350, %mul3A_352] : memref<832x100000xf32, #tpu.memory_space<hbm>> -> memref<8x4096xf32, #tpu.memory_space<hbm>>
      %dma_start3A_359 = arith.constant 0 : i32
      %dma_start3A_360 = arith.constant 0 : i32
      %dma_start3A_361 = tpu.memref_slice %arg9[%dma_start3A_353, %dma_start3A_359, %dma_start3A_360] : memref<2x8x4096xf32, #tpu.memory_space<vmem>> -> memref<1x8x4096xf32, #tpu.memory_space<vmem>>
      %dma_start3A_362 = tpu.memref_squeeze %dma_start3A_361 : memref<1x8x4096xf32, #tpu.memory_space<vmem>> -> memref<8x4096xf32, #tpu.memory_space<vmem>>
      %dma_start3A_363 = tpu.memref_slice %arg2[%add3A_350, %mul3A_352] : memref<832x100000xf32, #tpu.memory_space<hbm>> -> memref<8x4096xf32, #tpu.memory_space<hbm>>
      tpu.enqueue_dma source(%dma_start3A_363 : memref<8x4096xf32, #tpu.memory_space<hbm>>) target(%dma_start3A_362 : memref<8x4096xf32, #tpu.memory_space<vmem>>) target_semaphore(%arg20 : memref<!tpu.dma_semaphore, #tpu.memory_space<semaphore_mem>>)
    } else {
    }
    %eq3A_42 = arith.constant 24 : i32
    %eq3A_43 = arith.cmpi eq, %select_n3A_38, %eq3A_42 : i32
    %convert_element_type3A_44 = arith.extui %eq3A_43 : i1 to i32
    %cond3A_45 = arith.constant 0 : i32
    %cond3A_46 = arith.cmpi ne, %convert_element_type3A_44, %cond3A_45 : i32
    scf.if %cond3A_46 {
      %mul3A_347 = arith.constant 32 : i32
      %mul3A_348 = arith.muli %select_n3A, %mul3A_347 : i32
      %add3A_349 = arith.constant 0 : i32
      %add3A_350 = arith.addi %mul3A_348, %add3A_349 : i32
      %dma_start3A_351 = arith.constant 0 : i32
      %dma_start3A_352 = arith.constant 0 : i32
      %dma_start3A_353 = arith.constant 0 : i32
      %dma_start3A_354 = tpu.memref_slice %arg9[%dma_start3A_351, %dma_start3A_352, %dma_start3A_353] : memref<2x8x4096xf32, #tpu.memory_space<vmem>> -> memref<1x8x1664xf32, #tpu.memory_space<vmem>>
      %dma_start3A_355 = tpu.memref_squeeze %dma_start3A_354 : memref<1x8x1664xf32, #tpu.memory_space<vmem>> -> memref<8x1664xf32, #tpu.memory_space<vmem>>
      %dma_start3A_356 = arith.constant 98304 : i32
      %dma_start3A_357 = tpu.memref_slice %arg2[%add3A_350, %dma_start3A_356] : memref<832x100000xf32, #tpu.memory_space<hbm>> -> memref<8x1664xf32, #tpu.memory_space<hbm>>
      %dma_start3A_358 = arith.constant 0 : i32
      %dma_start3A_359 = arith.constant 0 : i32
      %dma_start3A_360 = tpu.memref_slice %arg9[%dma_start3A_351, %dma_start3A_358, %dma_start3A_359] : memref<2x8x4096xf32, #tpu.memory_space<vmem>> -> memref<1x8x1664xf32, #tpu.memory_space<vmem>>
      %dma_start3A_361 = tpu.memref_squeeze %dma_start3A_360 : memref<1x8x1664xf32, #tpu.memory_space<vmem>> -> memref<8x1664xf32, #tpu.memory_space<vmem>>
      %dma_start3A_362 = arith.constant 98304 : i32
      %dma_start3A_363 = tpu.memref_slice %arg2[%add3A_350, %dma_start3A_362] : memref<832x100000xf32, #tpu.memory_space<hbm>> -> memref<8x1664xf32, #tpu.memory_space<hbm>>
      tpu.enqueue_dma source(%dma_start3A_363 : memref<8x1664xf32, #tpu.memory_space<hbm>>) target(%dma_start3A_361 : memref<8x1664xf32, #tpu.memory_space<vmem>>) target_semaphore(%arg20 : memref<!tpu.dma_semaphore, #tpu.memory_space<semaphore_mem>>)
    } else {
    }
    %scan3A = arith.constant 0 : i32
    %scan3A_47 = arith.constant 0 : i32
    %scan3A_48 = arith.constant 84 : i32
    %scan3A_49 = arith.addi %scan3A_47, %scan3A_48 : i32
    %scan3A_50 = arith.constant 1 : i32
    scf.for %scan3A_347 = %scan3A_47 to %scan3A_49 step %scan3A_50  : i32 {
      %jit3A_348 = arith.constant 4 : i32
      %div3A_349 = arith.divsi %scan3A_347, %jit3A_348 : i32
      %sign3A_350 = arith.constant 0 : i32
      %sign3A_351 = arith.cmpi sgt, %scan3A_347, %sign3A_350 : i32
      %sign3A_352 = arith.extui %sign3A_351 : i1 to i32
      %sign3A_353 = arith.constant 0 : i32
      %sign3A_354 = arith.cmpi slt, %scan3A_347, %sign3A_353 : i32
      %sign3A_355 = arith.extui %sign3A_354 : i1 to i32
      %sign3A_356 = arith.subi %sign3A_352, %sign3A_355 : i32
      %sign3A_357 = arith.constant 0 : i32
      %sign3A_358 = arith.cmpi sgt, %jit3A_348, %sign3A_357 : i32
      %sign3A_359 = arith.extui %sign3A_358 : i1 to i32
      %sign3A_360 = arith.constant 0 : i32
      %sign3A_361 = arith.cmpi slt, %jit3A_348, %sign3A_360 : i32
      %sign3A_362 = arith.extui %sign3A_361 : i1 to i32
      %sign3A_363 = arith.subi %sign3A_359, %sign3A_362 : i32
      %ne3A_364 = arith.cmpi ne, %sign3A_356, %sign3A_363 : i32
      %rem3A_365 = arith.remsi %scan3A_347, %jit3A_348 : i32
      %ne3A_366 = arith.constant 0 : i32
      %ne3A_367 = arith.cmpi ne, %rem3A_365, %ne3A_366 : i32
      %and3A_368 = arith.andi %ne3A_364, %ne3A_367 : i1
      %sub3A_369 = arith.constant 1 : i32
      %sub3A_370 = arith.subi %div3A_349, %sub3A_369 : i32
      %select_n3A_371 = arith.select %and3A_368, %sub3A_370, %div3A_349 : i32
      %mul3A_372 = arith.constant 32 : i32
      %mul3A_373 = arith.muli %mul3A_372, %select_n3A_371 : i32
      %add3A_374 = arith.addi %add3A, %mul3A_373 : i32
      %min3A_375 = arith.constant 649 : i32
      %min3A_376 = arith.minsi %add3A_374, %min3A_375 : i32
      %jit3A_377 = arith.constant 4 : i32
      %eq3A_378 = arith.constant 0 : i32
      %eq3A_379 = arith.cmpi eq, %jit3A_377, %eq3A_378 : i32
      %jit3A_380 = arith.constant 1 : i32
      %select_n3A_381 = arith.select %eq3A_379, %jit3A_380, %jit3A_377 : i32
      %rem3A_382 = arith.remsi %scan3A_347, %select_n3A_381 : i32
      %ne3A_383 = arith.constant 0 : i32
      %ne3A_384 = arith.cmpi ne, %rem3A_382, %ne3A_383 : i32
      %lt3A_385 = arith.constant 0 : i32
      %lt3A_386 = arith.cmpi slt, %rem3A_382, %lt3A_385 : i32
      %lt3A_387 = arith.constant 0 : i32
      %lt3A_388 = arith.cmpi slt, %select_n3A_381, %lt3A_387 : i32
      %ne3A_389 = arith.xori %lt3A_386, %lt3A_388 : i1
      %and3A_390 = arith.andi %ne3A_389, %ne3A_384 : i1
      %add3A_391 = arith.addi %rem3A_382, %select_n3A_381 : i32
      %select_n3A_392 = arith.select %and3A_390, %add3A_391, %rem3A_382 : i32
      %jit3A_393 = arith.constant 4 : i32
      %div3A_394 = arith.divsi %scan3A_347, %jit3A_393 : i32
      %sign3A_395 = arith.constant 0 : i32
      %sign3A_396 = arith.cmpi sgt, %scan3A_347, %sign3A_395 : i32
      %sign3A_397 = arith.extui %sign3A_396 : i1 to i32
      %sign3A_398 = arith.constant 0 : i32
      %sign3A_399 = arith.cmpi slt, %scan3A_347, %sign3A_398 : i32
      %sign3A_400 = arith.extui %sign3A_399 : i1 to i32
      %sign3A_401 = arith.subi %sign3A_397, %sign3A_400 : i32
      %sign3A_402 = arith.constant 0 : i32
      %sign3A_403 = arith.cmpi sgt, %jit3A_393, %sign3A_402 : i32
      %sign3A_404 = arith.extui %sign3A_403 : i1 to i32
      %sign3A_405 = arith.constant 0 : i32
      %sign3A_406 = arith.cmpi slt, %jit3A_393, %sign3A_405 : i32
      %sign3A_407 = arith.extui %sign3A_406 : i1 to i32
      %sign3A_408 = arith.subi %sign3A_404, %sign3A_407 : i32
      %ne3A_409 = arith.cmpi ne, %sign3A_401, %sign3A_408 : i32
      %rem3A_410 = arith.remsi %scan3A_347, %jit3A_393 : i32
      %ne3A_411 = arith.constant 0 : i32
      %ne3A_412 = arith.cmpi ne, %rem3A_410, %ne3A_411 : i32
      %and3A_413 = arith.andi %ne3A_409, %ne3A_412 : i1
      %sub3A_414 = arith.constant 1 : i32
      %sub3A_415 = arith.subi %div3A_394, %sub3A_414 : i32
      %select_n3A_416 = arith.select %and3A_413, %sub3A_415, %div3A_394 : i32
      %mul3A_417 = arith.constant 32 : i32
      %mul3A_418 = arith.muli %mul3A_417, %select_n3A_416 : i32
      %add3A_419 = arith.addi %add3A, %mul3A_418 : i32
      %lt3A_420 = arith.constant 650 : i32
      %lt3A_421 = arith.cmpi slt, %add3A_419, %lt3A_420 : i32
      %jit3A_422 = arith.constant 25 : i32
      %div3A_423 = arith.divsi %min3A_376, %jit3A_422 : i32
      %sign3A_424 = arith.constant 0 : i32
      %sign3A_425 = arith.cmpi sgt, %min3A_376, %sign3A_424 : i32
      %sign3A_426 = arith.extui %sign3A_425 : i1 to i32
      %sign3A_427 = arith.constant 0 : i32
      %sign3A_428 = arith.cmpi slt, %min3A_376, %sign3A_427 : i32
      %sign3A_429 = arith.extui %sign3A_428 : i1 to i32
      %sign3A_430 = arith.subi %sign3A_426, %sign3A_429 : i32
      %sign3A_431 = arith.constant 0 : i32
      %sign3A_432 = arith.cmpi sgt, %jit3A_422, %sign3A_431 : i32
      %sign3A_433 = arith.extui %sign3A_432 : i1 to i32
      %sign3A_434 = arith.constant 0 : i32
      %sign3A_435 = arith.cmpi slt, %jit3A_422, %sign3A_434 : i32
      %sign3A_436 = arith.extui %sign3A_435 : i1 to i32
      %sign3A_437 = arith.subi %sign3A_433, %sign3A_436 : i32
      %ne3A_438 = arith.cmpi ne, %sign3A_430, %sign3A_437 : i32
      %rem3A_439 = arith.remsi %min3A_376, %jit3A_422 : i32
      %ne3A_440 = arith.constant 0 : i32
      %ne3A_441 = arith.cmpi ne, %rem3A_439, %ne3A_440 : i32
      %and3A_442 = arith.andi %ne3A_438, %ne3A_441 : i1
      %sub3A_443 = arith.constant 1 : i32
      %sub3A_444 = arith.subi %div3A_423, %sub3A_443 : i32
      %select_n3A_445 = arith.select %and3A_442, %sub3A_444, %div3A_423 : i32
      %jit3A_446 = arith.constant 25 : i32
      %eq3A_447 = arith.constant 0 : i32
      %eq3A_448 = arith.cmpi eq, %jit3A_446, %eq3A_447 : i32
      %jit3A_449 = arith.constant 1 : i32
      %select_n3A_450 = arith.select %eq3A_448, %jit3A_449, %jit3A_446 : i32
      %rem3A_451 = arith.remsi %min3A_376, %select_n3A_450 : i32
      %ne3A_452 = arith.constant 0 : i32
      %ne3A_453 = arith.cmpi ne, %rem3A_451, %ne3A_452 : i32
      %lt3A_454 = arith.constant 0 : i32
      %lt3A_455 = arith.cmpi slt, %rem3A_451, %lt3A_454 : i32
      %lt3A_456 = arith.constant 0 : i32
      %lt3A_457 = arith.cmpi slt, %select_n3A_450, %lt3A_456 : i32
      %ne3A_458 = arith.xori %lt3A_455, %lt3A_457 : i1
      %and3A_459 = arith.andi %ne3A_458, %ne3A_453 : i1
      %add3A_460 = arith.addi %rem3A_451, %select_n3A_450 : i32
      %select_n3A_461 = arith.select %and3A_459, %add3A_460, %rem3A_451 : i32
      %mul3A_462 = arith.constant 4096 : i32
      %mul3A_463 = arith.muli %mul3A_462, %select_n3A_461 : i32
      %add3A_464 = arith.constant 4096 : i32
      %add3A_465 = arith.addi %mul3A_463, %add3A_464 : i32
      %min3A_466 = arith.constant 100000 : i32
      %min3A_467 = arith.minsi %add3A_465, %min3A_466 : i32
      %lt3A_468 = arith.constant 24 : i32
      %lt3A_469 = arith.cmpi slt, %select_n3A_461, %lt3A_468 : i32
      %jit3A_470 = arith.constant 4096 : i32
      %jit3A_471 = arith.constant 1664 : i32
      %select_n3A_472 = arith.select %lt3A_469, %jit3A_470, %jit3A_471 : i32
      %jit3A_473 = arith.constant 2 : i32
      %eq3A_474 = arith.constant 0 : i32
      %eq3A_475 = arith.cmpi eq, %jit3A_473, %eq3A_474 : i32
      %jit3A_476 = arith.constant 1 : i32
      %select_n3A_477 = arith.select %eq3A_475, %jit3A_476, %jit3A_473 : i32
      %rem3A_478 = arith.remsi %scan3A_347, %select_n3A_477 : i32
      %ne3A_479 = arith.constant 0 : i32
      %ne3A_480 = arith.cmpi ne, %rem3A_478, %ne3A_479 : i32
      %lt3A_481 = arith.constant 0 : i32
      %lt3A_482 = arith.cmpi slt, %rem3A_478, %lt3A_481 : i32
      %lt3A_483 = arith.constant 0 : i32
      %lt3A_484 = arith.cmpi slt, %select_n3A_477, %lt3A_483 : i32
      %ne3A_485 = arith.xori %lt3A_482, %lt3A_484 : i1
      %and3A_486 = arith.andi %ne3A_485, %ne3A_480 : i1
      %add3A_487 = arith.addi %rem3A_478, %select_n3A_477 : i32
      %select_n3A_488 = arith.select %and3A_486, %add3A_487, %rem3A_478 : i32
      %add3A_489 = arith.constant 1 : i32
      %add3A_490 = arith.addi %scan3A_347, %add3A_489 : i32
      %jit3A_491 = arith.constant 4 : i32
      %div3A_492 = arith.divsi %add3A_490, %jit3A_491 : i32
      %sign3A_493 = arith.constant 0 : i32
      %sign3A_494 = arith.cmpi sgt, %add3A_490, %sign3A_493 : i32
      %sign3A_495 = arith.extui %sign3A_494 : i1 to i32
      %sign3A_496 = arith.constant 0 : i32
      %sign3A_497 = arith.cmpi slt, %add3A_490, %sign3A_496 : i32
      %sign3A_498 = arith.extui %sign3A_497 : i1 to i32
      %sign3A_499 = arith.subi %sign3A_495, %sign3A_498 : i32
      %sign3A_500 = arith.constant 0 : i32
      %sign3A_501 = arith.cmpi sgt, %jit3A_491, %sign3A_500 : i32
      %sign3A_502 = arith.extui %sign3A_501 : i1 to i32
      %sign3A_503 = arith.constant 0 : i32
      %sign3A_504 = arith.cmpi slt, %jit3A_491, %sign3A_503 : i32
      %sign3A_505 = arith.extui %sign3A_504 : i1 to i32
      %sign3A_506 = arith.subi %sign3A_502, %sign3A_505 : i32
      %ne3A_507 = arith.cmpi ne, %sign3A_499, %sign3A_506 : i32
      %rem3A_508 = arith.remsi %add3A_490, %jit3A_491 : i32
      %ne3A_509 = arith.constant 0 : i32
      %ne3A_510 = arith.cmpi ne, %rem3A_508, %ne3A_509 : i32
      %and3A_511 = arith.andi %ne3A_507, %ne3A_510 : i1
      %sub3A_512 = arith.constant 1 : i32
      %sub3A_513 = arith.subi %div3A_492, %sub3A_512 : i32
      %select_n3A_514 = arith.select %and3A_511, %sub3A_513, %div3A_492 : i32
      %mul3A_515 = arith.constant 32 : i32
      %mul3A_516 = arith.muli %mul3A_515, %select_n3A_514 : i32
      %add3A_517 = arith.addi %add3A, %mul3A_516 : i32
      %min3A_518 = arith.constant 649 : i32
      %min3A_519 = arith.minsi %add3A_517, %min3A_518 : i32
      %lt3A_520 = arith.constant 84 : i32
      %lt3A_521 = arith.cmpi slt, %add3A_490, %lt3A_520 : i32
      %convert_element_type3A_522 = arith.extui %lt3A_521 : i1 to i32
      %cond3A_523 = arith.constant 0 : i32
      %cond3A_524 = arith.cmpi ne, %convert_element_type3A_522, %cond3A_523 : i32
      scf.if %cond3A_524 {
        %jit3A_584 = arith.constant 25 : i32
        %div3A_585 = arith.divsi %min3A_519, %jit3A_584 : i32
        %sign3A_586 = arith.constant 0 : i32
        %sign3A_587 = arith.cmpi sgt, %min3A_519, %sign3A_586 : i32
        %sign3A_588 = arith.extui %sign3A_587 : i1 to i32
        %sign3A_589 = arith.constant 0 : i32
        %sign3A_590 = arith.cmpi slt, %min3A_519, %sign3A_589 : i32
        %sign3A_591 = arith.extui %sign3A_590 : i1 to i32
        %sign3A_592 = arith.subi %sign3A_588, %sign3A_591 : i32
        %sign3A_593 = arith.constant 0 : i32
        %sign3A_594 = arith.cmpi sgt, %jit3A_584, %sign3A_593 : i32
        %sign3A_595 = arith.extui %sign3A_594 : i1 to i32
        %sign3A_596 = arith.constant 0 : i32
        %sign3A_597 = arith.cmpi slt, %jit3A_584, %sign3A_596 : i32
        %sign3A_598 = arith.extui %sign3A_597 : i1 to i32
        %sign3A_599 = arith.subi %sign3A_595, %sign3A_598 : i32
        %ne3A_600 = arith.cmpi ne, %sign3A_592, %sign3A_599 : i32
        %rem3A_601 = arith.remsi %min3A_519, %jit3A_584 : i32
        %ne3A_602 = arith.constant 0 : i32
        %ne3A_603 = arith.cmpi ne, %rem3A_601, %ne3A_602 : i32
        %and3A_604 = arith.andi %ne3A_600, %ne3A_603 : i1
        %sub3A_605 = arith.constant 1 : i32
        %sub3A_606 = arith.subi %div3A_585, %sub3A_605 : i32
        %select_n3A_607 = arith.select %and3A_604, %sub3A_606, %div3A_585 : i32
        %jit3A_608 = arith.constant 25 : i32
        %eq3A_609 = arith.constant 0 : i32
        %eq3A_610 = arith.cmpi eq, %jit3A_608, %eq3A_609 : i32
        %jit3A_611 = arith.constant 1 : i32
        %select_n3A_612 = arith.select %eq3A_610, %jit3A_611, %jit3A_608 : i32
        %rem3A_613 = arith.remsi %min3A_519, %select_n3A_612 : i32
        %ne3A_614 = arith.constant 0 : i32
        %ne3A_615 = arith.cmpi ne, %rem3A_613, %ne3A_614 : i32
        %lt3A_616 = arith.constant 0 : i32
        %lt3A_617 = arith.cmpi slt, %rem3A_613, %lt3A_616 : i32
        %lt3A_618 = arith.constant 0 : i32
        %lt3A_619 = arith.cmpi slt, %select_n3A_612, %lt3A_618 : i32
        %ne3A_620 = arith.xori %lt3A_617, %lt3A_619 : i1
        %and3A_621 = arith.andi %ne3A_620, %ne3A_615 : i1
        %add3A_622 = arith.addi %rem3A_613, %select_n3A_612 : i32
        %select_n3A_623 = arith.select %and3A_621, %add3A_622, %rem3A_613 : i32
        %jit3A_624 = arith.constant 4 : i32
        %eq3A_625 = arith.constant 0 : i32
        %eq3A_626 = arith.cmpi eq, %jit3A_624, %eq3A_625 : i32
        %jit3A_627 = arith.constant 1 : i32
        %select_n3A_628 = arith.select %eq3A_626, %jit3A_627, %jit3A_624 : i32
        %rem3A_629 = arith.remsi %add3A_490, %select_n3A_628 : i32
        %ne3A_630 = arith.constant 0 : i32
        %ne3A_631 = arith.cmpi ne, %rem3A_629, %ne3A_630 : i32
        %lt3A_632 = arith.constant 0 : i32
        %lt3A_633 = arith.cmpi slt, %rem3A_629, %lt3A_632 : i32
        %lt3A_634 = arith.constant 0 : i32
        %lt3A_635 = arith.cmpi slt, %select_n3A_628, %lt3A_634 : i32
        %ne3A_636 = arith.xori %lt3A_633, %lt3A_635 : i1
        %and3A_637 = arith.andi %ne3A_636, %ne3A_631 : i1
        %add3A_638 = arith.addi %rem3A_629, %select_n3A_628 : i32
        %select_n3A_639 = arith.select %and3A_637, %add3A_638, %rem3A_629 : i32
        %jit3A_640 = arith.constant 2 : i32
        %eq3A_641 = arith.constant 0 : i32
        %eq3A_642 = arith.cmpi eq, %jit3A_640, %eq3A_641 : i32
        %jit3A_643 = arith.constant 1 : i32
        %select_n3A_644 = arith.select %eq3A_642, %jit3A_643, %jit3A_640 : i32
        %rem3A_645 = arith.remsi %add3A_490, %select_n3A_644 : i32
        %ne3A_646 = arith.constant 0 : i32
        %ne3A_647 = arith.cmpi ne, %rem3A_645, %ne3A_646 : i32
        %lt3A_648 = arith.constant 0 : i32
        %lt3A_649 = arith.cmpi slt, %rem3A_645, %lt3A_648 : i32
        %lt3A_650 = arith.constant 0 : i32
        %lt3A_651 = arith.cmpi slt, %select_n3A_644, %lt3A_650 : i32
        %ne3A_652 = arith.xori %lt3A_649, %lt3A_651 : i1
        %and3A_653 = arith.andi %ne3A_652, %ne3A_647 : i1
        %add3A_654 = arith.addi %rem3A_645, %select_n3A_644 : i32
        %select_n3A_655 = arith.select %and3A_653, %add3A_654, %rem3A_645 : i32
        %lt3A_656 = arith.constant 24 : i32
        %lt3A_657 = arith.cmpi slt, %select_n3A_623, %lt3A_656 : i32
        %convert_element_type3A_658 = arith.extui %lt3A_657 : i1 to i32
        %cond3A_659 = arith.constant 0 : i32
        %cond3A_660 = arith.cmpi ne, %convert_element_type3A_658, %cond3A_659 : i32
        scf.if %cond3A_660 {
          %mul3A_666 = arith.constant 32 : i32
          %mul3A_667 = arith.muli %select_n3A_607, %mul3A_666 : i32
          %mul3A_668 = arith.constant 8 : i32
          %mul3A_669 = arith.muli %mul3A_668, %select_n3A_639 : i32
          %add3A_670 = arith.addi %mul3A_667, %mul3A_669 : i32
          %mul3A_671 = arith.constant 4096 : i32
          %mul3A_672 = arith.muli %mul3A_671, %select_n3A_623 : i32
          %dma_start3A_673 = arith.constant 0 : i32
          %dma_start3A_674 = arith.constant 0 : i32
          %dma_start3A_675 = tpu.memref_slice %arg9[%select_n3A_655, %dma_start3A_673, %dma_start3A_674] : memref<2x8x4096xf32, #tpu.memory_space<vmem>> -> memref<1x8x4096xf32, #tpu.memory_space<vmem>>
          %dma_start3A_676 = tpu.memref_squeeze %dma_start3A_675 : memref<1x8x4096xf32, #tpu.memory_space<vmem>> -> memref<8x4096xf32, #tpu.memory_space<vmem>>
          %dma_start3A_677 = tpu.memref_slice %arg2[%add3A_670, %mul3A_672] : memref<832x100000xf32, #tpu.memory_space<hbm>> -> memref<8x4096xf32, #tpu.memory_space<hbm>>
          %dma_start3A_678 = arith.constant 0 : i32
          %dma_start3A_679 = arith.constant 0 : i32
          %dma_start3A_680 = tpu.memref_slice %arg9[%select_n3A_655, %dma_start3A_678, %dma_start3A_679] : memref<2x8x4096xf32, #tpu.memory_space<vmem>> -> memref<1x8x4096xf32, #tpu.memory_space<vmem>>
          %dma_start3A_681 = tpu.memref_squeeze %dma_start3A_680 : memref<1x8x4096xf32, #tpu.memory_space<vmem>> -> memref<8x4096xf32, #tpu.memory_space<vmem>>
          %dma_start3A_682 = tpu.memref_slice %arg2[%add3A_670, %mul3A_672] : memref<832x100000xf32, #tpu.memory_space<hbm>> -> memref<8x4096xf32, #tpu.memory_space<hbm>>
          tpu.enqueue_dma source(%dma_start3A_682 : memref<8x4096xf32, #tpu.memory_space<hbm>>) target(%dma_start3A_681 : memref<8x4096xf32, #tpu.memory_space<vmem>>) target_semaphore(%arg20 : memref<!tpu.dma_semaphore, #tpu.memory_space<semaphore_mem>>)
        } else {
        }
        %eq3A_661 = arith.constant 24 : i32
        %eq3A_662 = arith.cmpi eq, %select_n3A_623, %eq3A_661 : i32
        %convert_element_type3A_663 = arith.extui %eq3A_662 : i1 to i32
        %cond3A_664 = arith.constant 0 : i32
        %cond3A_665 = arith.cmpi ne, %convert_element_type3A_663, %cond3A_664 : i32
        scf.if %cond3A_665 {
          %mul3A_666 = arith.constant 32 : i32
          %mul3A_667 = arith.muli %select_n3A_607, %mul3A_666 : i32
          %mul3A_668 = arith.constant 8 : i32
          %mul3A_669 = arith.muli %mul3A_668, %select_n3A_639 : i32
          %add3A_670 = arith.addi %mul3A_667, %mul3A_669 : i32
          %dma_start3A_671 = arith.constant 0 : i32
          %dma_start3A_672 = arith.constant 0 : i32
          %dma_start3A_673 = tpu.memref_slice %arg9[%select_n3A_655, %dma_start3A_671, %dma_start3A_672] : memref<2x8x4096xf32, #tpu.memory_space<vmem>> -> memref<1x8x1664xf32, #tpu.memory_space<vmem>>
          %dma_start3A_674 = tpu.memref_squeeze %dma_start3A_673 : memref<1x8x1664xf32, #tpu.memory_space<vmem>> -> memref<8x1664xf32, #tpu.memory_space<vmem>>
          %dma_start3A_675 = arith.constant 98304 : i32
          %dma_start3A_676 = tpu.memref_slice %arg2[%add3A_670, %dma_start3A_675] : memref<832x100000xf32, #tpu.memory_space<hbm>> -> memref<8x1664xf32, #tpu.memory_space<hbm>>
          %dma_start3A_677 = arith.constant 0 : i32
          %dma_start3A_678 = arith.constant 0 : i32
          %dma_start3A_679 = tpu.memref_slice %arg9[%select_n3A_655, %dma_start3A_677, %dma_start3A_678] : memref<2x8x4096xf32, #tpu.memory_space<vmem>> -> memref<1x8x1664xf32, #tpu.memory_space<vmem>>
          %dma_start3A_680 = tpu.memref_squeeze %dma_start3A_679 : memref<1x8x1664xf32, #tpu.memory_space<vmem>> -> memref<8x1664xf32, #tpu.memory_space<vmem>>
          %dma_start3A_681 = arith.constant 98304 : i32
          %dma_start3A_682 = tpu.memref_slice %arg2[%add3A_670, %dma_start3A_681] : memref<832x100000xf32, #tpu.memory_space<hbm>> -> memref<8x1664xf32, #tpu.memory_space<hbm>>
          tpu.enqueue_dma source(%dma_start3A_682 : memref<8x1664xf32, #tpu.memory_space<hbm>>) target(%dma_start3A_680 : memref<8x1664xf32, #tpu.memory_space<vmem>>) target_semaphore(%arg20 : memref<!tpu.dma_semaphore, #tpu.memory_space<semaphore_mem>>)
        } else {
        }
      } else {
      }
      %eq3A_525 = arith.constant 0 : i32
      %eq3A_526 = arith.cmpi eq, %select_n3A_392, %eq3A_525 : i32
      %convert_element_type3A_527 = arith.extui %eq3A_526 : i1 to i32
      %cond3A_528 = arith.constant 0 : i32
      %cond3A_529 = arith.cmpi ne, %convert_element_type3A_527, %cond3A_528 : i32
      scf.if %cond3A_529 {
        %mul3A_584 = arith.constant 4096 : i32
        %mul3A_585 = arith.muli %select_n3A_445, %mul3A_584 : i32
        "tpu.region"() ({
          %run_scoped3A = tpu.sem_alloc : memref<!tpu.dma_semaphore, #tpu.memory_space<semaphore_mem>>
          %dma_start3A_623 = tpu.memref_slice %arg4[%mul3A_585] : memref<106496xi32, #tpu.memory_space<hbm>> -> memref<4096xi32, #tpu.memory_space<hbm>>
          %dma_start3A_624 = tpu.memref_slice %arg4[%mul3A_585] : memref<106496xi32, #tpu.memory_space<hbm>> -> memref<4096xi32, #tpu.memory_space<hbm>>
          tpu.enqueue_dma source(%dma_start3A_624 : memref<4096xi32, #tpu.memory_space<hbm>>) target(%arg11 : memref<4096xi32, #tpu.memory_space<vmem>>) target_semaphore(%run_scoped3A : memref<!tpu.dma_semaphore, #tpu.memory_space<semaphore_mem>>)
          %dma_wait3A_625 = tpu.memref_slice %arg4[%mul3A_585] : memref<106496xi32, #tpu.memory_space<hbm>> -> memref<4096xi32, #tpu.memory_space<hbm>>
          %dma_wait3A_626 = tpu.memref_slice %arg4[%mul3A_585] : memref<106496xi32, #tpu.memory_space<hbm>> -> memref<4096xi32, #tpu.memory_space<hbm>>
          tpu.wait_dma2 semaphore(%run_scoped3A : memref<!tpu.dma_semaphore, #tpu.memory_space<semaphore_mem>>) src(%dma_wait3A_626 : memref<4096xi32, #tpu.memory_space<hbm>>) dst(%arg11 : memref<4096xi32, #tpu.memory_space<vmem>>)
          tpu.yield
        }) : () -> ()
        %eq3A_586 = arith.constant 24 : i32
        %eq3A_587 = arith.cmpi eq, %select_n3A_461, %eq3A_586 : i32
        %convert_element_type3A_588 = arith.extui %eq3A_587 : i1 to i32
        %cond3A_589 = arith.constant 0 : i32
        %cond3A_590 = arith.cmpi ne, %convert_element_type3A_588, %cond3A_589 : i32
        scf.if %cond3A_590 {
          "tpu.region"() ({
            %run_scoped3A = tpu.sem_alloc : memref<!tpu.dma_semaphore, #tpu.memory_space<semaphore_mem>>
            %dma_start3A_623 = arith.constant 0 : i32
            %dma_start3A_624 = arith.constant 0 : i32
            %dma_start3A_625 = tpu.memref_slice %arg3[%select_n3A_445, %dma_start3A_623, %dma_start3A_624] : memref<26x32x32xf32, #tpu.memory_space<hbm>> -> memref<1x32x32xf32, #tpu.memory_space<hbm>>
            %dma_start3A_626 = tpu.memref_squeeze %dma_start3A_625 : memref<1x32x32xf32, #tpu.memory_space<hbm>> -> memref<32x32xf32, #tpu.memory_space<hbm>>
            %dma_start3A_627 = arith.constant 0 : i32
            %dma_start3A_628 = arith.constant 0 : i32
            %dma_start3A_629 = tpu.memref_slice %arg3[%select_n3A_445, %dma_start3A_627, %dma_start3A_628] : memref<26x32x32xf32, #tpu.memory_space<hbm>> -> memref<1x32x32xf32, #tpu.memory_space<hbm>>
            %dma_start3A_630 = tpu.memref_squeeze %dma_start3A_629 : memref<1x32x32xf32, #tpu.memory_space<hbm>> -> memref<32x32xf32, #tpu.memory_space<hbm>>
            tpu.enqueue_dma source(%dma_start3A_630 : memref<32x32xf32, #tpu.memory_space<hbm>>) target(%arg10 : memref<32x32xf32, #tpu.memory_space<vmem>>) target_semaphore(%run_scoped3A : memref<!tpu.dma_semaphore, #tpu.memory_space<semaphore_mem>>)
            %dma_wait3A_631 = arith.constant 0 : i32
            %dma_wait3A_632 = arith.constant 0 : i32
            %dma_wait3A_633 = tpu.memref_slice %arg3[%select_n3A_445, %dma_wait3A_631, %dma_wait3A_632] : memref<26x32x32xf32, #tpu.memory_space<hbm>> -> memref<1x32x32xf32, #tpu.memory_space<hbm>>
            %dma_wait3A_634 = tpu.memref_squeeze %dma_wait3A_633 : memref<1x32x32xf32, #tpu.memory_space<hbm>> -> memref<32x32xf32, #tpu.memory_space<hbm>>
            %dma_wait3A_635 = arith.constant 0 : i32
            %dma_wait3A_636 = arith.constant 0 : i32
            %dma_wait3A_637 = tpu.memref_slice %arg3[%select_n3A_445, %dma_wait3A_635, %dma_wait3A_636] : memref<26x32x32xf32, #tpu.memory_space<hbm>> -> memref<1x32x32xf32, #tpu.memory_space<hbm>>
            %dma_wait3A_638 = tpu.memref_squeeze %dma_wait3A_637 : memref<1x32x32xf32, #tpu.memory_space<hbm>> -> memref<32x32xf32, #tpu.memory_space<hbm>>
            tpu.wait_dma2 semaphore(%run_scoped3A : memref<!tpu.dma_semaphore, #tpu.memory_space<semaphore_mem>>) src(%dma_wait3A_638 : memref<32x32xf32, #tpu.memory_space<hbm>>) dst(%arg10 : memref<32x32xf32, #tpu.memory_space<vmem>>)
            tpu.yield
          }) : () -> ()
        } else {
        }
        %scan3A_591 = arith.constant 0 : i32
        %scan3A_592 = arith.constant 0 : i32
        %scan3A_593 = arith.constant 64 : i32
        %scan3A_594 = arith.addi %scan3A_592, %scan3A_593 : i32
        %scan3A_595 = arith.constant 1 : i32
        %scan3A_596 = scf.for %scan3A_623 = %scan3A_592 to %scan3A_594 step %scan3A_595 iter_args(%scan3A_624 = %scan3A_591) -> (i32)  : i32 {
          %mul3A_625 = arith.constant 4 : i32
          %mul3A_626 = arith.muli %scan3A_623, %mul3A_625 : i32
          %add3A_627 = arith.constant 0 : i32
          %add3A_628 = arith.addi %mul3A_626, %add3A_627 : i32
          %mul3A_629 = arith.constant 16 : i32
          %mul3A_630 = arith.muli %add3A_628, %mul3A_629 : i32
          %get3A_631 = arith.index_cast %mul3A_630 : i32 to index
          %get3A_632 = tpu.vector_load %arg11[%get3A_631] {strides = array<i32>} : memref<4096xi32, #tpu.memory_space<vmem>>, vector<16xi32>,
          %ge3A = vector.broadcast %mul3A_463 : i32 to vector<16xi32>
          %ge3A_633 = arith.cmpi sge, %get3A_632, %ge3A : vector<16xi32>
          %lt3A_634 = vector.broadcast %min3A_467 : i32 to vector<16xi32>
          %lt3A_635 = arith.cmpi slt, %get3A_632, %lt3A_634 : vector<16xi32>
          %and3A_636 = arith.andi %ge3A_633, %lt3A_635 : vector<16xi1>
          %mul3A_637 = arith.constant 16 : i32
          %mul3A_638 = arith.muli %add3A_628, %mul3A_637 : i32
          %add3A_639 = vector.broadcast %mul3A_638 : i32 to vector<16xi32>
          %add3A_640 = arith.addi %add3A_639, %iota3A : vector<16xi32>
          %mul3A_641 = arith.constant 27 : i32
          %mul3A_642 = vector.broadcast %mul3A_641 : i32 to vector<16xi32>
          %mul3A_643 = arith.muli %add3A_640, %mul3A_642 : vector<16xi32>
          %add3A_644 = vector.broadcast %select_n3A_445 : i32 to vector<16xi32>
          %add3A_645 = arith.addi %mul3A_643, %add3A_644 : vector<16xi32>
          %jit3A_646 = arith.constant 1 : i32
          %jit3A_647 = arith.constant 0 : i32
          %broadcast_in_dim3A = vector.broadcast %jit3A_646 : i32 to vector<16xi32>
          %broadcast_in_dim3A_648 = vector.broadcast %jit3A_647 : i32 to vector<16xi32>
          %select_n3A_649 = arith.select %and3A_636, %broadcast_in_dim3A, %broadcast_in_dim3A_648 : vector<16xi1>, vector<16xi32>
          %broadcast_in_dim3A_650 = arith.constant true
          %broadcast_in_dim3A_651 = vector.broadcast %broadcast_in_dim3A_650 : i1 to vector<16xi1>
          %masked_cumsum3A = tpu.scan <sum>, %select_n3A_649 masked %broadcast_in_dim3A_651 : vector<16xi32>, vector<16xi1> -> vector<16xi32>
          %add3A_652 = vector.broadcast %scan3A_624 : i32 to vector<16xi32>
          %add3A_653 = arith.addi %add3A_652, %masked_cumsum3A : vector<16xi32>
          %sub3A_654 = arith.subi %add3A_653, %select_n3A_649 : vector<16xi32>
          tpu.vector_store_idx %arg13[%sub3A_654], %get3A_632 masked %and3A_636 : memref<256xi32, #tpu.memory_space<vmem>>[vector<16xi32>], vector<16xi32>, vector<16xi1>
          tpu.vector_store_idx %arg14[%sub3A_654], %add3A_645 masked %and3A_636 : memref<256xi32, #tpu.memory_space<vmem>>[vector<16xi32>], vector<16xi32>, vector<16xi1>
          %slice3A = vector.extract_strided_slice %masked_cumsum3A {offsets = [15], sizes = [1], strides = [1]} : vector<16xi32> to vector<1xi32>
          %squeeze3A = vector.extract %slice3A[0] : i32 from vector<1xi32>
          %add3A_655 = arith.addi %scan3A_624, %squeeze3A : i32
          %mul3A_656 = arith.constant 4 : i32
          %mul3A_657 = arith.muli %scan3A_623, %mul3A_656 : i32
          %add3A_658 = arith.constant 1 : i32
          %add3A_659 = arith.addi %mul3A_657, %add3A_658 : i32
          %mul3A_660 = arith.constant 16 : i32
          %mul3A_661 = arith.muli %add3A_659, %mul3A_660 : i32
          %get3A_662 = arith.index_cast %mul3A_661 : i32 to index
          %get3A_663 = tpu.vector_load %arg11[%get3A_662] {strides = array<i32>} : memref<4096xi32, #tpu.memory_space<vmem>>, vector<16xi32>,
          %ge3A_664 = vector.broadcast %mul3A_463 : i32 to vector<16xi32>
          %ge3A_665 = arith.cmpi sge, %get3A_663, %ge3A_664 : vector<16xi32>
          %lt3A_666 = vector.broadcast %min3A_467 : i32 to vector<16xi32>
          %lt3A_667 = arith.cmpi slt, %get3A_663, %lt3A_666 : vector<16xi32>
          %and3A_668 = arith.andi %ge3A_665, %lt3A_667 : vector<16xi1>
          %mul3A_669 = arith.constant 16 : i32
          %mul3A_670 = arith.muli %add3A_659, %mul3A_669 : i32
          %add3A_671 = vector.broadcast %mul3A_670 : i32 to vector<16xi32>
          %add3A_672 = arith.addi %add3A_671, %iota3A : vector<16xi32>
          %mul3A_673 = arith.constant 27 : i32
          %mul3A_674 = vector.broadcast %mul3A_673 : i32 to vector<16xi32>
          %mul3A_675 = arith.muli %add3A_672, %mul3A_674 : vector<16xi32>
          %add3A_676 = vector.broadcast %select_n3A_445 : i32 to vector<16xi32>
          %add3A_677 = arith.addi %mul3A_675, %add3A_676 : vector<16xi32>
          %jit3A_678 = arith.constant 1 : i32
          %jit3A_679 = arith.constant 0 : i32
          %broadcast_in_dim3A_680 = vector.broadcast %jit3A_678 : i32 to vector<16xi32>
          %broadcast_in_dim3A_681 = vector.broadcast %jit3A_679 : i32 to vector<16xi32>
          %select_n3A_682 = arith.select %and3A_668, %broadcast_in_dim3A_680, %broadcast_in_dim3A_681 : vector<16xi1>, vector<16xi32>
          %broadcast_in_dim3A_683 = arith.constant true
          %broadcast_in_dim3A_684 = vector.broadcast %broadcast_in_dim3A_683 : i1 to vector<16xi1>
          %masked_cumsum3A_685 = tpu.scan <sum>, %select_n3A_682 masked %broadcast_in_dim3A_684 : vector<16xi32>, vector<16xi1> -> vector<16xi32>
          %add3A_686 = vector.broadcast %add3A_655 : i32 to vector<16xi32>
          %add3A_687 = arith.addi %add3A_686, %masked_cumsum3A_685 : vector<16xi32>
          %sub3A_688 = arith.subi %add3A_687, %select_n3A_682 : vector<16xi32>
          tpu.vector_store_idx %arg13[%sub3A_688], %get3A_663 masked %and3A_668 : memref<256xi32, #tpu.memory_space<vmem>>[vector<16xi32>], vector<16xi32>, vector<16xi1>
          tpu.vector_store_idx %arg14[%sub3A_688], %add3A_677 masked %and3A_668 : memref<256xi32, #tpu.memory_space<vmem>>[vector<16xi32>], vector<16xi32>, vector<16xi1>
          %slice3A_689 = vector.extract_strided_slice %masked_cumsum3A_685 {offsets = [15], sizes = [1], strides = [1]} : vector<16xi32> to vector<1xi32>
          %squeeze3A_690 = vector.extract %slice3A_689[0] : i32 from vector<1xi32>
          %add3A_691 = arith.addi %add3A_655, %squeeze3A_690 : i32
          %mul3A_692 = arith.constant 4 : i32
          %mul3A_693 = arith.muli %scan3A_623, %mul3A_692 : i32
          %add3A_694 = arith.constant 2 : i32
          %add3A_695 = arith.addi %mul3A_693, %add3A_694 : i32
          %mul3A_696 = arith.constant 16 : i32
          %mul3A_697 = arith.muli %add3A_695, %mul3A_696 : i32
          %get3A_698 = arith.index_cast %mul3A_697 : i32 to index
          %get3A_699 = tpu.vector_load %arg11[%get3A_698] {strides = array<i32>} : memref<4096xi32, #tpu.memory_space<vmem>>, vector<16xi32>,
          %ge3A_700 = vector.broadcast %mul3A_463 : i32 to vector<16xi32>
          %ge3A_701 = arith.cmpi sge, %get3A_699, %ge3A_700 : vector<16xi32>
          %lt3A_702 = vector.broadcast %min3A_467 : i32 to vector<16xi32>
          %lt3A_703 = arith.cmpi slt, %get3A_699, %lt3A_702 : vector<16xi32>
          %and3A_704 = arith.andi %ge3A_701, %lt3A_703 : vector<16xi1>
          %mul3A_705 = arith.constant 16 : i32
          %mul3A_706 = arith.muli %add3A_695, %mul3A_705 : i32
          %add3A_707 = vector.broadcast %mul3A_706 : i32 to vector<16xi32>
          %add3A_708 = arith.addi %add3A_707, %iota3A : vector<16xi32>
          %mul3A_709 = arith.constant 27 : i32
          %mul3A_710 = vector.broadcast %mul3A_709 : i32 to vector<16xi32>
          %mul3A_711 = arith.muli %add3A_708, %mul3A_710 : vector<16xi32>
          %add3A_712 = vector.broadcast %select_n3A_445 : i32 to vector<16xi32>
          %add3A_713 = arith.addi %mul3A_711, %add3A_712 : vector<16xi32>
          %jit3A_714 = arith.constant 1 : i32
          %jit3A_715 = arith.constant 0 : i32
          %broadcast_in_dim3A_716 = vector.broadcast %jit3A_714 : i32 to vector<16xi32>
          %broadcast_in_dim3A_717 = vector.broadcast %jit3A_715 : i32 to vector<16xi32>
          %select_n3A_718 = arith.select %and3A_704, %broadcast_in_dim3A_716, %broadcast_in_dim3A_717 : vector<16xi1>, vector<16xi32>
          %broadcast_in_dim3A_719 = arith.constant true
          %broadcast_in_dim3A_720 = vector.broadcast %broadcast_in_dim3A_719 : i1 to vector<16xi1>
          %masked_cumsum3A_721 = tpu.scan <sum>, %select_n3A_718 masked %broadcast_in_dim3A_720 : vector<16xi32>, vector<16xi1> -> vector<16xi32>
          %add3A_722 = vector.broadcast %add3A_691 : i32 to vector<16xi32>
          %add3A_723 = arith.addi %add3A_722, %masked_cumsum3A_721 : vector<16xi32>
          %sub3A_724 = arith.subi %add3A_723, %select_n3A_718 : vector<16xi32>
          tpu.vector_store_idx %arg13[%sub3A_724], %get3A_699 masked %and3A_704 : memref<256xi32, #tpu.memory_space<vmem>>[vector<16xi32>], vector<16xi32>, vector<16xi1>
          tpu.vector_store_idx %arg14[%sub3A_724], %add3A_713 masked %and3A_704 : memref<256xi32, #tpu.memory_space<vmem>>[vector<16xi32>], vector<16xi32>, vector<16xi1>
          %slice3A_725 = vector.extract_strided_slice %masked_cumsum3A_721 {offsets = [15], sizes = [1], strides = [1]} : vector<16xi32> to vector<1xi32>
          %squeeze3A_726 = vector.extract %slice3A_725[0] : i32 from vector<1xi32>
          %add3A_727 = arith.addi %add3A_691, %squeeze3A_726 : i32
          %mul3A_728 = arith.constant 4 : i32
          %mul3A_729 = arith.muli %scan3A_623, %mul3A_728 : i32
          %add3A_730 = arith.constant 3 : i32
          %add3A_731 = arith.addi %mul3A_729, %add3A_730 : i32
          %mul3A_732 = arith.constant 16 : i32
          %mul3A_733 = arith.muli %add3A_731, %mul3A_732 : i32
          %get3A_734 = arith.index_cast %mul3A_733 : i32 to index
          %get3A_735 = tpu.vector_load %arg11[%get3A_734] {strides = array<i32>} : memref<4096xi32, #tpu.memory_space<vmem>>, vector<16xi32>,
          %ge3A_736 = vector.broadcast %mul3A_463 : i32 to vector<16xi32>
          %ge3A_737 = arith.cmpi sge, %get3A_735, %ge3A_736 : vector<16xi32>
          %lt3A_738 = vector.broadcast %min3A_467 : i32 to vector<16xi32>
          %lt3A_739 = arith.cmpi slt, %get3A_735, %lt3A_738 : vector<16xi32>
          %and3A_740 = arith.andi %ge3A_737, %lt3A_739 : vector<16xi1>
          %mul3A_741 = arith.constant 16 : i32
          %mul3A_742 = arith.muli %add3A_731, %mul3A_741 : i32
          %add3A_743 = vector.broadcast %mul3A_742 : i32 to vector<16xi32>
          %add3A_744 = arith.addi %add3A_743, %iota3A : vector<16xi32>
          %mul3A_745 = arith.constant 27 : i32
          %mul3A_746 = vector.broadcast %mul3A_745 : i32 to vector<16xi32>
          %mul3A_747 = arith.muli %add3A_744, %mul3A_746 : vector<16xi32>
          %add3A_748 = vector.broadcast %select_n3A_445 : i32 to vector<16xi32>
          %add3A_749 = arith.addi %mul3A_747, %add3A_748 : vector<16xi32>
          %jit3A_750 = arith.constant 1 : i32
          %jit3A_751 = arith.constant 0 : i32
          %broadcast_in_dim3A_752 = vector.broadcast %jit3A_750 : i32 to vector<16xi32>
          %broadcast_in_dim3A_753 = vector.broadcast %jit3A_751 : i32 to vector<16xi32>
          %select_n3A_754 = arith.select %and3A_740, %broadcast_in_dim3A_752, %broadcast_in_dim3A_753 : vector<16xi1>, vector<16xi32>
          %broadcast_in_dim3A_755 = arith.constant true
          %broadcast_in_dim3A_756 = vector.broadcast %broadcast_in_dim3A_755 : i1 to vector<16xi1>
          %masked_cumsum3A_757 = tpu.scan <sum>, %select_n3A_754 masked %broadcast_in_dim3A_756 : vector<16xi32>, vector<16xi1> -> vector<16xi32>
          %add3A_758 = vector.broadcast %add3A_727 : i32 to vector<16xi32>
          %add3A_759 = arith.addi %add3A_758, %masked_cumsum3A_757 : vector<16xi32>
          %sub3A_760 = arith.subi %add3A_759, %select_n3A_754 : vector<16xi32>
          tpu.vector_store_idx %arg13[%sub3A_760], %get3A_735 masked %and3A_740 : memref<256xi32, #tpu.memory_space<vmem>>[vector<16xi32>], vector<16xi32>, vector<16xi1>
          tpu.vector_store_idx %arg14[%sub3A_760], %add3A_749 masked %and3A_740 : memref<256xi32, #tpu.memory_space<vmem>>[vector<16xi32>], vector<16xi32>, vector<16xi1>
          %slice3A_761 = vector.extract_strided_slice %masked_cumsum3A_757 {offsets = [15], sizes = [1], strides = [1]} : vector<16xi32> to vector<1xi32>
          %squeeze3A_762 = vector.extract %slice3A_761[0] : i32 from vector<1xi32>
          %add3A_763 = arith.addi %add3A_727, %squeeze3A_762 : i32
          scf.yield %add3A_763 : i32
        }
        %scan3A_597 = arith.constant 64 : i32
        %swap3A_598 = arith.constant 0 : i32
        %swap3A_599 = arith.index_cast %swap3A_598 : i32 to index
        %swap3A_600 = memref.load %arg19[%swap3A_599] : memref<4xi32, #tpu.memory_space<smem>>
        memref.store %scan3A_596, %arg19[%swap3A_599] : memref<4xi32, #tpu.memory_space<smem>>
        %get3A_601 = arith.constant 1 : i32
        %get3A_602 = arith.index_cast %get3A_601 : i32 to index
        %get3A_603 = memref.load %arg19[%get3A_602] : memref<4xi32, #tpu.memory_space<smem>>
        %while3A_604 = arith.constant 0 : i32
        %while3A_605 = arith.constant 0 : i32
        %while3A_606 = arith.subi %get3A_603, %while3A_605 : i32
        %while3A_607 = arith.addi %while3A_605, %while3A_606 : i32
        %while3A_608 = arith.constant 1 : i32
        %while3A_609 = arith.divsi %while3A_606, %while3A_608 : i32
        %while3A_610 = arith.muli %while3A_609, %while3A_608 : i32
        %while3A_611 = arith.addi %while3A_605, %while3A_610 : i32
        %while3A_612 = arith.constant 1 : i32
        scf.for %while3A_623 = %while3A_605 to %while3A_611 step %while3A_612  : i32 {
          %dma_wait3A_624 = arith.constant 0 : i32
          %dma_wait3A_625 = arith.constant 0 : i32
          %dma_wait3A_626 = arith.constant 0 : i32
          %dma_wait3A_627 = tpu.memref_slice %arg12[%dma_wait3A_625, %dma_wait3A_626] : memref<256x128xf32, #tpu.memory_space<vmem>> -> memref<16x128xf32, #tpu.memory_space<vmem>>
          %dma_wait3A_628 = arith.constant 0 : i32
          %dma_wait3A_629 = tpu.memref_slice %arg15[%dma_wait3A_624, %dma_wait3A_628] : memref<16x16xi32, #tpu.memory_space<vmem>> -> memref<1x16xi32, #tpu.memory_space<vmem>>
          %dma_wait3A_630 = tpu.memref_squeeze %dma_wait3A_629 : memref<1x16xi32, #tpu.memory_space<vmem>> -> memref<16xi32, #tpu.memory_space<vmem>>
          %dma_wait3A_631 = arith.constant 0 : i32
          %dma_wait3A_632 = arith.constant 0 : i32
          %dma_wait3A_633 = tpu.memref_slice %arg8[%dma_wait3A_631, %dma_wait3A_632] : memref<110592x128xf32, #tpu.memory_space<hbm>> -> memref<110592x128xf32, #tpu.memory_space<hbm>>
          tpu.wait_indirect_dma semaphore(%arg21 : memref<!tpu.dma_semaphore, #tpu.memory_space<semaphore_mem>>) src(%dma_wait3A_627 : memref<16x128xf32, #tpu.memory_space<vmem>>) dst(%dma_wait3A_633 : memref<110592x128xf32, #tpu.memory_space<hbm>>)
        }
        %while3A_613 = arith.constant 1 : i32
        scf.for %while3A_623 = %while3A_611 to %while3A_607 step %while3A_613  : i32 {
          %dma_wait3A_624 = arith.constant 0 : i32
          %dma_wait3A_625 = arith.constant 0 : i32
          %dma_wait3A_626 = arith.constant 0 : i32
          %dma_wait3A_627 = tpu.memref_slice %arg12[%dma_wait3A_625, %dma_wait3A_626] : memref<256x128xf32, #tpu.memory_space<vmem>> -> memref<16x128xf32, #tpu.memory_space<vmem>>
          %dma_wait3A_628 = arith.constant 0 : i32
          %dma_wait3A_629 = tpu.memref_slice %arg15[%dma_wait3A_624, %dma_wait3A_628] : memref<16x16xi32, #tpu.memory_space<vmem>> -> memref<1x16xi32, #tpu.memory_space<vmem>>
          %dma_wait3A_630 = tpu.memref_squeeze %dma_wait3A_629 : memref<1x16xi32, #tpu.memory_space<vmem>> -> memref<16xi32, #tpu.memory_space<vmem>>
          %dma_wait3A_631 = arith.constant 0 : i32
          %dma_wait3A_632 = arith.constant 0 : i32
          %dma_wait3A_633 = tpu.memref_slice %arg8[%dma_wait3A_631, %dma_wait3A_632] : memref<110592x128xf32, #tpu.memory_space<hbm>> -> memref<110592x128xf32, #tpu.memory_space<hbm>>
          tpu.wait_indirect_dma semaphore(%arg21 : memref<!tpu.dma_semaphore, #tpu.memory_space<semaphore_mem>>) src(%dma_wait3A_627 : memref<16x128xf32, #tpu.memory_space<vmem>>) dst(%dma_wait3A_633 : memref<110592x128xf32, #tpu.memory_space<hbm>>)
        }
        %swap3A_614 = arith.constant 0 : i32
        %swap3A_615 = arith.constant 1 : i32
        %swap3A_616 = arith.index_cast %swap3A_615 : i32 to index
        %swap3A_617 = memref.load %arg19[%swap3A_616] : memref<4xi32, #tpu.memory_space<smem>>
        memref.store %swap3A_614, %arg19[%swap3A_616] : memref<4xi32, #tpu.memory_space<smem>>
        %gt3A_618 = arith.constant 0 : i32
        %gt3A_619 = arith.cmpi sgt, %scan3A_596, %gt3A_618 : i32
        %convert_element_type3A_620 = arith.extui %gt3A_619 : i1 to i32
        %cond3A_621 = arith.constant 0 : i32
        %cond3A_622 = arith.cmpi ne, %convert_element_type3A_620, %cond3A_621 : i32
        scf.if %cond3A_622 {
          %get3A_623 = arith.constant 0 : index
          %get3A_624 = tpu.vector_load %arg13[%get3A_623] {strides = array<i32>} : memref<256xi32, #tpu.memory_space<vmem>>, vector<16xi32>,
          %slice3A = vector.extract_strided_slice %get3A_624 {offsets = [0], sizes = [1], strides = [1]} : vector<16xi32> to vector<1xi32>
          %squeeze3A = vector.extract %slice3A[0] : i32 from vector<1xi32>
          %get3A_625 = arith.constant 0 : index
          %get3A_626 = tpu.vector_load %arg14[%get3A_625] {strides = array<i32>} : memref<256xi32, #tpu.memory_space<vmem>>, vector<16xi32>,
          %slice3A_627 = vector.extract_strided_slice %get3A_626 {offsets = [0], sizes = [1], strides = [1]} : vector<16xi32> to vector<1xi32>
          %squeeze3A_628 = vector.extract %slice3A_627[0] : i32 from vector<1xi32>
          %scan3A_629 = arith.constant 0 : i32
          %scan3A_630 = arith.constant 0 : i32
          %scan3A_631 = arith.constant 16 : i32
          %scan3A_632 = arith.addi %scan3A_630, %scan3A_631 : i32
          %scan3A_633 = arith.constant 1 : i32
          scf.for %scan3A_635 = %scan3A_630 to %scan3A_632 step %scan3A_633  : i32 {
            %mul3A_636 = arith.constant 16 : i32
            %mul3A_637 = arith.muli %scan3A_635, %mul3A_636 : i32
            %add3A_638 = vector.broadcast %mul3A_637 : i32 to vector<16xi32>
            %add3A_639 = arith.addi %add3A_638, %iota3A : vector<16xi32>
            %mul3A_640 = arith.constant 16 : i32
            %mul3A_641 = arith.muli %scan3A_635, %mul3A_640 : i32
            %get3A_642 = arith.index_cast %mul3A_641 : i32 to index
            %get3A_643 = tpu.vector_load %arg13[%get3A_642] {strides = array<i32>} : memref<256xi32, #tpu.memory_space<vmem>>, vector<16xi32>,
            %mul3A_644 = arith.constant 16 : i32
            %mul3A_645 = arith.muli %scan3A_635, %mul3A_644 : i32
            %get3A_646 = arith.index_cast %mul3A_645 : i32 to index
            %get3A_647 = tpu.vector_load %arg14[%get3A_646] {strides = array<i32>} : memref<256xi32, #tpu.memory_space<vmem>>, vector<16xi32>,
            %ge3A = vector.broadcast %scan3A_596 : i32 to vector<16xi32>
            %ge3A_648 = arith.cmpi sge, %add3A_639, %ge3A : vector<16xi32>
            %broadcast_in_dim3A = vector.broadcast %squeeze3A : i32 to vector<16xi32>
            %select_n3A_649 = arith.select %ge3A_648, %broadcast_in_dim3A, %get3A_643 : vector<16xi1>, vector<16xi32>
            %mul3A_650 = arith.constant 16 : i32
            %mul3A_651 = arith.muli %scan3A_635, %mul3A_650 : i32
            %swap3A_652 = arith.index_cast %mul3A_651 : i32 to index
            %swap3A_653 = tpu.vector_load %arg13[%swap3A_652] {strides = array<i32>} : memref<256xi32, #tpu.memory_space<vmem>>, vector<16xi32>,
            tpu.vector_store %arg13[%swap3A_652], %select_n3A_649 {strides = array<i32>} : memref<256xi32, #tpu.memory_space<vmem>>, vector<16xi32>,
            %ge3A_654 = vector.broadcast %scan3A_596 : i32 to vector<16xi32>
            %ge3A_655 = arith.cmpi sge, %add3A_639, %ge3A_654 : vector<16xi32>
            %broadcast_in_dim3A_656 = vector.broadcast %squeeze3A_628 : i32 to vector<16xi32>
            %select_n3A_657 = arith.select %ge3A_655, %broadcast_in_dim3A_656, %get3A_647 : vector<16xi1>, vector<16xi32>
            %mul3A_658 = arith.constant 16 : i32
            %mul3A_659 = arith.muli %scan3A_635, %mul3A_658 : i32
            %swap3A_660 = arith.index_cast %mul3A_659 : i32 to index
            %swap3A_661 = tpu.vector_load %arg14[%swap3A_660] {strides = array<i32>} : memref<256xi32, #tpu.memory_space<vmem>>, vector<16xi32>,
            tpu.vector_store %arg14[%swap3A_660], %select_n3A_657 {strides = array<i32>} : memref<256xi32, #tpu.memory_space<vmem>>, vector<16xi32>,
            %ge3A_662 = vector.broadcast %scan3A_596 : i32 to vector<16xi32>
            %ge3A_663 = arith.cmpi sge, %add3A_639, %ge3A_662 : vector<16xi32>
            %broadcast_in_dim3A_664 = vector.broadcast %squeeze3A_628 : i32 to vector<16xi32>
            %select_n3A_665 = arith.select %ge3A_663, %broadcast_in_dim3A_664, %get3A_647 : vector<16xi1>, vector<16xi32>
            %swap3A_666 = arith.index_cast %scan3A_635 : i32 to index
            %swap3A_667 = arith.constant 0 : index
            %swap3A_668 = tpu.vector_load %arg15[%swap3A_666, %swap3A_667] {strides = array<i32>} : memref<16x16xi32, #tpu.memory_space<vmem>>, vector<16xi32>,
            tpu.vector_store %arg15[%swap3A_666, %swap3A_667], %select_n3A_665 {strides = array<i32>} : memref<16x16xi32, #tpu.memory_space<vmem>>, vector<16xi32>,
          }
          %scan3A_634 = arith.constant 16 : i32
        } else {
        }
      } else {
      }
      %lt3A_530 = arith.constant 24 : i32
      %lt3A_531 = arith.cmpi slt, %select_n3A_461, %lt3A_530 : i32
      %convert_element_type3A_532 = arith.extui %lt3A_531 : i1 to i32
      %cond3A_533 = arith.constant 0 : i32
      %cond3A_534 = arith.cmpi ne, %convert_element_type3A_532, %cond3A_533 : i32
      scf.if %cond3A_534 {
        %mul3A_584 = arith.constant 32 : i32
        %mul3A_585 = arith.muli %select_n3A_445, %mul3A_584 : i32
        %mul3A_586 = arith.constant 8 : i32
        %mul3A_587 = arith.muli %mul3A_586, %select_n3A_392 : i32
        %add3A_588 = arith.addi %mul3A_585, %mul3A_587 : i32
        %mul3A_589 = arith.constant 4096 : i32
        %mul3A_590 = arith.muli %mul3A_589, %select_n3A_461 : i32
        %dma_wait3A_591 = arith.constant 0 : i32
        %dma_wait3A_592 = arith.constant 0 : i32
        %dma_wait3A_593 = tpu.memref_slice %arg9[%select_n3A_488, %dma_wait3A_591, %dma_wait3A_592] : memref<2x8x4096xf32, #tpu.memory_space<vmem>> -> memref<1x8x4096xf32, #tpu.memory_space<vmem>>
        %dma_wait3A_594 = tpu.memref_squeeze %dma_wait3A_593 : memref<1x8x4096xf32, #tpu.memory_space<vmem>> -> memref<8x4096xf32, #tpu.memory_space<vmem>>
        %dma_wait3A_595 = tpu.memref_slice %arg2[%add3A_588, %mul3A_590] : memref<832x100000xf32, #tpu.memory_space<hbm>> -> memref<8x4096xf32, #tpu.memory_space<hbm>>
        %dma_wait3A_596 = arith.constant 0 : i32
        %dma_wait3A_597 = arith.constant 0 : i32
        %dma_wait3A_598 = tpu.memref_slice %arg9[%select_n3A_488, %dma_wait3A_596, %dma_wait3A_597] : memref<2x8x4096xf32, #tpu.memory_space<vmem>> -> memref<1x8x4096xf32, #tpu.memory_space<vmem>>
        %dma_wait3A_599 = tpu.memref_squeeze %dma_wait3A_598 : memref<1x8x4096xf32, #tpu.memory_space<vmem>> -> memref<8x4096xf32, #tpu.memory_space<vmem>>
        %dma_wait3A_600 = tpu.memref_slice %arg2[%add3A_588, %mul3A_590] : memref<832x100000xf32, #tpu.memory_space<hbm>> -> memref<8x4096xf32, #tpu.memory_space<hbm>>
        tpu.wait_dma2 semaphore(%arg20 : memref<!tpu.dma_semaphore, #tpu.memory_space<semaphore_mem>>) src(%dma_wait3A_600 : memref<8x4096xf32, #tpu.memory_space<hbm>>) dst(%dma_wait3A_599 : memref<8x4096xf32, #tpu.memory_space<vmem>>)
      } else {
      }
      %eq3A_535 = arith.constant 24 : i32
      %eq3A_536 = arith.cmpi eq, %select_n3A_461, %eq3A_535 : i32
      %convert_element_type3A_537 = arith.extui %eq3A_536 : i1 to i32
      %cond3A_538 = arith.constant 0 : i32
      %cond3A_539 = arith.cmpi ne, %convert_element_type3A_537, %cond3A_538 : i32
      scf.if %cond3A_539 {
        %mul3A_584 = arith.constant 32 : i32
        %mul3A_585 = arith.muli %select_n3A_445, %mul3A_584 : i32
        %mul3A_586 = arith.constant 8 : i32
        %mul3A_587 = arith.muli %mul3A_586, %select_n3A_392 : i32
        %add3A_588 = arith.addi %mul3A_585, %mul3A_587 : i32
        %dma_wait3A_589 = arith.constant 0 : i32
        %dma_wait3A_590 = arith.constant 0 : i32
        %dma_wait3A_591 = tpu.memref_slice %arg9[%select_n3A_488, %dma_wait3A_589, %dma_wait3A_590] : memref<2x8x4096xf32, #tpu.memory_space<vmem>> -> memref<1x8x1664xf32, #tpu.memory_space<vmem>>
        %dma_wait3A_592 = tpu.memref_squeeze %dma_wait3A_591 : memref<1x8x1664xf32, #tpu.memory_space<vmem>> -> memref<8x1664xf32, #tpu.memory_space<vmem>>
        %dma_wait3A_593 = arith.constant 98304 : i32
        %dma_wait3A_594 = tpu.memref_slice %arg2[%add3A_588, %dma_wait3A_593] : memref<832x100000xf32, #tpu.memory_space<hbm>> -> memref<8x1664xf32, #tpu.memory_space<hbm>>
        %dma_wait3A_595 = arith.constant 0 : i32
        %dma_wait3A_596 = arith.constant 0 : i32
        %dma_wait3A_597 = tpu.memref_slice %arg9[%select_n3A_488, %dma_wait3A_595, %dma_wait3A_596] : memref<2x8x4096xf32, #tpu.memory_space<vmem>> -> memref<1x8x1664xf32, #tpu.memory_space<vmem>>
        %dma_wait3A_598 = tpu.memref_squeeze %dma_wait3A_597 : memref<1x8x1664xf32, #tpu.memory_space<vmem>> -> memref<8x1664xf32, #tpu.memory_space<vmem>>
        %dma_wait3A_599 = arith.constant 98304 : i32
        %dma_wait3A_600 = tpu.memref_slice %arg2[%add3A_588, %dma_wait3A_599] : memref<832x100000xf32, #tpu.memory_space<hbm>> -> memref<8x1664xf32, #tpu.memory_space<hbm>>
        tpu.wait_dma2 semaphore(%arg20 : memref<!tpu.dma_semaphore, #tpu.memory_space<semaphore_mem>>) src(%dma_wait3A_600 : memref<8x1664xf32, #tpu.memory_space<hbm>>) dst(%dma_wait3A_598 : memref<8x1664xf32, #tpu.memory_space<vmem>>)
      } else {
      }
      %get3A_540 = arith.constant 0 : i32
      %get3A_541 = arith.index_cast %get3A_540 : i32 to index
      %get3A_542 = memref.load %arg19[%get3A_541] : memref<4xi32, #tpu.memory_space<smem>>
      %add3A_543 = arith.constant 16 : i32
      %add3A_544 = arith.addi %get3A_542, %add3A_543 : i32
      %sub3A_545 = arith.constant 1 : i32
      %sub3A_546 = arith.subi %add3A_544, %sub3A_545 : i32
      %jit3A_547 = arith.constant 16 : i32
      %div3A_548 = arith.divsi %sub3A_546, %jit3A_547 : i32
      %sign3A_549 = arith.constant 0 : i32
      %sign3A_550 = arith.cmpi sgt, %sub3A_546, %sign3A_549 : i32
      %sign3A_551 = arith.extui %sign3A_550 : i1 to i32
      %sign3A_552 = arith.constant 0 : i32
      %sign3A_553 = arith.cmpi slt, %sub3A_546, %sign3A_552 : i32
      %sign3A_554 = arith.extui %sign3A_553 : i1 to i32
      %sign3A_555 = arith.subi %sign3A_551, %sign3A_554 : i32
      %sign3A_556 = arith.constant 0 : i32
      %sign3A_557 = arith.cmpi sgt, %jit3A_547, %sign3A_556 : i32
      %sign3A_558 = arith.extui %sign3A_557 : i1 to i32
      %sign3A_559 = arith.constant 0 : i32
      %sign3A_560 = arith.cmpi slt, %jit3A_547, %sign3A_559 : i32
      %sign3A_561 = arith.extui %sign3A_560 : i1 to i32
      %sign3A_562 = arith.subi %sign3A_558, %sign3A_561 : i32
      %ne3A_563 = arith.cmpi ne, %sign3A_555, %sign3A_562 : i32
      %rem3A_564 = arith.remsi %sub3A_546, %jit3A_547 : i32
      %ne3A_565 = arith.constant 0 : i32
      %ne3A_566 = arith.cmpi ne, %rem3A_564, %ne3A_565 : i32
      %and3A_567 = arith.andi %ne3A_563, %ne3A_566 : i1
      %sub3A_568 = arith.constant 1 : i32
      %sub3A_569 = arith.subi %div3A_548, %sub3A_568 : i32
      %select_n3A_570 = arith.select %and3A_567, %sub3A_569, %div3A_548 : i32
      %gt3A = arith.constant 0 : i32
      %gt3A_571 = arith.cmpi sgt, %get3A_542, %gt3A : i32
      %convert_element_type3A_572 = arith.extui %gt3A_571 : i1 to i32
      %cond3A_573 = arith.constant 0 : i32
      %cond3A_574 = arith.cmpi ne, %convert_element_type3A_572, %cond3A_573 : i32
      scf.if %cond3A_574 {
        %lt3A_584 = arith.constant 24 : i32
        %lt3A_585 = arith.cmpi slt, %select_n3A_461, %lt3A_584 : i32
        %convert_element_type3A_586 = arith.extui %lt3A_585 : i1 to i32
        %cond3A_587 = arith.constant 0 : i32
        %cond3A_588 = arith.cmpi ne, %convert_element_type3A_586, %cond3A_587 : i32
        scf.if %cond3A_588 {
          %while3A_594 = arith.constant 0 : i32
          %while3A_595 = arith.constant 0 : i32
          %while3A_596 = arith.subi %select_n3A_570, %while3A_595 : i32
          %while3A_597 = arith.addi %while3A_595, %while3A_596 : i32
          %while3A_598 = arith.constant 1 : i32
          %while3A_599 = arith.divsi %while3A_596, %while3A_598 : i32
          %while3A_600 = arith.muli %while3A_599, %while3A_598 : i32
          %while3A_601 = arith.addi %while3A_595, %while3A_600 : i32
          %while3A_602 = arith.constant 1 : i32
          scf.for %while3A_604 = %while3A_595 to %while3A_601 step %while3A_602  : i32 {
            %mul3A_605 = arith.constant 16 : i32
            %mul3A_606 = arith.muli %while3A_604, %mul3A_605 : i32
            %add3A_607 = vector.broadcast %mul3A_606 : i32 to vector<16xi32>
            %add3A_608 = arith.addi %add3A_607, %iota3A : vector<16xi32>
            %mul3A_609 = arith.constant 16 : i32
            %mul3A_610 = arith.muli %while3A_604, %mul3A_609 : i32
            %get3A_611 = arith.index_cast %mul3A_610 : i32 to index
            %get3A_612 = tpu.vector_load %arg13[%get3A_611] {strides = array<i32>} : memref<256xi32, #tpu.memory_space<vmem>>, vector<16xi32>,
            %sub3A_613 = vector.broadcast %mul3A_463 : i32 to vector<16xi32>
            %sub3A_614 = arith.subi %get3A_612, %sub3A_613 : vector<16xi32>
            %broadcast_in_dim3A = vector.broadcast %select_n3A_488 : i32 to vector<16xi32>
            %broadcast_in_dim3A_615 = arith.constant 0 : i32
            %broadcast_in_dim3A_616 = vector.broadcast %broadcast_in_dim3A_615 : i32 to vector<16xi32>
            %gather3A = tpu.vector_load_idx %arg9[%broadcast_in_dim3A, %broadcast_in_dim3A_616, %sub3A_614] : memref<2x8x4096xf32, #tpu.memory_space<vmem>>[vector<16xi32>, vector<16xi32>, vector<16xi32>], vector<16xf32>,
            %mul3A_617 = arith.constant 8 : i32
            %mul3A_618 = arith.muli %select_n3A_392, %mul3A_617 : i32
            %add3A_619 = arith.constant 0 : i32
            %add3A_620 = arith.addi %mul3A_618, %add3A_619 : i32
            %broadcast_in_dim3A_621 = vector.broadcast %add3A_620 : i32 to vector<16xi32>
            tpu.vector_store_idx %arg12[%add3A_608, %broadcast_in_dim3A_621], %gather3A : memref<256x128xf32, #tpu.memory_space<vmem>>[vector<16xi32>, vector<16xi32>], vector<16xf32>,
            %broadcast_in_dim3A_622 = vector.broadcast %select_n3A_488 : i32 to vector<16xi32>
            %broadcast_in_dim3A_623 = arith.constant 1 : i32
            %broadcast_in_dim3A_624 = vector.broadcast %broadcast_in_dim3A_623 : i32 to vector<16xi32>
            %gather3A_625 = tpu.vector_load_idx %arg9[%broadcast_in_dim3A_622, %broadcast_in_dim3A_624, %sub3A_614] : memref<2x8x4096xf32, #tpu.memory_space<vmem>>[vector<16xi32>, vector<16xi32>, vector<16xi32>], vector<16xf32>,
            %mul3A_626 = arith.constant 8 : i32
            %mul3A_627 = arith.muli %select_n3A_392, %mul3A_626 : i32
            %add3A_628 = arith.constant 1 : i32
            %add3A_629 = arith.addi %mul3A_627, %add3A_628 : i32
            %broadcast_in_dim3A_630 = vector.broadcast %add3A_629 : i32 to vector<16xi32>
            tpu.vector_store_idx %arg12[%add3A_608, %broadcast_in_dim3A_630], %gather3A_625 : memref<256x128xf32, #tpu.memory_space<vmem>>[vector<16xi32>, vector<16xi32>], vector<16xf32>,
            %broadcast_in_dim3A_631 = vector.broadcast %select_n3A_488 : i32 to vector<16xi32>
            %broadcast_in_dim3A_632 = arith.constant 2 : i32
            %broadcast_in_dim3A_633 = vector.broadcast %broadcast_in_dim3A_632 : i32 to vector<16xi32>
            %gather3A_634 = tpu.vector_load_idx %arg9[%broadcast_in_dim3A_631, %broadcast_in_dim3A_633, %sub3A_614] : memref<2x8x4096xf32, #tpu.memory_space<vmem>>[vector<16xi32>, vector<16xi32>, vector<16xi32>], vector<16xf32>,
            %mul3A_635 = arith.constant 8 : i32
            %mul3A_636 = arith.muli %select_n3A_392, %mul3A_635 : i32
            %add3A_637 = arith.constant 2 : i32
            %add3A_638 = arith.addi %mul3A_636, %add3A_637 : i32
            %broadcast_in_dim3A_639 = vector.broadcast %add3A_638 : i32 to vector<16xi32>
            tpu.vector_store_idx %arg12[%add3A_608, %broadcast_in_dim3A_639], %gather3A_634 : memref<256x128xf32, #tpu.memory_space<vmem>>[vector<16xi32>, vector<16xi32>], vector<16xf32>,
            %broadcast_in_dim3A_640 = vector.broadcast %select_n3A_488 : i32 to vector<16xi32>
            %broadcast_in_dim3A_641 = arith.constant 3 : i32
            %broadcast_in_dim3A_642 = vector.broadcast %broadcast_in_dim3A_641 : i32 to vector<16xi32>
            %gather3A_643 = tpu.vector_load_idx %arg9[%broadcast_in_dim3A_640, %broadcast_in_dim3A_642, %sub3A_614] : memref<2x8x4096xf32, #tpu.memory_space<vmem>>[vector<16xi32>, vector<16xi32>, vector<16xi32>], vector<16xf32>,
            %mul3A_644 = arith.constant 8 : i32
            %mul3A_645 = arith.muli %select_n3A_392, %mul3A_644 : i32
            %add3A_646 = arith.constant 3 : i32
            %add3A_647 = arith.addi %mul3A_645, %add3A_646 : i32
            %broadcast_in_dim3A_648 = vector.broadcast %add3A_647 : i32 to vector<16xi32>
            tpu.vector_store_idx %arg12[%add3A_608, %broadcast_in_dim3A_648], %gather3A_643 : memref<256x128xf32, #tpu.memory_space<vmem>>[vector<16xi32>, vector<16xi32>], vector<16xf32>,
            %broadcast_in_dim3A_649 = vector.broadcast %select_n3A_488 : i32 to vector<16xi32>
            %broadcast_in_dim3A_650 = arith.constant 4 : i32
            %broadcast_in_dim3A_651 = vector.broadcast %broadcast_in_dim3A_650 : i32 to vector<16xi32>
            %gather3A_652 = tpu.vector_load_idx %arg9[%broadcast_in_dim3A_649, %broadcast_in_dim3A_651, %sub3A_614] : memref<2x8x4096xf32, #tpu.memory_space<vmem>>[vector<16xi32>, vector<16xi32>, vector<16xi32>], vector<16xf32>,
            %mul3A_653 = arith.constant 8 : i32
            %mul3A_654 = arith.muli %select_n3A_392, %mul3A_653 : i32
            %add3A_655 = arith.constant 4 : i32
            %add3A_656 = arith.addi %mul3A_654, %add3A_655 : i32
            %broadcast_in_dim3A_657 = vector.broadcast %add3A_656 : i32 to vector<16xi32>
            tpu.vector_store_idx %arg12[%add3A_608, %broadcast_in_dim3A_657], %gather3A_652 : memref<256x128xf32, #tpu.memory_space<vmem>>[vector<16xi32>, vector<16xi32>], vector<16xf32>,
            %broadcast_in_dim3A_658 = vector.broadcast %select_n3A_488 : i32 to vector<16xi32>
            %broadcast_in_dim3A_659 = arith.constant 5 : i32
            %broadcast_in_dim3A_660 = vector.broadcast %broadcast_in_dim3A_659 : i32 to vector<16xi32>
            %gather3A_661 = tpu.vector_load_idx %arg9[%broadcast_in_dim3A_658, %broadcast_in_dim3A_660, %sub3A_614] : memref<2x8x4096xf32, #tpu.memory_space<vmem>>[vector<16xi32>, vector<16xi32>, vector<16xi32>], vector<16xf32>,
            %mul3A_662 = arith.constant 8 : i32
            %mul3A_663 = arith.muli %select_n3A_392, %mul3A_662 : i32
            %add3A_664 = arith.constant 5 : i32
            %add3A_665 = arith.addi %mul3A_663, %add3A_664 : i32
            %broadcast_in_dim3A_666 = vector.broadcast %add3A_665 : i32 to vector<16xi32>
            tpu.vector_store_idx %arg12[%add3A_608, %broadcast_in_dim3A_666], %gather3A_661 : memref<256x128xf32, #tpu.memory_space<vmem>>[vector<16xi32>, vector<16xi32>], vector<16xf32>,
            %broadcast_in_dim3A_667 = vector.broadcast %select_n3A_488 : i32 to vector<16xi32>
            %broadcast_in_dim3A_668 = arith.constant 6 : i32
            %broadcast_in_dim3A_669 = vector.broadcast %broadcast_in_dim3A_668 : i32 to vector<16xi32>
            %gather3A_670 = tpu.vector_load_idx %arg9[%broadcast_in_dim3A_667, %broadcast_in_dim3A_669, %sub3A_614] : memref<2x8x4096xf32, #tpu.memory_space<vmem>>[vector<16xi32>, vector<16xi32>, vector<16xi32>], vector<16xf32>,
            %mul3A_671 = arith.constant 8 : i32
            %mul3A_672 = arith.muli %select_n3A_392, %mul3A_671 : i32
            %add3A_673 = arith.constant 6 : i32
            %add3A_674 = arith.addi %mul3A_672, %add3A_673 : i32
            %broadcast_in_dim3A_675 = vector.broadcast %add3A_674 : i32 to vector<16xi32>
            tpu.vector_store_idx %arg12[%add3A_608, %broadcast_in_dim3A_675], %gather3A_670 : memref<256x128xf32, #tpu.memory_space<vmem>>[vector<16xi32>, vector<16xi32>], vector<16xf32>,
            %broadcast_in_dim3A_676 = vector.broadcast %select_n3A_488 : i32 to vector<16xi32>
            %broadcast_in_dim3A_677 = arith.constant 7 : i32
            %broadcast_in_dim3A_678 = vector.broadcast %broadcast_in_dim3A_677 : i32 to vector<16xi32>
            %gather3A_679 = tpu.vector_load_idx %arg9[%broadcast_in_dim3A_676, %broadcast_in_dim3A_678, %sub3A_614] : memref<2x8x4096xf32, #tpu.memory_space<vmem>>[vector<16xi32>, vector<16xi32>, vector<16xi32>], vector<16xf32>,
            %mul3A_680 = arith.constant 8 : i32
            %mul3A_681 = arith.muli %select_n3A_392, %mul3A_680 : i32
            %add3A_682 = arith.constant 7 : i32
            %add3A_683 = arith.addi %mul3A_681, %add3A_682 : i32
            %broadcast_in_dim3A_684 = vector.broadcast %add3A_683 : i32 to vector<16xi32>
            tpu.vector_store_idx %arg12[%add3A_608, %broadcast_in_dim3A_684], %gather3A_679 : memref<256x128xf32, #tpu.memory_space<vmem>>[vector<16xi32>, vector<16xi32>], vector<16xf32>,
          }
          %while3A_603 = arith.constant 1 : i32
          scf.for %while3A_604 = %while3A_601 to %while3A_597 step %while3A_603  : i32 {
            %mul3A_605 = arith.constant 16 : i32
            %mul3A_606 = arith.muli %while3A_604, %mul3A_605 : i32
            %add3A_607 = vector.broadcast %mul3A_606 : i32 to vector<16xi32>
            %add3A_608 = arith.addi %add3A_607, %iota3A : vector<16xi32>
            %mul3A_609 = arith.constant 16 : i32
            %mul3A_610 = arith.muli %while3A_604, %mul3A_609 : i32
            %get3A_611 = arith.index_cast %mul3A_610 : i32 to index
            %get3A_612 = tpu.vector_load %arg13[%get3A_611] {strides = array<i32>} : memref<256xi32, #tpu.memory_space<vmem>>, vector<16xi32>,
            %sub3A_613 = vector.broadcast %mul3A_463 : i32 to vector<16xi32>
            %sub3A_614 = arith.subi %get3A_612, %sub3A_613 : vector<16xi32>
            %broadcast_in_dim3A = vector.broadcast %select_n3A_488 : i32 to vector<16xi32>
            %broadcast_in_dim3A_615 = arith.constant 0 : i32
            %broadcast_in_dim3A_616 = vector.broadcast %broadcast_in_dim3A_615 : i32 to vector<16xi32>
            %gather3A = tpu.vector_load_idx %arg9[%broadcast_in_dim3A, %broadcast_in_dim3A_616, %sub3A_614] : memref<2x8x4096xf32, #tpu.memory_space<vmem>>[vector<16xi32>, vector<16xi32>, vector<16xi32>], vector<16xf32>,
            %mul3A_617 = arith.constant 8 : i32
            %mul3A_618 = arith.muli %select_n3A_392, %mul3A_617 : i32
            %add3A_619 = arith.constant 0 : i32
            %add3A_620 = arith.addi %mul3A_618, %add3A_619 : i32
            %broadcast_in_dim3A_621 = vector.broadcast %add3A_620 : i32 to vector<16xi32>
            tpu.vector_store_idx %arg12[%add3A_608, %broadcast_in_dim3A_621], %gather3A : memref<256x128xf32, #tpu.memory_space<vmem>>[vector<16xi32>, vector<16xi32>], vector<16xf32>,
            %broadcast_in_dim3A_622 = vector.broadcast %select_n3A_488 : i32 to vector<16xi32>
            %broadcast_in_dim3A_623 = arith.constant 1 : i32
            %broadcast_in_dim3A_624 = vector.broadcast %broadcast_in_dim3A_623 : i32 to vector<16xi32>
            %gather3A_625 = tpu.vector_load_idx %arg9[%broadcast_in_dim3A_622, %broadcast_in_dim3A_624, %sub3A_614] : memref<2x8x4096xf32, #tpu.memory_space<vmem>>[vector<16xi32>, vector<16xi32>, vector<16xi32>], vector<16xf32>,
            %mul3A_626 = arith.constant 8 : i32
            %mul3A_627 = arith.muli %select_n3A_392, %mul3A_626 : i32
            %add3A_628 = arith.constant 1 : i32
            %add3A_629 = arith.addi %mul3A_627, %add3A_628 : i32
            %broadcast_in_dim3A_630 = vector.broadcast %add3A_629 : i32 to vector<16xi32>
            tpu.vector_store_idx %arg12[%add3A_608, %broadcast_in_dim3A_630], %gather3A_625 : memref<256x128xf32, #tpu.memory_space<vmem>>[vector<16xi32>, vector<16xi32>], vector<16xf32>,
            %broadcast_in_dim3A_631 = vector.broadcast %select_n3A_488 : i32 to vector<16xi32>
            %broadcast_in_dim3A_632 = arith.constant 2 : i32
            %broadcast_in_dim3A_633 = vector.broadcast %broadcast_in_dim3A_632 : i32 to vector<16xi32>
            %gather3A_634 = tpu.vector_load_idx %arg9[%broadcast_in_dim3A_631, %broadcast_in_dim3A_633, %sub3A_614] : memref<2x8x4096xf32, #tpu.memory_space<vmem>>[vector<16xi32>, vector<16xi32>, vector<16xi32>], vector<16xf32>,
            %mul3A_635 = arith.constant 8 : i32
            %mul3A_636 = arith.muli %select_n3A_392, %mul3A_635 : i32
            %add3A_637 = arith.constant 2 : i32
            %add3A_638 = arith.addi %mul3A_636, %add3A_637 : i32
            %broadcast_in_dim3A_639 = vector.broadcast %add3A_638 : i32 to vector<16xi32>
            tpu.vector_store_idx %arg12[%add3A_608, %broadcast_in_dim3A_639], %gather3A_634 : memref<256x128xf32, #tpu.memory_space<vmem>>[vector<16xi32>, vector<16xi32>], vector<16xf32>,
            %broadcast_in_dim3A_640 = vector.broadcast %select_n3A_488 : i32 to vector<16xi32>
            %broadcast_in_dim3A_641 = arith.constant 3 : i32
            %broadcast_in_dim3A_642 = vector.broadcast %broadcast_in_dim3A_641 : i32 to vector<16xi32>
            %gather3A_643 = tpu.vector_load_idx %arg9[%broadcast_in_dim3A_640, %broadcast_in_dim3A_642, %sub3A_614] : memref<2x8x4096xf32, #tpu.memory_space<vmem>>[vector<16xi32>, vector<16xi32>, vector<16xi32>], vector<16xf32>,
            %mul3A_644 = arith.constant 8 : i32
            %mul3A_645 = arith.muli %select_n3A_392, %mul3A_644 : i32
            %add3A_646 = arith.constant 3 : i32
            %add3A_647 = arith.addi %mul3A_645, %add3A_646 : i32
            %broadcast_in_dim3A_648 = vector.broadcast %add3A_647 : i32 to vector<16xi32>
            tpu.vector_store_idx %arg12[%add3A_608, %broadcast_in_dim3A_648], %gather3A_643 : memref<256x128xf32, #tpu.memory_space<vmem>>[vector<16xi32>, vector<16xi32>], vector<16xf32>,
            %broadcast_in_dim3A_649 = vector.broadcast %select_n3A_488 : i32 to vector<16xi32>
            %broadcast_in_dim3A_650 = arith.constant 4 : i32
            %broadcast_in_dim3A_651 = vector.broadcast %broadcast_in_dim3A_650 : i32 to vector<16xi32>
            %gather3A_652 = tpu.vector_load_idx %arg9[%broadcast_in_dim3A_649, %broadcast_in_dim3A_651, %sub3A_614] : memref<2x8x4096xf32, #tpu.memory_space<vmem>>[vector<16xi32>, vector<16xi32>, vector<16xi32>], vector<16xf32>,
            %mul3A_653 = arith.constant 8 : i32
            %mul3A_654 = arith.muli %select_n3A_392, %mul3A_653 : i32
            %add3A_655 = arith.constant 4 : i32
            %add3A_656 = arith.addi %mul3A_654, %add3A_655 : i32
            %broadcast_in_dim3A_657 = vector.broadcast %add3A_656 : i32 to vector<16xi32>
            tpu.vector_store_idx %arg12[%add3A_608, %broadcast_in_dim3A_657], %gather3A_652 : memref<256x128xf32, #tpu.memory_space<vmem>>[vector<16xi32>, vector<16xi32>], vector<16xf32>,
            %broadcast_in_dim3A_658 = vector.broadcast %select_n3A_488 : i32 to vector<16xi32>
            %broadcast_in_dim3A_659 = arith.constant 5 : i32
            %broadcast_in_dim3A_660 = vector.broadcast %broadcast_in_dim3A_659 : i32 to vector<16xi32>
            %gather3A_661 = tpu.vector_load_idx %arg9[%broadcast_in_dim3A_658, %broadcast_in_dim3A_660, %sub3A_614] : memref<2x8x4096xf32, #tpu.memory_space<vmem>>[vector<16xi32>, vector<16xi32>, vector<16xi32>], vector<16xf32>,
            %mul3A_662 = arith.constant 8 : i32
            %mul3A_663 = arith.muli %select_n3A_392, %mul3A_662 : i32
            %add3A_664 = arith.constant 5 : i32
            %add3A_665 = arith.addi %mul3A_663, %add3A_664 : i32
            %broadcast_in_dim3A_666 = vector.broadcast %add3A_665 : i32 to vector<16xi32>
            tpu.vector_store_idx %arg12[%add3A_608, %broadcast_in_dim3A_666], %gather3A_661 : memref<256x128xf32, #tpu.memory_space<vmem>>[vector<16xi32>, vector<16xi32>], vector<16xf32>,
            %broadcast_in_dim3A_667 = vector.broadcast %select_n3A_488 : i32 to vector<16xi32>
            %broadcast_in_dim3A_668 = arith.constant 6 : i32
            %broadcast_in_dim3A_669 = vector.broadcast %broadcast_in_dim3A_668 : i32 to vector<16xi32>
            %gather3A_670 = tpu.vector_load_idx %arg9[%broadcast_in_dim3A_667, %broadcast_in_dim3A_669, %sub3A_614] : memref<2x8x4096xf32, #tpu.memory_space<vmem>>[vector<16xi32>, vector<16xi32>, vector<16xi32>], vector<16xf32>,
            %mul3A_671 = arith.constant 8 : i32
            %mul3A_672 = arith.muli %select_n3A_392, %mul3A_671 : i32
            %add3A_673 = arith.constant 6 : i32
            %add3A_674 = arith.addi %mul3A_672, %add3A_673 : i32
            %broadcast_in_dim3A_675 = vector.broadcast %add3A_674 : i32 to vector<16xi32>
            tpu.vector_store_idx %arg12[%add3A_608, %broadcast_in_dim3A_675], %gather3A_670 : memref<256x128xf32, #tpu.memory_space<vmem>>[vector<16xi32>, vector<16xi32>], vector<16xf32>,
            %broadcast_in_dim3A_676 = vector.broadcast %select_n3A_488 : i32 to vector<16xi32>
            %broadcast_in_dim3A_677 = arith.constant 7 : i32
            %broadcast_in_dim3A_678 = vector.broadcast %broadcast_in_dim3A_677 : i32 to vector<16xi32>
            %gather3A_679 = tpu.vector_load_idx %arg9[%broadcast_in_dim3A_676, %broadcast_in_dim3A_678, %sub3A_614] : memref<2x8x4096xf32, #tpu.memory_space<vmem>>[vector<16xi32>, vector<16xi32>, vector<16xi32>], vector<16xf32>,
            %mul3A_680 = arith.constant 8 : i32
            %mul3A_681 = arith.muli %select_n3A_392, %mul3A_680 : i32
            %add3A_682 = arith.constant 7 : i32
            %add3A_683 = arith.addi %mul3A_681, %add3A_682 : i32
            %broadcast_in_dim3A_684 = vector.broadcast %add3A_683 : i32 to vector<16xi32>
            tpu.vector_store_idx %arg12[%add3A_608, %broadcast_in_dim3A_684], %gather3A_679 : memref<256x128xf32, #tpu.memory_space<vmem>>[vector<16xi32>, vector<16xi32>], vector<16xf32>,
          }
        } else {
        }
        %eq3A_589 = arith.constant 24 : i32
        %eq3A_590 = arith.cmpi eq, %select_n3A_461, %eq3A_589 : i32
        %convert_element_type3A_591 = arith.extui %eq3A_590 : i1 to i32
        %cond3A_592 = arith.constant 0 : i32
        %cond3A_593 = arith.cmpi ne, %convert_element_type3A_591, %cond3A_592 : i32
        scf.if %cond3A_593 {
          %while3A_594 = arith.constant 0 : i32
          %while3A_595 = arith.constant 0 : i32
          %while3A_596 = arith.subi %select_n3A_570, %while3A_595 : i32
          %while3A_597 = arith.addi %while3A_595, %while3A_596 : i32
          %while3A_598 = arith.constant 1 : i32
          %while3A_599 = arith.divsi %while3A_596, %while3A_598 : i32
          %while3A_600 = arith.muli %while3A_599, %while3A_598 : i32
          %while3A_601 = arith.addi %while3A_595, %while3A_600 : i32
          %while3A_602 = arith.constant 1 : i32
          scf.for %while3A_604 = %while3A_595 to %while3A_601 step %while3A_602  : i32 {
            %mul3A_605 = arith.constant 16 : i32
            %mul3A_606 = arith.muli %while3A_604, %mul3A_605 : i32
            %add3A_607 = vector.broadcast %mul3A_606 : i32 to vector<16xi32>
            %add3A_608 = arith.addi %add3A_607, %iota3A : vector<16xi32>
            %mul3A_609 = arith.constant 16 : i32
            %mul3A_610 = arith.muli %while3A_604, %mul3A_609 : i32
            %get3A_611 = arith.index_cast %mul3A_610 : i32 to index
            %get3A_612 = tpu.vector_load %arg13[%get3A_611] {strides = array<i32>} : memref<256xi32, #tpu.memory_space<vmem>>, vector<16xi32>,
            %sub3A_613 = vector.broadcast %mul3A_463 : i32 to vector<16xi32>
            %sub3A_614 = arith.subi %get3A_612, %sub3A_613 : vector<16xi32>
            %ge3A = arith.constant 1664 : i32
            %ge3A_615 = vector.broadcast %ge3A : i32 to vector<16xi32>
            %ge3A_616 = arith.cmpi sge, %sub3A_614, %ge3A_615 : vector<16xi32>
            %min3A_617 = arith.constant 1663 : i32
            %min3A_618 = vector.broadcast %min3A_617 : i32 to vector<16xi32>
            %min3A_619 = arith.minsi %sub3A_614, %min3A_618 : vector<16xi32>
            %sub3A_620 = arith.constant 1664 : i32
            %sub3A_621 = vector.broadcast %sub3A_620 : i32 to vector<16xi32>
            %sub3A_622 = arith.subi %sub3A_614, %sub3A_621 : vector<16xi32>
            %jit3A_623 = arith.constant 0 : i32
            %jit3A_624 = arith.constant 31 : i32
            %max3A = vector.broadcast %jit3A_623 : i32 to vector<16xi32>
            %max3A_625 = arith.maxsi %max3A, %sub3A_622 : vector<16xi32>
            %min3A_626 = vector.broadcast %jit3A_624 : i32 to vector<16xi32>
            %min3A_627 = arith.minsi %min3A_626, %max3A_625 : vector<16xi32>
            %broadcast_in_dim3A = vector.broadcast %select_n3A_488 : i32 to vector<16xi32>
            %broadcast_in_dim3A_628 = arith.constant 0 : i32
            %broadcast_in_dim3A_629 = vector.broadcast %broadcast_in_dim3A_628 : i32 to vector<16xi32>
            %gather3A = tpu.vector_load_idx %arg9[%broadcast_in_dim3A, %broadcast_in_dim3A_629, %min3A_619] : memref<2x8x4096xf32, #tpu.memory_space<vmem>>[vector<16xi32>, vector<16xi32>, vector<16xi32>], vector<16xf32>,
            %mul3A_630 = arith.constant 8 : i32
            %mul3A_631 = arith.muli %select_n3A_392, %mul3A_630 : i32
            %add3A_632 = arith.constant 0 : i32
            %add3A_633 = arith.addi %mul3A_631, %add3A_632 : i32
            %broadcast_in_dim3A_634 = vector.broadcast %add3A_633 : i32 to vector<16xi32>
            %gather3A_635 = tpu.vector_load_idx %arg10[%broadcast_in_dim3A_634, %min3A_627] : memref<32x32xf32, #tpu.memory_space<vmem>>[vector<16xi32>, vector<16xi32>], vector<16xf32>,
            %select_n3A_636 = arith.select %ge3A_616, %gather3A_635, %gather3A : vector<16xi1>, vector<16xf32>
            %mul3A_637 = arith.constant 8 : i32
            %mul3A_638 = arith.muli %select_n3A_392, %mul3A_637 : i32
            %add3A_639 = arith.constant 0 : i32
            %add3A_640 = arith.addi %mul3A_638, %add3A_639 : i32
            %broadcast_in_dim3A_641 = vector.broadcast %add3A_640 : i32 to vector<16xi32>
            tpu.vector_store_idx %arg12[%add3A_608, %broadcast_in_dim3A_641], %select_n3A_636 : memref<256x128xf32, #tpu.memory_space<vmem>>[vector<16xi32>, vector<16xi32>], vector<16xf32>,
            %broadcast_in_dim3A_642 = vector.broadcast %select_n3A_488 : i32 to vector<16xi32>
            %broadcast_in_dim3A_643 = arith.constant 1 : i32
            %broadcast_in_dim3A_644 = vector.broadcast %broadcast_in_dim3A_643 : i32 to vector<16xi32>
            %gather3A_645 = tpu.vector_load_idx %arg9[%broadcast_in_dim3A_642, %broadcast_in_dim3A_644, %min3A_619] : memref<2x8x4096xf32, #tpu.memory_space<vmem>>[vector<16xi32>, vector<16xi32>, vector<16xi32>], vector<16xf32>,
            %mul3A_646 = arith.constant 8 : i32
            %mul3A_647 = arith.muli %select_n3A_392, %mul3A_646 : i32
            %add3A_648 = arith.constant 1 : i32
            %add3A_649 = arith.addi %mul3A_647, %add3A_648 : i32
            %broadcast_in_dim3A_650 = vector.broadcast %add3A_649 : i32 to vector<16xi32>
            %gather3A_651 = tpu.vector_load_idx %arg10[%broadcast_in_dim3A_650, %min3A_627] : memref<32x32xf32, #tpu.memory_space<vmem>>[vector<16xi32>, vector<16xi32>], vector<16xf32>,
            %select_n3A_652 = arith.select %ge3A_616, %gather3A_651, %gather3A_645 : vector<16xi1>, vector<16xf32>
            %mul3A_653 = arith.constant 8 : i32
            %mul3A_654 = arith.muli %select_n3A_392, %mul3A_653 : i32
            %add3A_655 = arith.constant 1 : i32
            %add3A_656 = arith.addi %mul3A_654, %add3A_655 : i32
            %broadcast_in_dim3A_657 = vector.broadcast %add3A_656 : i32 to vector<16xi32>
            tpu.vector_store_idx %arg12[%add3A_608, %broadcast_in_dim3A_657], %select_n3A_652 : memref<256x128xf32, #tpu.memory_space<vmem>>[vector<16xi32>, vector<16xi32>], vector<16xf32>,
            %broadcast_in_dim3A_658 = vector.broadcast %select_n3A_488 : i32 to vector<16xi32>
            %broadcast_in_dim3A_659 = arith.constant 2 : i32
            %broadcast_in_dim3A_660 = vector.broadcast %broadcast_in_dim3A_659 : i32 to vector<16xi32>
            %gather3A_661 = tpu.vector_load_idx %arg9[%broadcast_in_dim3A_658, %broadcast_in_dim3A_660, %min3A_619] : memref<2x8x4096xf32, #tpu.memory_space<vmem>>[vector<16xi32>, vector<16xi32>, vector<16xi32>], vector<16xf32>,
            %mul3A_662 = arith.constant 8 : i32
            %mul3A_663 = arith.muli %select_n3A_392, %mul3A_662 : i32
            %add3A_664 = arith.constant 2 : i32
            %add3A_665 = arith.addi %mul3A_663, %add3A_664 : i32
            %broadcast_in_dim3A_666 = vector.broadcast %add3A_665 : i32 to vector<16xi32>
            %gather3A_667 = tpu.vector_load_idx %arg10[%broadcast_in_dim3A_666, %min3A_627] : memref<32x32xf32, #tpu.memory_space<vmem>>[vector<16xi32>, vector<16xi32>], vector<16xf32>,
            %select_n3A_668 = arith.select %ge3A_616, %gather3A_667, %gather3A_661 : vector<16xi1>, vector<16xf32>
            %mul3A_669 = arith.constant 8 : i32
            %mul3A_670 = arith.muli %select_n3A_392, %mul3A_669 : i32
            %add3A_671 = arith.constant 2 : i32
            %add3A_672 = arith.addi %mul3A_670, %add3A_671 : i32
            %broadcast_in_dim3A_673 = vector.broadcast %add3A_672 : i32 to vector<16xi32>
            tpu.vector_store_idx %arg12[%add3A_608, %broadcast_in_dim3A_673], %select_n3A_668 : memref<256x128xf32, #tpu.memory_space<vmem>>[vector<16xi32>, vector<16xi32>], vector<16xf32>,
            %broadcast_in_dim3A_674 = vector.broadcast %select_n3A_488 : i32 to vector<16xi32>
            %broadcast_in_dim3A_675 = arith.constant 3 : i32
            %broadcast_in_dim3A_676 = vector.broadcast %broadcast_in_dim3A_675 : i32 to vector<16xi32>
            %gather3A_677 = tpu.vector_load_idx %arg9[%broadcast_in_dim3A_674, %broadcast_in_dim3A_676, %min3A_619] : memref<2x8x4096xf32, #tpu.memory_space<vmem>>[vector<16xi32>, vector<16xi32>, vector<16xi32>], vector<16xf32>,
            %mul3A_678 = arith.constant 8 : i32
            %mul3A_679 = arith.muli %select_n3A_392, %mul3A_678 : i32
            %add3A_680 = arith.constant 3 : i32
            %add3A_681 = arith.addi %mul3A_679, %add3A_680 : i32
            %broadcast_in_dim3A_682 = vector.broadcast %add3A_681 : i32 to vector<16xi32>
            %gather3A_683 = tpu.vector_load_idx %arg10[%broadcast_in_dim3A_682, %min3A_627] : memref<32x32xf32, #tpu.memory_space<vmem>>[vector<16xi32>, vector<16xi32>], vector<16xf32>,
            %select_n3A_684 = arith.select %ge3A_616, %gather3A_683, %gather3A_677 : vector<16xi1>, vector<16xf32>
            %mul3A_685 = arith.constant 8 : i32
            %mul3A_686 = arith.muli %select_n3A_392, %mul3A_685 : i32
            %add3A_687 = arith.constant 3 : i32
            %add3A_688 = arith.addi %mul3A_686, %add3A_687 : i32
            %broadcast_in_dim3A_689 = vector.broadcast %add3A_688 : i32 to vector<16xi32>
            tpu.vector_store_idx %arg12[%add3A_608, %broadcast_in_dim3A_689], %select_n3A_684 : memref<256x128xf32, #tpu.memory_space<vmem>>[vector<16xi32>, vector<16xi32>], vector<16xf32>,
            %broadcast_in_dim3A_690 = vector.broadcast %select_n3A_488 : i32 to vector<16xi32>
            %broadcast_in_dim3A_691 = arith.constant 4 : i32
            %broadcast_in_dim3A_692 = vector.broadcast %broadcast_in_dim3A_691 : i32 to vector<16xi32>
            %gather3A_693 = tpu.vector_load_idx %arg9[%broadcast_in_dim3A_690, %broadcast_in_dim3A_692, %min3A_619] : memref<2x8x4096xf32, #tpu.memory_space<vmem>>[vector<16xi32>, vector<16xi32>, vector<16xi32>], vector<16xf32>,
            %mul3A_694 = arith.constant 8 : i32
            %mul3A_695 = arith.muli %select_n3A_392, %mul3A_694 : i32
            %add3A_696 = arith.constant 4 : i32
            %add3A_697 = arith.addi %mul3A_695, %add3A_696 : i32
            %broadcast_in_dim3A_698 = vector.broadcast %add3A_697 : i32 to vector<16xi32>
            %gather3A_699 = tpu.vector_load_idx %arg10[%broadcast_in_dim3A_698, %min3A_627] : memref<32x32xf32, #tpu.memory_space<vmem>>[vector<16xi32>, vector<16xi32>], vector<16xf32>,
            %select_n3A_700 = arith.select %ge3A_616, %gather3A_699, %gather3A_693 : vector<16xi1>, vector<16xf32>
            %mul3A_701 = arith.constant 8 : i32
            %mul3A_702 = arith.muli %select_n3A_392, %mul3A_701 : i32
            %add3A_703 = arith.constant 4 : i32
            %add3A_704 = arith.addi %mul3A_702, %add3A_703 : i32
            %broadcast_in_dim3A_705 = vector.broadcast %add3A_704 : i32 to vector<16xi32>
            tpu.vector_store_idx %arg12[%add3A_608, %broadcast_in_dim3A_705], %select_n3A_700 : memref<256x128xf32, #tpu.memory_space<vmem>>[vector<16xi32>, vector<16xi32>], vector<16xf32>,
            %broadcast_in_dim3A_706 = vector.broadcast %select_n3A_488 : i32 to vector<16xi32>
            %broadcast_in_dim3A_707 = arith.constant 5 : i32
            %broadcast_in_dim3A_708 = vector.broadcast %broadcast_in_dim3A_707 : i32 to vector<16xi32>
            %gather3A_709 = tpu.vector_load_idx %arg9[%broadcast_in_dim3A_706, %broadcast_in_dim3A_708, %min3A_619] : memref<2x8x4096xf32, #tpu.memory_space<vmem>>[vector<16xi32>, vector<16xi32>, vector<16xi32>], vector<16xf32>,
            %mul3A_710 = arith.constant 8 : i32
            %mul3A_711 = arith.muli %select_n3A_392, %mul3A_710 : i32
            %add3A_712 = arith.constant 5 : i32
            %add3A_713 = arith.addi %mul3A_711, %add3A_712 : i32
            %broadcast_in_dim3A_714 = vector.broadcast %add3A_713 : i32 to vector<16xi32>
            %gather3A_715 = tpu.vector_load_idx %arg10[%broadcast_in_dim3A_714, %min3A_627] : memref<32x32xf32, #tpu.memory_space<vmem>>[vector<16xi32>, vector<16xi32>], vector<16xf32>,
            %select_n3A_716 = arith.select %ge3A_616, %gather3A_715, %gather3A_709 : vector<16xi1>, vector<16xf32>
            %mul3A_717 = arith.constant 8 : i32
            %mul3A_718 = arith.muli %select_n3A_392, %mul3A_717 : i32
            %add3A_719 = arith.constant 5 : i32
            %add3A_720 = arith.addi %mul3A_718, %add3A_719 : i32
            %broadcast_in_dim3A_721 = vector.broadcast %add3A_720 : i32 to vector<16xi32>
            tpu.vector_store_idx %arg12[%add3A_608, %broadcast_in_dim3A_721], %select_n3A_716 : memref<256x128xf32, #tpu.memory_space<vmem>>[vector<16xi32>, vector<16xi32>], vector<16xf32>,
            %broadcast_in_dim3A_722 = vector.broadcast %select_n3A_488 : i32 to vector<16xi32>
            %broadcast_in_dim3A_723 = arith.constant 6 : i32
            %broadcast_in_dim3A_724 = vector.broadcast %broadcast_in_dim3A_723 : i32 to vector<16xi32>
            %gather3A_725 = tpu.vector_load_idx %arg9[%broadcast_in_dim3A_722, %broadcast_in_dim3A_724, %min3A_619] : memref<2x8x4096xf32, #tpu.memory_space<vmem>>[vector<16xi32>, vector<16xi32>, vector<16xi32>], vector<16xf32>,
            %mul3A_726 = arith.constant 8 : i32
            %mul3A_727 = arith.muli %select_n3A_392, %mul3A_726 : i32
            %add3A_728 = arith.constant 6 : i32
            %add3A_729 = arith.addi %mul3A_727, %add3A_728 : i32
            %broadcast_in_dim3A_730 = vector.broadcast %add3A_729 : i32 to vector<16xi32>
            %gather3A_731 = tpu.vector_load_idx %arg10[%broadcast_in_dim3A_730, %min3A_627] : memref<32x32xf32, #tpu.memory_space<vmem>>[vector<16xi32>, vector<16xi32>], vector<16xf32>,
            %select_n3A_732 = arith.select %ge3A_616, %gather3A_731, %gather3A_725 : vector<16xi1>, vector<16xf32>
            %mul3A_733 = arith.constant 8 : i32
            %mul3A_734 = arith.muli %select_n3A_392, %mul3A_733 : i32
            %add3A_735 = arith.constant 6 : i32
            %add3A_736 = arith.addi %mul3A_734, %add3A_735 : i32
            %broadcast_in_dim3A_737 = vector.broadcast %add3A_736 : i32 to vector<16xi32>
            tpu.vector_store_idx %arg12[%add3A_608, %broadcast_in_dim3A_737], %select_n3A_732 : memref<256x128xf32, #tpu.memory_space<vmem>>[vector<16xi32>, vector<16xi32>], vector<16xf32>,
            %broadcast_in_dim3A_738 = vector.broadcast %select_n3A_488 : i32 to vector<16xi32>
            %broadcast_in_dim3A_739 = arith.constant 7 : i32
            %broadcast_in_dim3A_740 = vector.broadcast %broadcast_in_dim3A_739 : i32 to vector<16xi32>
            %gather3A_741 = tpu.vector_load_idx %arg9[%broadcast_in_dim3A_738, %broadcast_in_dim3A_740, %min3A_619] : memref<2x8x4096xf32, #tpu.memory_space<vmem>>[vector<16xi32>, vector<16xi32>, vector<16xi32>], vector<16xf32>,
            %mul3A_742 = arith.constant 8 : i32
            %mul3A_743 = arith.muli %select_n3A_392, %mul3A_742 : i32
            %add3A_744 = arith.constant 7 : i32
            %add3A_745 = arith.addi %mul3A_743, %add3A_744 : i32
            %broadcast_in_dim3A_746 = vector.broadcast %add3A_745 : i32 to vector<16xi32>
            %gather3A_747 = tpu.vector_load_idx %arg10[%broadcast_in_dim3A_746, %min3A_627] : memref<32x32xf32, #tpu.memory_space<vmem>>[vector<16xi32>, vector<16xi32>], vector<16xf32>,
            %select_n3A_748 = arith.select %ge3A_616, %gather3A_747, %gather3A_741 : vector<16xi1>, vector<16xf32>
            %mul3A_749 = arith.constant 8 : i32
            %mul3A_750 = arith.muli %select_n3A_392, %mul3A_749 : i32
            %add3A_751 = arith.constant 7 : i32
            %add3A_752 = arith.addi %mul3A_750, %add3A_751 : i32
            %broadcast_in_dim3A_753 = vector.broadcast %add3A_752 : i32 to vector<16xi32>
            tpu.vector_store_idx %arg12[%add3A_608, %broadcast_in_dim3A_753], %select_n3A_748 : memref<256x128xf32, #tpu.memory_space<vmem>>[vector<16xi32>, vector<16xi32>], vector<16xf32>,
          }
          %while3A_603 = arith.constant 1 : i32
          scf.for %while3A_604 = %while3A_601 to %while3A_597 step %while3A_603  : i32 {
            %mul3A_605 = arith.constant 16 : i32
            %mul3A_606 = arith.muli %while3A_604, %mul3A_605 : i32
            %add3A_607 = vector.broadcast %mul3A_606 : i32 to vector<16xi32>
            %add3A_608 = arith.addi %add3A_607, %iota3A : vector<16xi32>
            %mul3A_609 = arith.constant 16 : i32
            %mul3A_610 = arith.muli %while3A_604, %mul3A_609 : i32
            %get3A_611 = arith.index_cast %mul3A_610 : i32 to index
            %get3A_612 = tpu.vector_load %arg13[%get3A_611] {strides = array<i32>} : memref<256xi32, #tpu.memory_space<vmem>>, vector<16xi32>,
            %sub3A_613 = vector.broadcast %mul3A_463 : i32 to vector<16xi32>
            %sub3A_614 = arith.subi %get3A_612, %sub3A_613 : vector<16xi32>
            %ge3A = arith.constant 1664 : i32
            %ge3A_615 = vector.broadcast %ge3A : i32 to vector<16xi32>
            %ge3A_616 = arith.cmpi sge, %sub3A_614, %ge3A_615 : vector<16xi32>
            %min3A_617 = arith.constant 1663 : i32
            %min3A_618 = vector.broadcast %min3A_617 : i32 to vector<16xi32>
            %min3A_619 = arith.minsi %sub3A_614, %min3A_618 : vector<16xi32>
            %sub3A_620 = arith.constant 1664 : i32
            %sub3A_621 = vector.broadcast %sub3A_620 : i32 to vector<16xi32>
            %sub3A_622 = arith.subi %sub3A_614, %sub3A_621 : vector<16xi32>
            %jit3A_623 = arith.constant 0 : i32
            %jit3A_624 = arith.constant 31 : i32
            %max3A = vector.broadcast %jit3A_623 : i32 to vector<16xi32>
            %max3A_625 = arith.maxsi %max3A, %sub3A_622 : vector<16xi32>
            %min3A_626 = vector.broadcast %jit3A_624 : i32 to vector<16xi32>
            %min3A_627 = arith.minsi %min3A_626, %max3A_625 : vector<16xi32>
            %broadcast_in_dim3A = vector.broadcast %select_n3A_488 : i32 to vector<16xi32>
            %broadcast_in_dim3A_628 = arith.constant 0 : i32
            %broadcast_in_dim3A_629 = vector.broadcast %broadcast_in_dim3A_628 : i32 to vector<16xi32>
            %gather3A = tpu.vector_load_idx %arg9[%broadcast_in_dim3A, %broadcast_in_dim3A_629, %min3A_619] : memref<2x8x4096xf32, #tpu.memory_space<vmem>>[vector<16xi32>, vector<16xi32>, vector<16xi32>], vector<16xf32>,
            %mul3A_630 = arith.constant 8 : i32
            %mul3A_631 = arith.muli %select_n3A_392, %mul3A_630 : i32
            %add3A_632 = arith.constant 0 : i32
            %add3A_633 = arith.addi %mul3A_631, %add3A_632 : i32
            %broadcast_in_dim3A_634 = vector.broadcast %add3A_633 : i32 to vector<16xi32>
            %gather3A_635 = tpu.vector_load_idx %arg10[%broadcast_in_dim3A_634, %min3A_627] : memref<32x32xf32, #tpu.memory_space<vmem>>[vector<16xi32>, vector<16xi32>], vector<16xf32>,
            %select_n3A_636 = arith.select %ge3A_616, %gather3A_635, %gather3A : vector<16xi1>, vector<16xf32>
            %mul3A_637 = arith.constant 8 : i32
            %mul3A_638 = arith.muli %select_n3A_392, %mul3A_637 : i32
            %add3A_639 = arith.constant 0 : i32
            %add3A_640 = arith.addi %mul3A_638, %add3A_639 : i32
            %broadcast_in_dim3A_641 = vector.broadcast %add3A_640 : i32 to vector<16xi32>
            tpu.vector_store_idx %arg12[%add3A_608, %broadcast_in_dim3A_641], %select_n3A_636 : memref<256x128xf32, #tpu.memory_space<vmem>>[vector<16xi32>, vector<16xi32>], vector<16xf32>,
            %broadcast_in_dim3A_642 = vector.broadcast %select_n3A_488 : i32 to vector<16xi32>
            %broadcast_in_dim3A_643 = arith.constant 1 : i32
            %broadcast_in_dim3A_644 = vector.broadcast %broadcast_in_dim3A_643 : i32 to vector<16xi32>
            %gather3A_645 = tpu.vector_load_idx %arg9[%broadcast_in_dim3A_642, %broadcast_in_dim3A_644, %min3A_619] : memref<2x8x4096xf32, #tpu.memory_space<vmem>>[vector<16xi32>, vector<16xi32>, vector<16xi32>], vector<16xf32>,
            %mul3A_646 = arith.constant 8 : i32
            %mul3A_647 = arith.muli %select_n3A_392, %mul3A_646 : i32
            %add3A_648 = arith.constant 1 : i32
            %add3A_649 = arith.addi %mul3A_647, %add3A_648 : i32
            %broadcast_in_dim3A_650 = vector.broadcast %add3A_649 : i32 to vector<16xi32>
            %gather3A_651 = tpu.vector_load_idx %arg10[%broadcast_in_dim3A_650, %min3A_627] : memref<32x32xf32, #tpu.memory_space<vmem>>[vector<16xi32>, vector<16xi32>], vector<16xf32>,
            %select_n3A_652 = arith.select %ge3A_616, %gather3A_651, %gather3A_645 : vector<16xi1>, vector<16xf32>
            %mul3A_653 = arith.constant 8 : i32
            %mul3A_654 = arith.muli %select_n3A_392, %mul3A_653 : i32
            %add3A_655 = arith.constant 1 : i32
            %add3A_656 = arith.addi %mul3A_654, %add3A_655 : i32
            %broadcast_in_dim3A_657 = vector.broadcast %add3A_656 : i32 to vector<16xi32>
            tpu.vector_store_idx %arg12[%add3A_608, %broadcast_in_dim3A_657], %select_n3A_652 : memref<256x128xf32, #tpu.memory_space<vmem>>[vector<16xi32>, vector<16xi32>], vector<16xf32>,
            %broadcast_in_dim3A_658 = vector.broadcast %select_n3A_488 : i32 to vector<16xi32>
            %broadcast_in_dim3A_659 = arith.constant 2 : i32
            %broadcast_in_dim3A_660 = vector.broadcast %broadcast_in_dim3A_659 : i32 to vector<16xi32>
            %gather3A_661 = tpu.vector_load_idx %arg9[%broadcast_in_dim3A_658, %broadcast_in_dim3A_660, %min3A_619] : memref<2x8x4096xf32, #tpu.memory_space<vmem>>[vector<16xi32>, vector<16xi32>, vector<16xi32>], vector<16xf32>,
            %mul3A_662 = arith.constant 8 : i32
            %mul3A_663 = arith.muli %select_n3A_392, %mul3A_662 : i32
            %add3A_664 = arith.constant 2 : i32
            %add3A_665 = arith.addi %mul3A_663, %add3A_664 : i32
            %broadcast_in_dim3A_666 = vector.broadcast %add3A_665 : i32 to vector<16xi32>
            %gather3A_667 = tpu.vector_load_idx %arg10[%broadcast_in_dim3A_666, %min3A_627] : memref<32x32xf32, #tpu.memory_space<vmem>>[vector<16xi32>, vector<16xi32>], vector<16xf32>,
            %select_n3A_668 = arith.select %ge3A_616, %gather3A_667, %gather3A_661 : vector<16xi1>, vector<16xf32>
            %mul3A_669 = arith.constant 8 : i32
            %mul3A_670 = arith.muli %select_n3A_392, %mul3A_669 : i32
            %add3A_671 = arith.constant 2 : i32
            %add3A_672 = arith.addi %mul3A_670, %add3A_671 : i32
            %broadcast_in_dim3A_673 = vector.broadcast %add3A_672 : i32 to vector<16xi32>
            tpu.vector_store_idx %arg12[%add3A_608, %broadcast_in_dim3A_673], %select_n3A_668 : memref<256x128xf32, #tpu.memory_space<vmem>>[vector<16xi32>, vector<16xi32>], vector<16xf32>,
            %broadcast_in_dim3A_674 = vector.broadcast %select_n3A_488 : i32 to vector<16xi32>
            %broadcast_in_dim3A_675 = arith.constant 3 : i32
            %broadcast_in_dim3A_676 = vector.broadcast %broadcast_in_dim3A_675 : i32 to vector<16xi32>
            %gather3A_677 = tpu.vector_load_idx %arg9[%broadcast_in_dim3A_674, %broadcast_in_dim3A_676, %min3A_619] : memref<2x8x4096xf32, #tpu.memory_space<vmem>>[vector<16xi32>, vector<16xi32>, vector<16xi32>], vector<16xf32>,
            %mul3A_678 = arith.constant 8 : i32
            %mul3A_679 = arith.muli %select_n3A_392, %mul3A_678 : i32
            %add3A_680 = arith.constant 3 : i32
            %add3A_681 = arith.addi %mul3A_679, %add3A_680 : i32
            %broadcast_in_dim3A_682 = vector.broadcast %add3A_681 : i32 to vector<16xi32>
            %gather3A_683 = tpu.vector_load_idx %arg10[%broadcast_in_dim3A_682, %min3A_627] : memref<32x32xf32, #tpu.memory_space<vmem>>[vector<16xi32>, vector<16xi32>], vector<16xf32>,
            %select_n3A_684 = arith.select %ge3A_616, %gather3A_683, %gather3A_677 : vector<16xi1>, vector<16xf32>
            %mul3A_685 = arith.constant 8 : i32
            %mul3A_686 = arith.muli %select_n3A_392, %mul3A_685 : i32
            %add3A_687 = arith.constant 3 : i32
            %add3A_688 = arith.addi %mul3A_686, %add3A_687 : i32
            %broadcast_in_dim3A_689 = vector.broadcast %add3A_688 : i32 to vector<16xi32>
            tpu.vector_store_idx %arg12[%add3A_608, %broadcast_in_dim3A_689], %select_n3A_684 : memref<256x128xf32, #tpu.memory_space<vmem>>[vector<16xi32>, vector<16xi32>], vector<16xf32>,
            %broadcast_in_dim3A_690 = vector.broadcast %select_n3A_488 : i32 to vector<16xi32>
            %broadcast_in_dim3A_691 = arith.constant 4 : i32
            %broadcast_in_dim3A_692 = vector.broadcast %broadcast_in_dim3A_691 : i32 to vector<16xi32>
            %gather3A_693 = tpu.vector_load_idx %arg9[%broadcast_in_dim3A_690, %broadcast_in_dim3A_692, %min3A_619] : memref<2x8x4096xf32, #tpu.memory_space<vmem>>[vector<16xi32>, vector<16xi32>, vector<16xi32>], vector<16xf32>,
            %mul3A_694 = arith.constant 8 : i32
            %mul3A_695 = arith.muli %select_n3A_392, %mul3A_694 : i32
            %add3A_696 = arith.constant 4 : i32
            %add3A_697 = arith.addi %mul3A_695, %add3A_696 : i32
            %broadcast_in_dim3A_698 = vector.broadcast %add3A_697 : i32 to vector<16xi32>
            %gather3A_699 = tpu.vector_load_idx %arg10[%broadcast_in_dim3A_698, %min3A_627] : memref<32x32xf32, #tpu.memory_space<vmem>>[vector<16xi32>, vector<16xi32>], vector<16xf32>,
            %select_n3A_700 = arith.select %ge3A_616, %gather3A_699, %gather3A_693 : vector<16xi1>, vector<16xf32>
            %mul3A_701 = arith.constant 8 : i32
            %mul3A_702 = arith.muli %select_n3A_392, %mul3A_701 : i32
            %add3A_703 = arith.constant 4 : i32
            %add3A_704 = arith.addi %mul3A_702, %add3A_703 : i32
            %broadcast_in_dim3A_705 = vector.broadcast %add3A_704 : i32 to vector<16xi32>
            tpu.vector_store_idx %arg12[%add3A_608, %broadcast_in_dim3A_705], %select_n3A_700 : memref<256x128xf32, #tpu.memory_space<vmem>>[vector<16xi32>, vector<16xi32>], vector<16xf32>,
            %broadcast_in_dim3A_706 = vector.broadcast %select_n3A_488 : i32 to vector<16xi32>
            %broadcast_in_dim3A_707 = arith.constant 5 : i32
            %broadcast_in_dim3A_708 = vector.broadcast %broadcast_in_dim3A_707 : i32 to vector<16xi32>
            %gather3A_709 = tpu.vector_load_idx %arg9[%broadcast_in_dim3A_706, %broadcast_in_dim3A_708, %min3A_619] : memref<2x8x4096xf32, #tpu.memory_space<vmem>>[vector<16xi32>, vector<16xi32>, vector<16xi32>], vector<16xf32>,
            %mul3A_710 = arith.constant 8 : i32
            %mul3A_711 = arith.muli %select_n3A_392, %mul3A_710 : i32
            %add3A_712 = arith.constant 5 : i32
            %add3A_713 = arith.addi %mul3A_711, %add3A_712 : i32
            %broadcast_in_dim3A_714 = vector.broadcast %add3A_713 : i32 to vector<16xi32>
            %gather3A_715 = tpu.vector_load_idx %arg10[%broadcast_in_dim3A_714, %min3A_627] : memref<32x32xf32, #tpu.memory_space<vmem>>[vector<16xi32>, vector<16xi32>], vector<16xf32>,
            %select_n3A_716 = arith.select %ge3A_616, %gather3A_715, %gather3A_709 : vector<16xi1>, vector<16xf32>
            %mul3A_717 = arith.constant 8 : i32
            %mul3A_718 = arith.muli %select_n3A_392, %mul3A_717 : i32
            %add3A_719 = arith.constant 5 : i32
            %add3A_720 = arith.addi %mul3A_718, %add3A_719 : i32
            %broadcast_in_dim3A_721 = vector.broadcast %add3A_720 : i32 to vector<16xi32>
            tpu.vector_store_idx %arg12[%add3A_608, %broadcast_in_dim3A_721], %select_n3A_716 : memref<256x128xf32, #tpu.memory_space<vmem>>[vector<16xi32>, vector<16xi32>], vector<16xf32>,
            %broadcast_in_dim3A_722 = vector.broadcast %select_n3A_488 : i32 to vector<16xi32>
            %broadcast_in_dim3A_723 = arith.constant 6 : i32
            %broadcast_in_dim3A_724 = vector.broadcast %broadcast_in_dim3A_723 : i32 to vector<16xi32>
            %gather3A_725 = tpu.vector_load_idx %arg9[%broadcast_in_dim3A_722, %broadcast_in_dim3A_724, %min3A_619] : memref<2x8x4096xf32, #tpu.memory_space<vmem>>[vector<16xi32>, vector<16xi32>, vector<16xi32>], vector<16xf32>,
            %mul3A_726 = arith.constant 8 : i32
            %mul3A_727 = arith.muli %select_n3A_392, %mul3A_726 : i32
            %add3A_728 = arith.constant 6 : i32
            %add3A_729 = arith.addi %mul3A_727, %add3A_728 : i32
            %broadcast_in_dim3A_730 = vector.broadcast %add3A_729 : i32 to vector<16xi32>
            %gather3A_731 = tpu.vector_load_idx %arg10[%broadcast_in_dim3A_730, %min3A_627] : memref<32x32xf32, #tpu.memory_space<vmem>>[vector<16xi32>, vector<16xi32>], vector<16xf32>,
            %select_n3A_732 = arith.select %ge3A_616, %gather3A_731, %gather3A_725 : vector<16xi1>, vector<16xf32>
            %mul3A_733 = arith.constant 8 : i32
            %mul3A_734 = arith.muli %select_n3A_392, %mul3A_733 : i32
            %add3A_735 = arith.constant 6 : i32
            %add3A_736 = arith.addi %mul3A_734, %add3A_735 : i32
            %broadcast_in_dim3A_737 = vector.broadcast %add3A_736 : i32 to vector<16xi32>
            tpu.vector_store_idx %arg12[%add3A_608, %broadcast_in_dim3A_737], %select_n3A_732 : memref<256x128xf32, #tpu.memory_space<vmem>>[vector<16xi32>, vector<16xi32>], vector<16xf32>,
            %broadcast_in_dim3A_738 = vector.broadcast %select_n3A_488 : i32 to vector<16xi32>
            %broadcast_in_dim3A_739 = arith.constant 7 : i32
            %broadcast_in_dim3A_740 = vector.broadcast %broadcast_in_dim3A_739 : i32 to vector<16xi32>
            %gather3A_741 = tpu.vector_load_idx %arg9[%broadcast_in_dim3A_738, %broadcast_in_dim3A_740, %min3A_619] : memref<2x8x4096xf32, #tpu.memory_space<vmem>>[vector<16xi32>, vector<16xi32>, vector<16xi32>], vector<16xf32>,
            %mul3A_742 = arith.constant 8 : i32
            %mul3A_743 = arith.muli %select_n3A_392, %mul3A_742 : i32
            %add3A_744 = arith.constant 7 : i32
            %add3A_745 = arith.addi %mul3A_743, %add3A_744 : i32
            %broadcast_in_dim3A_746 = vector.broadcast %add3A_745 : i32 to vector<16xi32>
            %gather3A_747 = tpu.vector_load_idx %arg10[%broadcast_in_dim3A_746, %min3A_627] : memref<32x32xf32, #tpu.memory_space<vmem>>[vector<16xi32>, vector<16xi32>], vector<16xf32>,
            %select_n3A_748 = arith.select %ge3A_616, %gather3A_747, %gather3A_741 : vector<16xi1>, vector<16xf32>
            %mul3A_749 = arith.constant 8 : i32
            %mul3A_750 = arith.muli %select_n3A_392, %mul3A_749 : i32
            %add3A_751 = arith.constant 7 : i32
            %add3A_752 = arith.addi %mul3A_750, %add3A_751 : i32
            %broadcast_in_dim3A_753 = vector.broadcast %add3A_752 : i32 to vector<16xi32>
            tpu.vector_store_idx %arg12[%add3A_608, %broadcast_in_dim3A_753], %select_n3A_748 : memref<256x128xf32, #tpu.memory_space<vmem>>[vector<16xi32>, vector<16xi32>], vector<16xf32>,
          }
        } else {
        }
      } else {
      }
      %eq3A_575 = arith.constant 3 : i32
      %eq3A_576 = arith.cmpi eq, %select_n3A_392, %eq3A_575 : i32
      %and3A_577 = arith.andi %eq3A_576, %lt3A_421 : i1
      %gt3A_578 = arith.constant 0 : i32
      %gt3A_579 = arith.cmpi sgt, %get3A_542, %gt3A_578 : i32
      %and3A_580 = arith.andi %and3A_577, %gt3A_579 : i1
      %convert_element_type3A_581 = arith.extui %and3A_580 : i1 to i32
      %cond3A_582 = arith.constant 0 : i32
      %cond3A_583 = arith.cmpi ne, %convert_element_type3A_581, %cond3A_582 : i32
      scf.if %cond3A_583 {
        %while3A_584 = arith.constant 0 : i32
        %while3A_585 = arith.constant 0 : i32
        %while3A_586 = arith.subi %select_n3A_570, %while3A_585 : i32
        %while3A_587 = arith.addi %while3A_585, %while3A_586 : i32
        %while3A_588 = arith.constant 1 : i32
        %while3A_589 = arith.divsi %while3A_586, %while3A_588 : i32
        %while3A_590 = arith.muli %while3A_589, %while3A_588 : i32
        %while3A_591 = arith.addi %while3A_585, %while3A_590 : i32
        %while3A_592 = arith.constant 1 : i32
        scf.for %while3A_597 = %while3A_585 to %while3A_591 step %while3A_592  : i32 {
          %mul3A_598 = arith.constant 16 : i32
          %mul3A_599 = arith.muli %while3A_597, %mul3A_598 : i32
          %dma_start3A_600 = arith.constant 0 : i32
          %dma_start3A_601 = tpu.memref_slice %arg12[%mul3A_599, %dma_start3A_600] : memref<256x128xf32, #tpu.memory_space<vmem>> -> memref<16x128xf32, #tpu.memory_space<vmem>>
          %dma_start3A_602 = arith.constant 0 : i32
          %dma_start3A_603 = tpu.memref_slice %arg15[%while3A_597, %dma_start3A_602] : memref<16x16xi32, #tpu.memory_space<vmem>> -> memref<1x16xi32, #tpu.memory_space<vmem>>
          %dma_start3A_604 = tpu.memref_squeeze %dma_start3A_603 : memref<1x16xi32, #tpu.memory_space<vmem>> -> memref<16xi32, #tpu.memory_space<vmem>>
          %dma_start3A_605 = arith.constant 0 : i32
          %dma_start3A_606 = arith.constant 0 : i32
          %dma_start3A_607 = tpu.memref_slice %arg8[%dma_start3A_605, %dma_start3A_606] : memref<110592x128xf32, #tpu.memory_space<hbm>> -> memref<110592x128xf32, #tpu.memory_space<hbm>>
          tpu.enqueue_indirect_dma source(%dma_start3A_601 : memref<16x128xf32, #tpu.memory_space<vmem>>) target(%dma_start3A_607 : memref<110592x128xf32, #tpu.memory_space<hbm>>) offsets(%dma_start3A_604 : memref<16xi32, #tpu.memory_space<vmem>>) semaphore(%arg21 : memref<!tpu.dma_semaphore, #tpu.memory_space<semaphore_mem>>)
        }
        %while3A_593 = arith.constant 1 : i32
        scf.for %while3A_597 = %while3A_591 to %while3A_587 step %while3A_593  : i32 {
          %mul3A_598 = arith.constant 16 : i32
          %mul3A_599 = arith.muli %while3A_597, %mul3A_598 : i32
          %dma_start3A_600 = arith.constant 0 : i32
          %dma_start3A_601 = tpu.memref_slice %arg12[%mul3A_599, %dma_start3A_600] : memref<256x128xf32, #tpu.memory_space<vmem>> -> memref<16x128xf32, #tpu.memory_space<vmem>>
          %dma_start3A_602 = arith.constant 0 : i32
          %dma_start3A_603 = tpu.memref_slice %arg15[%while3A_597, %dma_start3A_602] : memref<16x16xi32, #tpu.memory_space<vmem>> -> memref<1x16xi32, #tpu.memory_space<vmem>>
          %dma_start3A_604 = tpu.memref_squeeze %dma_start3A_603 : memref<1x16xi32, #tpu.memory_space<vmem>> -> memref<16xi32, #tpu.memory_space<vmem>>
          %dma_start3A_605 = arith.constant 0 : i32
          %dma_start3A_606 = arith.constant 0 : i32
          %dma_start3A_607 = tpu.memref_slice %arg8[%dma_start3A_605, %dma_start3A_606] : memref<110592x128xf32, #tpu.memory_space<hbm>> -> memref<110592x128xf32, #tpu.memory_space<hbm>>
          tpu.enqueue_indirect_dma source(%dma_start3A_601 : memref<16x128xf32, #tpu.memory_space<vmem>>) target(%dma_start3A_607 : memref<110592x128xf32, #tpu.memory_space<hbm>>) offsets(%dma_start3A_604 : memref<16xi32, #tpu.memory_space<vmem>>) semaphore(%arg21 : memref<!tpu.dma_semaphore, #tpu.memory_space<semaphore_mem>>)
        }
        %swap3A_594 = arith.constant 1 : i32
        %swap3A_595 = arith.index_cast %swap3A_594 : i32 to index
        %swap3A_596 = memref.load %arg19[%swap3A_595] : memref<4xi32, #tpu.memory_space<smem>>
        memref.store %select_n3A_570, %arg19[%swap3A_595] : memref<4xi32, #tpu.memory_space<smem>>
      } else {
      }
    }
    %scan3A_51 = arith.constant 84 : i32
    %get3A = arith.constant 1 : i32
    %get3A_52 = arith.index_cast %get3A : i32 to index
    %get3A_53 = memref.load %arg19[%get3A_52] : memref<4xi32, #tpu.memory_space<smem>>
    %while3A = arith.constant 0 : i32
    %while3A_54 = arith.constant 0 : i32
    %while3A_55 = arith.subi %get3A_53, %while3A_54 : i32
    %while3A_56 = arith.addi %while3A_54, %while3A_55 : i32
    %while3A_57 = arith.constant 1 : i32
    %while3A_58 = arith.divsi %while3A_55, %while3A_57 : i32
    %while3A_59 = arith.muli %while3A_58, %while3A_57 : i32
    %while3A_60 = arith.addi %while3A_54, %while3A_59 : i32
    %while3A_61 = arith.constant 1 : i32
    scf.for %while3A_347 = %while3A_54 to %while3A_60 step %while3A_61  : i32 {
      %dma_wait3A_348 = arith.constant 0 : i32
      %dma_wait3A_349 = arith.constant 0 : i32
      %dma_wait3A_350 = arith.constant 0 : i32
      %dma_wait3A_351 = tpu.memref_slice %arg12[%dma_wait3A_349, %dma_wait3A_350] : memref<256x128xf32, #tpu.memory_space<vmem>> -> memref<16x128xf32, #tpu.memory_space<vmem>>
      %dma_wait3A_352 = arith.constant 0 : i32
      %dma_wait3A_353 = tpu.memref_slice %arg15[%dma_wait3A_348, %dma_wait3A_352] : memref<16x16xi32, #tpu.memory_space<vmem>> -> memref<1x16xi32, #tpu.memory_space<vmem>>
      %dma_wait3A_354 = tpu.memref_squeeze %dma_wait3A_353 : memref<1x16xi32, #tpu.memory_space<vmem>> -> memref<16xi32, #tpu.memory_space<vmem>>
      %dma_wait3A_355 = arith.constant 0 : i32
      %dma_wait3A_356 = arith.constant 0 : i32
      %dma_wait3A_357 = tpu.memref_slice %arg8[%dma_wait3A_355, %dma_wait3A_356] : memref<110592x128xf32, #tpu.memory_space<hbm>> -> memref<110592x128xf32, #tpu.memory_space<hbm>>
      tpu.wait_indirect_dma semaphore(%arg21 : memref<!tpu.dma_semaphore, #tpu.memory_space<semaphore_mem>>) src(%dma_wait3A_351 : memref<16x128xf32, #tpu.memory_space<vmem>>) dst(%dma_wait3A_357 : memref<110592x128xf32, #tpu.memory_space<hbm>>)
    }
    %while3A_62 = arith.constant 1 : i32
    scf.for %while3A_347 = %while3A_60 to %while3A_56 step %while3A_62  : i32 {
      %dma_wait3A_348 = arith.constant 0 : i32
      %dma_wait3A_349 = arith.constant 0 : i32
      %dma_wait3A_350 = arith.constant 0 : i32
      %dma_wait3A_351 = tpu.memref_slice %arg12[%dma_wait3A_349, %dma_wait3A_350] : memref<256x128xf32, #tpu.memory_space<vmem>> -> memref<16x128xf32, #tpu.memory_space<vmem>>
      %dma_wait3A_352 = arith.constant 0 : i32
      %dma_wait3A_353 = tpu.memref_slice %arg15[%dma_wait3A_348, %dma_wait3A_352] : memref<16x16xi32, #tpu.memory_space<vmem>> -> memref<1x16xi32, #tpu.memory_space<vmem>>
      %dma_wait3A_354 = tpu.memref_squeeze %dma_wait3A_353 : memref<1x16xi32, #tpu.memory_space<vmem>> -> memref<16xi32, #tpu.memory_space<vmem>>
      %dma_wait3A_355 = arith.constant 0 : i32
      %dma_wait3A_356 = arith.constant 0 : i32
      %dma_wait3A_357 = tpu.memref_slice %arg8[%dma_wait3A_355, %dma_wait3A_356] : memref<110592x128xf32, #tpu.memory_space<hbm>> -> memref<110592x128xf32, #tpu.memory_space<hbm>>
      tpu.wait_indirect_dma semaphore(%arg21 : memref<!tpu.dma_semaphore, #tpu.memory_space<semaphore_mem>>) src(%dma_wait3A_351 : memref<16x128xf32, #tpu.memory_space<vmem>>) dst(%dma_wait3A_357 : memref<110592x128xf32, #tpu.memory_space<hbm>>)
    }
    %mul3A_63 = arith.constant 128 : i32
    %mul3A_64 = arith.muli %add3A, %mul3A_63 : i32
    %mul3A_65 = arith.constant 16 : i32
    %mul3A_66 = arith.muli %add3A, %mul3A_65 : i32
    "tpu.region"() ({
      %run_scoped3A = tpu.sem_alloc : memref<!tpu.dma_semaphore, #tpu.memory_space<semaphore_mem>>
      %dma_start3A_347 = arith.constant 0 : i32
      %dma_start3A_348 = tpu.memref_slice %arg5[%mul3A_66, %dma_start3A_347] : memref<512x128xf32, #tpu.memory_space<hbm>> -> memref<16x128xf32, #tpu.memory_space<hbm>>
      %dma_start3A_349 = arith.constant 0 : i32
      %dma_start3A_350 = tpu.memref_slice %arg5[%mul3A_66, %dma_start3A_349] : memref<512x128xf32, #tpu.memory_space<hbm>> -> memref<16x128xf32, #tpu.memory_space<hbm>>
      tpu.enqueue_dma source(%dma_start3A_350 : memref<16x128xf32, #tpu.memory_space<hbm>>) target(%arg16 : memref<16x128xf32, #tpu.memory_space<vmem>>) target_semaphore(%run_scoped3A : memref<!tpu.dma_semaphore, #tpu.memory_space<semaphore_mem>>)
      %dma_wait3A_351 = arith.constant 0 : i32
      %dma_wait3A_352 = tpu.memref_slice %arg5[%mul3A_66, %dma_wait3A_351] : memref<512x128xf32, #tpu.memory_space<hbm>> -> memref<16x128xf32, #tpu.memory_space<hbm>>
      %dma_wait3A_353 = arith.constant 0 : i32
      %dma_wait3A_354 = tpu.memref_slice %arg5[%mul3A_66, %dma_wait3A_353] : memref<512x128xf32, #tpu.memory_space<hbm>> -> memref<16x128xf32, #tpu.memory_space<hbm>>
      tpu.wait_dma2 semaphore(%run_scoped3A : memref<!tpu.dma_semaphore, #tpu.memory_space<semaphore_mem>>) src(%dma_wait3A_354 : memref<16x128xf32, #tpu.memory_space<hbm>>) dst(%arg16 : memref<16x128xf32, #tpu.memory_space<vmem>>)
      tpu.yield
    }) : () -> ()
    "tpu.region"() ({
      %run_scoped3A = tpu.sem_alloc : memref<!tpu.dma_semaphore, #tpu.memory_space<semaphore_mem>>
      tpu.enqueue_dma source(%arg6 : memref<13x32xf32, #tpu.memory_space<hbm>>) target(%arg17 : memref<13x32xf32, #tpu.memory_space<vmem>>) target_semaphore(%run_scoped3A : memref<!tpu.dma_semaphore, #tpu.memory_space<semaphore_mem>>)
      tpu.wait_dma2 semaphore(%run_scoped3A : memref<!tpu.dma_semaphore, #tpu.memory_space<semaphore_mem>>) src(%arg6 : memref<13x32xf32, #tpu.memory_space<hbm>>) dst(%arg17 : memref<13x32xf32, #tpu.memory_space<vmem>>)
      tpu.yield
    }) : () -> ()
    "tpu.region"() ({
      %run_scoped3A = tpu.sem_alloc : memref<!tpu.dma_semaphore, #tpu.memory_space<semaphore_mem>>
      tpu.enqueue_dma source(%arg7 : memref<32xf32, #tpu.memory_space<hbm>>) target(%arg18 : memref<32xf32, #tpu.memory_space<vmem>>) target_semaphore(%run_scoped3A : memref<!tpu.dma_semaphore, #tpu.memory_space<semaphore_mem>>)
      tpu.wait_dma2 semaphore(%run_scoped3A : memref<!tpu.dma_semaphore, #tpu.memory_space<semaphore_mem>>) src(%arg7 : memref<32xf32, #tpu.memory_space<hbm>>) dst(%arg18 : memref<32xf32, #tpu.memory_space<vmem>>)
      tpu.yield
    }) : () -> ()
    %get3A_67 = arith.constant 0 : index
    %get3A_68 = tpu.vector_load %arg18[%get3A_67] {strides = array<i32>} : memref<32xf32, #tpu.memory_space<vmem>>, vector<16xf32>,
    %get3A_69 = arith.constant 16 : index
    %get3A_70 = tpu.vector_load %arg18[%get3A_69] {strides = array<i32>} : memref<32xf32, #tpu.memory_space<vmem>>, vector<16xf32>,
    %scan3A_71 = arith.constant 0 : i32
    %scan3A_72 = arith.constant 0 : i32
    %scan3A_73 = arith.constant 128 : i32
    %scan3A_74 = arith.addi %scan3A_72, %scan3A_73 : i32
    %scan3A_75 = arith.constant 1 : i32
    scf.for %scan3A_347 = %scan3A_72 to %scan3A_74 step %scan3A_75  : i32 {
      %jit3A_348 = arith.constant 8 : i32
      %div3A_349 = arith.divsi %scan3A_347, %jit3A_348 : i32
      %sign3A_350 = arith.constant 0 : i32
      %sign3A_351 = arith.cmpi sgt, %scan3A_347, %sign3A_350 : i32
      %sign3A_352 = arith.extui %sign3A_351 : i1 to i32
      %sign3A_353 = arith.constant 0 : i32
      %sign3A_354 = arith.cmpi slt, %scan3A_347, %sign3A_353 : i32
      %sign3A_355 = arith.extui %sign3A_354 : i1 to i32
      %sign3A_356 = arith.subi %sign3A_352, %sign3A_355 : i32
      %sign3A_357 = arith.constant 0 : i32
      %sign3A_358 = arith.cmpi sgt, %jit3A_348, %sign3A_357 : i32
      %sign3A_359 = arith.extui %sign3A_358 : i1 to i32
      %sign3A_360 = arith.constant 0 : i32
      %sign3A_361 = arith.cmpi slt, %jit3A_348, %sign3A_360 : i32
      %sign3A_362 = arith.extui %sign3A_361 : i1 to i32
      %sign3A_363 = arith.subi %sign3A_359, %sign3A_362 : i32
      %ne3A_364 = arith.cmpi ne, %sign3A_356, %sign3A_363 : i32
      %rem3A_365 = arith.remsi %scan3A_347, %jit3A_348 : i32
      %ne3A_366 = arith.constant 0 : i32
      %ne3A_367 = arith.cmpi ne, %rem3A_365, %ne3A_366 : i32
      %and3A_368 = arith.andi %ne3A_364, %ne3A_367 : i1
      %sub3A_369 = arith.constant 1 : i32
      %sub3A_370 = arith.subi %div3A_349, %sub3A_369 : i32
      %select_n3A_371 = arith.select %and3A_368, %sub3A_370, %div3A_349 : i32
      %jit3A_372 = arith.constant 8 : i32
      %eq3A_373 = arith.constant 0 : i32
      %eq3A_374 = arith.cmpi eq, %jit3A_372, %eq3A_373 : i32
      %jit3A_375 = arith.constant 1 : i32
      %select_n3A_376 = arith.select %eq3A_374, %jit3A_375, %jit3A_372 : i32
      %rem3A_377 = arith.remsi %scan3A_347, %select_n3A_376 : i32
      %ne3A_378 = arith.constant 0 : i32
      %ne3A_379 = arith.cmpi ne, %rem3A_377, %ne3A_378 : i32
      %lt3A_380 = arith.constant 0 : i32
      %lt3A_381 = arith.cmpi slt, %rem3A_377, %lt3A_380 : i32
      %lt3A_382 = arith.constant 0 : i32
      %lt3A_383 = arith.cmpi slt, %select_n3A_376, %lt3A_382 : i32
      %ne3A_384 = arith.xori %lt3A_381, %lt3A_383 : i1
      %and3A_385 = arith.andi %ne3A_384, %ne3A_379 : i1
      %add3A_386 = arith.addi %rem3A_377, %select_n3A_376 : i32
      %select_n3A_387 = arith.select %and3A_385, %add3A_386, %rem3A_377 : i32
      %mul3A_388 = arith.constant 16 : i32
      %mul3A_389 = arith.muli %select_n3A_387, %mul3A_388 : i32
      %get3A_390 = arith.index_cast %select_n3A_371 : i32 to index
      %get3A_391 = arith.index_cast %mul3A_389 : i32 to index
      %get3A_392 = tpu.vector_load %arg16[%get3A_390, %get3A_391] {strides = array<i32>} : memref<16x128xf32, #tpu.memory_space<vmem>>, vector<16xf32>,
      %slice3A = vector.extract_strided_slice %get3A_392 {offsets = [0], sizes = [1], strides = [1]} : vector<16xf32> to vector<1xf32>
      %squeeze3A = vector.extract %slice3A[0] : f32 from vector<1xf32>
      %get3A_393 = arith.constant 0 : i32
      %get3A_394 = arith.index_cast %get3A_393 : i32 to index
      %get3A_395 = arith.constant 0 : index
      %get3A_396 = tpu.vector_load %arg17[%get3A_394, %get3A_395] {strides = array<i32>} : memref<13x32xf32, #tpu.memory_space<vmem>>, vector<16xf32>,
      %mul3A_397 = vector.broadcast %squeeze3A : f32 to vector<16xf32>
      %mul3A_398 = arith.mulf %mul3A_397, %get3A_396 : vector<16xf32>
      %add3A_399 = arith.addf %get3A_68, %mul3A_398 : vector<16xf32>
      %get3A_400 = arith.constant 0 : i32
      %get3A_401 = arith.index_cast %get3A_400 : i32 to index
      %get3A_402 = arith.constant 16 : index
      %get3A_403 = tpu.vector_load %arg17[%get3A_401, %get3A_402] {strides = array<i32>} : memref<13x32xf32, #tpu.memory_space<vmem>>, vector<16xf32>,
      %mul3A_404 = vector.broadcast %squeeze3A : f32 to vector<16xf32>
      %mul3A_405 = arith.mulf %mul3A_404, %get3A_403 : vector<16xf32>
      %add3A_406 = arith.addf %get3A_70, %mul3A_405 : vector<16xf32>
      %slice3A_407 = vector.extract_strided_slice %get3A_392 {offsets = [1], sizes = [1], strides = [1]} : vector<16xf32> to vector<1xf32>
      %squeeze3A_408 = vector.extract %slice3A_407[0] : f32 from vector<1xf32>
      %get3A_409 = arith.constant 1 : i32
      %get3A_410 = arith.index_cast %get3A_409 : i32 to index
      %get3A_411 = arith.constant 0 : index
      %get3A_412 = tpu.vector_load %arg17[%get3A_410, %get3A_411] {strides = array<i32>} : memref<13x32xf32, #tpu.memory_space<vmem>>, vector<16xf32>,
      %mul3A_413 = vector.broadcast %squeeze3A_408 : f32 to vector<16xf32>
      %mul3A_414 = arith.mulf %mul3A_413, %get3A_412 : vector<16xf32>
      %add3A_415 = arith.addf %add3A_399, %mul3A_414 : vector<16xf32>
      %get3A_416 = arith.constant 1 : i32
      %get3A_417 = arith.index_cast %get3A_416 : i32 to index
      %get3A_418 = arith.constant 16 : index
      %get3A_419 = tpu.vector_load %arg17[%get3A_417, %get3A_418] {strides = array<i32>} : memref<13x32xf32, #tpu.memory_space<vmem>>, vector<16xf32>,
      %mul3A_420 = vector.broadcast %squeeze3A_408 : f32 to vector<16xf32>
      %mul3A_421 = arith.mulf %mul3A_420, %get3A_419 : vector<16xf32>
      %add3A_422 = arith.addf %add3A_406, %mul3A_421 : vector<16xf32>
      %slice3A_423 = vector.extract_strided_slice %get3A_392 {offsets = [2], sizes = [1], strides = [1]} : vector<16xf32> to vector<1xf32>
      %squeeze3A_424 = vector.extract %slice3A_423[0] : f32 from vector<1xf32>
      %get3A_425 = arith.constant 2 : i32
      %get3A_426 = arith.index_cast %get3A_425 : i32 to index
      %get3A_427 = arith.constant 0 : index
      %get3A_428 = tpu.vector_load %arg17[%get3A_426, %get3A_427] {strides = array<i32>} : memref<13x32xf32, #tpu.memory_space<vmem>>, vector<16xf32>,
      %mul3A_429 = vector.broadcast %squeeze3A_424 : f32 to vector<16xf32>
      %mul3A_430 = arith.mulf %mul3A_429, %get3A_428 : vector<16xf32>
      %add3A_431 = arith.addf %add3A_415, %mul3A_430 : vector<16xf32>
      %get3A_432 = arith.constant 2 : i32
      %get3A_433 = arith.index_cast %get3A_432 : i32 to index
      %get3A_434 = arith.constant 16 : index
      %get3A_435 = tpu.vector_load %arg17[%get3A_433, %get3A_434] {strides = array<i32>} : memref<13x32xf32, #tpu.memory_space<vmem>>, vector<16xf32>,
      %mul3A_436 = vector.broadcast %squeeze3A_424 : f32 to vector<16xf32>
      %mul3A_437 = arith.mulf %mul3A_436, %get3A_435 : vector<16xf32>
      %add3A_438 = arith.addf %add3A_422, %mul3A_437 : vector<16xf32>
      %slice3A_439 = vector.extract_strided_slice %get3A_392 {offsets = [3], sizes = [1], strides = [1]} : vector<16xf32> to vector<1xf32>
      %squeeze3A_440 = vector.extract %slice3A_439[0] : f32 from vector<1xf32>
      %get3A_441 = arith.constant 3 : i32
      %get3A_442 = arith.index_cast %get3A_441 : i32 to index
      %get3A_443 = arith.constant 0 : index
      %get3A_444 = tpu.vector_load %arg17[%get3A_442, %get3A_443] {strides = array<i32>} : memref<13x32xf32, #tpu.memory_space<vmem>>, vector<16xf32>,
      %mul3A_445 = vector.broadcast %squeeze3A_440 : f32 to vector<16xf32>
      %mul3A_446 = arith.mulf %mul3A_445, %get3A_444 : vector<16xf32>
      %add3A_447 = arith.addf %add3A_431, %mul3A_446 : vector<16xf32>
      %get3A_448 = arith.constant 3 : i32
      %get3A_449 = arith.index_cast %get3A_448 : i32 to index
      %get3A_450 = arith.constant 16 : index
      %get3A_451 = tpu.vector_load %arg17[%get3A_449, %get3A_450] {strides = array<i32>} : memref<13x32xf32, #tpu.memory_space<vmem>>, vector<16xf32>,
      %mul3A_452 = vector.broadcast %squeeze3A_440 : f32 to vector<16xf32>
      %mul3A_453 = arith.mulf %mul3A_452, %get3A_451 : vector<16xf32>
      %add3A_454 = arith.addf %add3A_438, %mul3A_453 : vector<16xf32>
      %slice3A_455 = vector.extract_strided_slice %get3A_392 {offsets = [4], sizes = [1], strides = [1]} : vector<16xf32> to vector<1xf32>
      %squeeze3A_456 = vector.extract %slice3A_455[0] : f32 from vector<1xf32>
      %get3A_457 = arith.constant 4 : i32
      %get3A_458 = arith.index_cast %get3A_457 : i32 to index
      %get3A_459 = arith.constant 0 : index
      %get3A_460 = tpu.vector_load %arg17[%get3A_458, %get3A_459] {strides = array<i32>} : memref<13x32xf32, #tpu.memory_space<vmem>>, vector<16xf32>,
      %mul3A_461 = vector.broadcast %squeeze3A_456 : f32 to vector<16xf32>
      %mul3A_462 = arith.mulf %mul3A_461, %get3A_460 : vector<16xf32>
      %add3A_463 = arith.addf %add3A_447, %mul3A_462 : vector<16xf32>
      %get3A_464 = arith.constant 4 : i32
      %get3A_465 = arith.index_cast %get3A_464 : i32 to index
      %get3A_466 = arith.constant 16 : index
      %get3A_467 = tpu.vector_load %arg17[%get3A_465, %get3A_466] {strides = array<i32>} : memref<13x32xf32, #tpu.memory_space<vmem>>, vector<16xf32>,
      %mul3A_468 = vector.broadcast %squeeze3A_456 : f32 to vector<16xf32>
      %mul3A_469 = arith.mulf %mul3A_468, %get3A_467 : vector<16xf32>
      %add3A_470 = arith.addf %add3A_454, %mul3A_469 : vector<16xf32>
      %slice3A_471 = vector.extract_strided_slice %get3A_392 {offsets = [5], sizes = [1], strides = [1]} : vector<16xf32> to vector<1xf32>
      %squeeze3A_472 = vector.extract %slice3A_471[0] : f32 from vector<1xf32>
      %get3A_473 = arith.constant 5 : i32
      %get3A_474 = arith.index_cast %get3A_473 : i32 to index
      %get3A_475 = arith.constant 0 : index
      %get3A_476 = tpu.vector_load %arg17[%get3A_474, %get3A_475] {strides = array<i32>} : memref<13x32xf32, #tpu.memory_space<vmem>>, vector<16xf32>,
      %mul3A_477 = vector.broadcast %squeeze3A_472 : f32 to vector<16xf32>
      %mul3A_478 = arith.mulf %mul3A_477, %get3A_476 : vector<16xf32>
      %add3A_479 = arith.addf %add3A_463, %mul3A_478 : vector<16xf32>
      %get3A_480 = arith.constant 5 : i32
      %get3A_481 = arith.index_cast %get3A_480 : i32 to index
      %get3A_482 = arith.constant 16 : index
      %get3A_483 = tpu.vector_load %arg17[%get3A_481, %get3A_482] {strides = array<i32>} : memref<13x32xf32, #tpu.memory_space<vmem>>, vector<16xf32>,
      %mul3A_484 = vector.broadcast %squeeze3A_472 : f32 to vector<16xf32>
      %mul3A_485 = arith.mulf %mul3A_484, %get3A_483 : vector<16xf32>
      %add3A_486 = arith.addf %add3A_470, %mul3A_485 : vector<16xf32>
      %slice3A_487 = vector.extract_strided_slice %get3A_392 {offsets = [6], sizes = [1], strides = [1]} : vector<16xf32> to vector<1xf32>
      %squeeze3A_488 = vector.extract %slice3A_487[0] : f32 from vector<1xf32>
      %get3A_489 = arith.constant 6 : i32
      %get3A_490 = arith.index_cast %get3A_489 : i32 to index
      %get3A_491 = arith.constant 0 : index
      %get3A_492 = tpu.vector_load %arg17[%get3A_490, %get3A_491] {strides = array<i32>} : memref<13x32xf32, #tpu.memory_space<vmem>>, vector<16xf32>,
      %mul3A_493 = vector.broadcast %squeeze3A_488 : f32 to vector<16xf32>
      %mul3A_494 = arith.mulf %mul3A_493, %get3A_492 : vector<16xf32>
      %add3A_495 = arith.addf %add3A_479, %mul3A_494 : vector<16xf32>
      %get3A_496 = arith.constant 6 : i32
      %get3A_497 = arith.index_cast %get3A_496 : i32 to index
      %get3A_498 = arith.constant 16 : index
      %get3A_499 = tpu.vector_load %arg17[%get3A_497, %get3A_498] {strides = array<i32>} : memref<13x32xf32, #tpu.memory_space<vmem>>, vector<16xf32>,
      %mul3A_500 = vector.broadcast %squeeze3A_488 : f32 to vector<16xf32>
      %mul3A_501 = arith.mulf %mul3A_500, %get3A_499 : vector<16xf32>
      %add3A_502 = arith.addf %add3A_486, %mul3A_501 : vector<16xf32>
      %slice3A_503 = vector.extract_strided_slice %get3A_392 {offsets = [7], sizes = [1], strides = [1]} : vector<16xf32> to vector<1xf32>
      %squeeze3A_504 = vector.extract %slice3A_503[0] : f32 from vector<1xf32>
      %get3A_505 = arith.constant 7 : i32
      %get3A_506 = arith.index_cast %get3A_505 : i32 to index
      %get3A_507 = arith.constant 0 : index
      %get3A_508 = tpu.vector_load %arg17[%get3A_506, %get3A_507] {strides = array<i32>} : memref<13x32xf32, #tpu.memory_space<vmem>>, vector<16xf32>,
      %mul3A_509 = vector.broadcast %squeeze3A_504 : f32 to vector<16xf32>
      %mul3A_510 = arith.mulf %mul3A_509, %get3A_508 : vector<16xf32>
      %add3A_511 = arith.addf %add3A_495, %mul3A_510 : vector<16xf32>
      %get3A_512 = arith.constant 7 : i32
      %get3A_513 = arith.index_cast %get3A_512 : i32 to index
      %get3A_514 = arith.constant 16 : index
      %get3A_515 = tpu.vector_load %arg17[%get3A_513, %get3A_514] {strides = array<i32>} : memref<13x32xf32, #tpu.memory_space<vmem>>, vector<16xf32>,
      %mul3A_516 = vector.broadcast %squeeze3A_504 : f32 to vector<16xf32>
      %mul3A_517 = arith.mulf %mul3A_516, %get3A_515 : vector<16xf32>
      %add3A_518 = arith.addf %add3A_502, %mul3A_517 : vector<16xf32>
      %slice3A_519 = vector.extract_strided_slice %get3A_392 {offsets = [8], sizes = [1], strides = [1]} : vector<16xf32> to vector<1xf32>
      %squeeze3A_520 = vector.extract %slice3A_519[0] : f32 from vector<1xf32>
      %get3A_521 = arith.constant 8 : i32
      %get3A_522 = arith.index_cast %get3A_521 : i32 to index
      %get3A_523 = arith.constant 0 : index
      %get3A_524 = tpu.vector_load %arg17[%get3A_522, %get3A_523] {strides = array<i32>} : memref<13x32xf32, #tpu.memory_space<vmem>>, vector<16xf32>,
      %mul3A_525 = vector.broadcast %squeeze3A_520 : f32 to vector<16xf32>
      %mul3A_526 = arith.mulf %mul3A_525, %get3A_524 : vector<16xf32>
      %add3A_527 = arith.addf %add3A_511, %mul3A_526 : vector<16xf32>
      %get3A_528 = arith.constant 8 : i32
      %get3A_529 = arith.index_cast %get3A_528 : i32 to index
      %get3A_530 = arith.constant 16 : index
      %get3A_531 = tpu.vector_load %arg17[%get3A_529, %get3A_530] {strides = array<i32>} : memref<13x32xf32, #tpu.memory_space<vmem>>, vector<16xf32>,
      %mul3A_532 = vector.broadcast %squeeze3A_520 : f32 to vector<16xf32>
      %mul3A_533 = arith.mulf %mul3A_532, %get3A_531 : vector<16xf32>
      %add3A_534 = arith.addf %add3A_518, %mul3A_533 : vector<16xf32>
      %slice3A_535 = vector.extract_strided_slice %get3A_392 {offsets = [9], sizes = [1], strides = [1]} : vector<16xf32> to vector<1xf32>
      %squeeze3A_536 = vector.extract %slice3A_535[0] : f32 from vector<1xf32>
      %get3A_537 = arith.constant 9 : i32
      %get3A_538 = arith.index_cast %get3A_537 : i32 to index
      %get3A_539 = arith.constant 0 : index
      %get3A_540 = tpu.vector_load %arg17[%get3A_538, %get3A_539] {strides = array<i32>} : memref<13x32xf32, #tpu.memory_space<vmem>>, vector<16xf32>,
      %mul3A_541 = vector.broadcast %squeeze3A_536 : f32 to vector<16xf32>
      %mul3A_542 = arith.mulf %mul3A_541, %get3A_540 : vector<16xf32>
      %add3A_543 = arith.addf %add3A_527, %mul3A_542 : vector<16xf32>
      %get3A_544 = arith.constant 9 : i32
      %get3A_545 = arith.index_cast %get3A_544 : i32 to index
      %get3A_546 = arith.constant 16 : index
      %get3A_547 = tpu.vector_load %arg17[%get3A_545, %get3A_546] {strides = array<i32>} : memref<13x32xf32, #tpu.memory_space<vmem>>, vector<16xf32>,
      %mul3A_548 = vector.broadcast %squeeze3A_536 : f32 to vector<16xf32>
      %mul3A_549 = arith.mulf %mul3A_548, %get3A_547 : vector<16xf32>
      %add3A_550 = arith.addf %add3A_534, %mul3A_549 : vector<16xf32>
      %slice3A_551 = vector.extract_strided_slice %get3A_392 {offsets = [10], sizes = [1], strides = [1]} : vector<16xf32> to vector<1xf32>
      %squeeze3A_552 = vector.extract %slice3A_551[0] : f32 from vector<1xf32>
      %get3A_553 = arith.constant 10 : i32
      %get3A_554 = arith.index_cast %get3A_553 : i32 to index
      %get3A_555 = arith.constant 0 : index
      %get3A_556 = tpu.vector_load %arg17[%get3A_554, %get3A_555] {strides = array<i32>} : memref<13x32xf32, #tpu.memory_space<vmem>>, vector<16xf32>,
      %mul3A_557 = vector.broadcast %squeeze3A_552 : f32 to vector<16xf32>
      %mul3A_558 = arith.mulf %mul3A_557, %get3A_556 : vector<16xf32>
      %add3A_559 = arith.addf %add3A_543, %mul3A_558 : vector<16xf32>
      %get3A_560 = arith.constant 10 : i32
      %get3A_561 = arith.index_cast %get3A_560 : i32 to index
      %get3A_562 = arith.constant 16 : index
      %get3A_563 = tpu.vector_load %arg17[%get3A_561, %get3A_562] {strides = array<i32>} : memref<13x32xf32, #tpu.memory_space<vmem>>, vector<16xf32>,
      %mul3A_564 = vector.broadcast %squeeze3A_552 : f32 to vector<16xf32>
      %mul3A_565 = arith.mulf %mul3A_564, %get3A_563 : vector<16xf32>
      %add3A_566 = arith.addf %add3A_550, %mul3A_565 : vector<16xf32>
      %slice3A_567 = vector.extract_strided_slice %get3A_392 {offsets = [11], sizes = [1], strides = [1]} : vector<16xf32> to vector<1xf32>
      %squeeze3A_568 = vector.extract %slice3A_567[0] : f32 from vector<1xf32>
      %get3A_569 = arith.constant 11 : i32
      %get3A_570 = arith.index_cast %get3A_569 : i32 to index
      %get3A_571 = arith.constant 0 : index
      %get3A_572 = tpu.vector_load %arg17[%get3A_570, %get3A_571] {strides = array<i32>} : memref<13x32xf32, #tpu.memory_space<vmem>>, vector<16xf32>,
      %mul3A_573 = vector.broadcast %squeeze3A_568 : f32 to vector<16xf32>
      %mul3A_574 = arith.mulf %mul3A_573, %get3A_572 : vector<16xf32>
      %add3A_575 = arith.addf %add3A_559, %mul3A_574 : vector<16xf32>
      %get3A_576 = arith.constant 11 : i32
      %get3A_577 = arith.index_cast %get3A_576 : i32 to index
      %get3A_578 = arith.constant 16 : index
      %get3A_579 = tpu.vector_load %arg17[%get3A_577, %get3A_578] {strides = array<i32>} : memref<13x32xf32, #tpu.memory_space<vmem>>, vector<16xf32>,
      %mul3A_580 = vector.broadcast %squeeze3A_568 : f32 to vector<16xf32>
      %mul3A_581 = arith.mulf %mul3A_580, %get3A_579 : vector<16xf32>
      %add3A_582 = arith.addf %add3A_566, %mul3A_581 : vector<16xf32>
      %slice3A_583 = vector.extract_strided_slice %get3A_392 {offsets = [12], sizes = [1], strides = [1]} : vector<16xf32> to vector<1xf32>
      %squeeze3A_584 = vector.extract %slice3A_583[0] : f32 from vector<1xf32>
      %get3A_585 = arith.constant 12 : i32
      %get3A_586 = arith.index_cast %get3A_585 : i32 to index
      %get3A_587 = arith.constant 0 : index
      %get3A_588 = tpu.vector_load %arg17[%get3A_586, %get3A_587] {strides = array<i32>} : memref<13x32xf32, #tpu.memory_space<vmem>>, vector<16xf32>,
      %mul3A_589 = vector.broadcast %squeeze3A_584 : f32 to vector<16xf32>
      %mul3A_590 = arith.mulf %mul3A_589, %get3A_588 : vector<16xf32>
      %add3A_591 = arith.addf %add3A_575, %mul3A_590 : vector<16xf32>
      %get3A_592 = arith.constant 12 : i32
      %get3A_593 = arith.index_cast %get3A_592 : i32 to index
      %get3A_594 = arith.constant 16 : index
      %get3A_595 = tpu.vector_load %arg17[%get3A_593, %get3A_594] {strides = array<i32>} : memref<13x32xf32, #tpu.memory_space<vmem>>, vector<16xf32>,
      %mul3A_596 = vector.broadcast %squeeze3A_584 : f32 to vector<16xf32>
      %mul3A_597 = arith.mulf %mul3A_596, %get3A_595 : vector<16xf32>
      %add3A_598 = arith.addf %add3A_582, %mul3A_597 : vector<16xf32>
      %swap3A_599 = arith.index_cast %scan3A_347 : i32 to index
      %swap3A_600 = arith.constant 0 : index
      %swap3A_601 = tpu.vector_load %arg12[%swap3A_599, %swap3A_600] {strides = array<i32>} : memref<256x128xf32, #tpu.memory_space<vmem>>, vector<16xf32>,
      tpu.vector_store %arg12[%swap3A_599, %swap3A_600], %add3A_591 {strides = array<i32>} : memref<256x128xf32, #tpu.memory_space<vmem>>, vector<16xf32>,
      %swap3A_602 = arith.index_cast %scan3A_347 : i32 to index
      %swap3A_603 = arith.constant 16 : index
      %swap3A_604 = tpu.vector_load %arg12[%swap3A_602, %swap3A_603] {strides = array<i32>} : memref<256x128xf32, #tpu.memory_space<vmem>>, vector<16xf32>,
      tpu.vector_store %arg12[%swap3A_602, %swap3A_603], %add3A_598 {strides = array<i32>} : memref<256x128xf32, #tpu.memory_space<vmem>>, vector<16xf32>,
    }
    %scan3A_76 = arith.constant 128 : i32
    %add3A_77 = arith.constant 0 : i32
    %add3A_78 = arith.addi %mul3A_64, %add3A_77 : i32
    %add3A_79 = vector.broadcast %add3A_78 : i32 to vector<16xi32>
    %add3A_80 = arith.addi %add3A_79, %iota3A : vector<16xi32>
    %mul3A_81 = arith.constant 27 : i32
    %mul3A_82 = vector.broadcast %mul3A_81 : i32 to vector<16xi32>
    %mul3A_83 = arith.muli %add3A_80, %mul3A_82 : vector<16xi32>
    %add3A_84 = arith.constant 26 : i32
    %add3A_85 = vector.broadcast %add3A_84 : i32 to vector<16xi32>
    %add3A_86 = arith.addi %mul3A_83, %add3A_85 : vector<16xi32>
    %swap3A_87 = arith.constant 0 : i32
    %swap3A_88 = arith.index_cast %swap3A_87 : i32 to index
    %swap3A_89 = arith.constant 0 : index
    %swap3A_90 = tpu.vector_load %arg15[%swap3A_88, %swap3A_89] {strides = array<i32>} : memref<16x16xi32, #tpu.memory_space<vmem>>, vector<16xi32>,
    tpu.vector_store %arg15[%swap3A_88, %swap3A_89], %add3A_86 {strides = array<i32>} : memref<16x16xi32, #tpu.memory_space<vmem>>, vector<16xi32>,
    %add3A_91 = arith.constant 16 : i32
    %add3A_92 = arith.addi %mul3A_64, %add3A_91 : i32
    %add3A_93 = vector.broadcast %add3A_92 : i32 to vector<16xi32>
    %add3A_94 = arith.addi %add3A_93, %iota3A : vector<16xi32>
    %mul3A_95 = arith.constant 27 : i32
    %mul3A_96 = vector.broadcast %mul3A_95 : i32 to vector<16xi32>
    %mul3A_97 = arith.muli %add3A_94, %mul3A_96 : vector<16xi32>
    %add3A_98 = arith.constant 26 : i32
    %add3A_99 = vector.broadcast %add3A_98 : i32 to vector<16xi32>
    %add3A_100 = arith.addi %mul3A_97, %add3A_99 : vector<16xi32>
    %swap3A_101 = arith.constant 1 : i32
    %swap3A_102 = arith.index_cast %swap3A_101 : i32 to index
    %swap3A_103 = arith.constant 0 : index
    %swap3A_104 = tpu.vector_load %arg15[%swap3A_102, %swap3A_103] {strides = array<i32>} : memref<16x16xi32, #tpu.memory_space<vmem>>, vector<16xi32>,
    tpu.vector_store %arg15[%swap3A_102, %swap3A_103], %add3A_100 {strides = array<i32>} : memref<16x16xi32, #tpu.memory_space<vmem>>, vector<16xi32>,
    %add3A_105 = arith.constant 32 : i32
    %add3A_106 = arith.addi %mul3A_64, %add3A_105 : i32
    %add3A_107 = vector.broadcast %add3A_106 : i32 to vector<16xi32>
    %add3A_108 = arith.addi %add3A_107, %iota3A : vector<16xi32>
    %mul3A_109 = arith.constant 27 : i32
    %mul3A_110 = vector.broadcast %mul3A_109 : i32 to vector<16xi32>
    %mul3A_111 = arith.muli %add3A_108, %mul3A_110 : vector<16xi32>
    %add3A_112 = arith.constant 26 : i32
    %add3A_113 = vector.broadcast %add3A_112 : i32 to vector<16xi32>
    %add3A_114 = arith.addi %mul3A_111, %add3A_113 : vector<16xi32>
    %swap3A_115 = arith.constant 2 : i32
    %swap3A_116 = arith.index_cast %swap3A_115 : i32 to index
    %swap3A_117 = arith.constant 0 : index
    %swap3A_118 = tpu.vector_load %arg15[%swap3A_116, %swap3A_117] {strides = array<i32>} : memref<16x16xi32, #tpu.memory_space<vmem>>, vector<16xi32>,
    tpu.vector_store %arg15[%swap3A_116, %swap3A_117], %add3A_114 {strides = array<i32>} : memref<16x16xi32, #tpu.memory_space<vmem>>, vector<16xi32>,
    %add3A_119 = arith.constant 48 : i32
    %add3A_120 = arith.addi %mul3A_64, %add3A_119 : i32
    %add3A_121 = vector.broadcast %add3A_120 : i32 to vector<16xi32>
    %add3A_122 = arith.addi %add3A_121, %iota3A : vector<16xi32>
    %mul3A_123 = arith.constant 27 : i32
    %mul3A_124 = vector.broadcast %mul3A_123 : i32 to vector<16xi32>
    %mul3A_125 = arith.muli %add3A_122, %mul3A_124 : vector<16xi32>
    %add3A_126 = arith.constant 26 : i32
    %add3A_127 = vector.broadcast %add3A_126 : i32 to vector<16xi32>
    %add3A_128 = arith.addi %mul3A_125, %add3A_127 : vector<16xi32>
    %swap3A_129 = arith.constant 3 : i32
    %swap3A_130 = arith.index_cast %swap3A_129 : i32 to index
    %swap3A_131 = arith.constant 0 : index
    %swap3A_132 = tpu.vector_load %arg15[%swap3A_130, %swap3A_131] {strides = array<i32>} : memref<16x16xi32, #tpu.memory_space<vmem>>, vector<16xi32>,
    tpu.vector_store %arg15[%swap3A_130, %swap3A_131], %add3A_128 {strides = array<i32>} : memref<16x16xi32, #tpu.memory_space<vmem>>, vector<16xi32>,
    %add3A_133 = arith.constant 64 : i32
    %add3A_134 = arith.addi %mul3A_64, %add3A_133 : i32
    %add3A_135 = vector.broadcast %add3A_134 : i32 to vector<16xi32>
    %add3A_136 = arith.addi %add3A_135, %iota3A : vector<16xi32>
    %mul3A_137 = arith.constant 27 : i32
    %mul3A_138 = vector.broadcast %mul3A_137 : i32 to vector<16xi32>
    %mul3A_139 = arith.muli %add3A_136, %mul3A_138 : vector<16xi32>
    %add3A_140 = arith.constant 26 : i32
    %add3A_141 = vector.broadcast %add3A_140 : i32 to vector<16xi32>
    %add3A_142 = arith.addi %mul3A_139, %add3A_141 : vector<16xi32>
    %swap3A_143 = arith.constant 4 : i32
    %swap3A_144 = arith.index_cast %swap3A_143 : i32 to index
    %swap3A_145 = arith.constant 0 : index
    %swap3A_146 = tpu.vector_load %arg15[%swap3A_144, %swap3A_145] {strides = array<i32>} : memref<16x16xi32, #tpu.memory_space<vmem>>, vector<16xi32>,
    tpu.vector_store %arg15[%swap3A_144, %swap3A_145], %add3A_142 {strides = array<i32>} : memref<16x16xi32, #tpu.memory_space<vmem>>, vector<16xi32>,
    %add3A_147 = arith.constant 80 : i32
    %add3A_148 = arith.addi %mul3A_64, %add3A_147 : i32
    %add3A_149 = vector.broadcast %add3A_148 : i32 to vector<16xi32>
    %add3A_150 = arith.addi %add3A_149, %iota3A : vector<16xi32>
    %mul3A_151 = arith.constant 27 : i32
    %mul3A_152 = vector.broadcast %mul3A_151 : i32 to vector<16xi32>
    %mul3A_153 = arith.muli %add3A_150, %mul3A_152 : vector<16xi32>
    %add3A_154 = arith.constant 26 : i32
    %add3A_155 = vector.broadcast %add3A_154 : i32 to vector<16xi32>
    %add3A_156 = arith.addi %mul3A_153, %add3A_155 : vector<16xi32>
    %swap3A_157 = arith.constant 5 : i32
    %swap3A_158 = arith.index_cast %swap3A_157 : i32 to index
    %swap3A_159 = arith.constant 0 : index
    %swap3A_160 = tpu.vector_load %arg15[%swap3A_158, %swap3A_159] {strides = array<i32>} : memref<16x16xi32, #tpu.memory_space<vmem>>, vector<16xi32>,
    tpu.vector_store %arg15[%swap3A_158, %swap3A_159], %add3A_156 {strides = array<i32>} : memref<16x16xi32, #tpu.memory_space<vmem>>, vector<16xi32>,
    %add3A_161 = arith.constant 96 : i32
    %add3A_162 = arith.addi %mul3A_64, %add3A_161 : i32
    %add3A_163 = vector.broadcast %add3A_162 : i32 to vector<16xi32>
    %add3A_164 = arith.addi %add3A_163, %iota3A : vector<16xi32>
    %mul3A_165 = arith.constant 27 : i32
    %mul3A_166 = vector.broadcast %mul3A_165 : i32 to vector<16xi32>
    %mul3A_167 = arith.muli %add3A_164, %mul3A_166 : vector<16xi32>
    %add3A_168 = arith.constant 26 : i32
    %add3A_169 = vector.broadcast %add3A_168 : i32 to vector<16xi32>
    %add3A_170 = arith.addi %mul3A_167, %add3A_169 : vector<16xi32>
    %swap3A_171 = arith.constant 6 : i32
    %swap3A_172 = arith.index_cast %swap3A_171 : i32 to index
    %swap3A_173 = arith.constant 0 : index
    %swap3A_174 = tpu.vector_load %arg15[%swap3A_172, %swap3A_173] {strides = array<i32>} : memref<16x16xi32, #tpu.memory_space<vmem>>, vector<16xi32>,
    tpu.vector_store %arg15[%swap3A_172, %swap3A_173], %add3A_170 {strides = array<i32>} : memref<16x16xi32, #tpu.memory_space<vmem>>, vector<16xi32>,
    %add3A_175 = arith.constant 112 : i32
    %add3A_176 = arith.addi %mul3A_64, %add3A_175 : i32
    %add3A_177 = vector.broadcast %add3A_176 : i32 to vector<16xi32>
    %add3A_178 = arith.addi %add3A_177, %iota3A : vector<16xi32>
    %mul3A_179 = arith.constant 27 : i32
    %mul3A_180 = vector.broadcast %mul3A_179 : i32 to vector<16xi32>
    %mul3A_181 = arith.muli %add3A_178, %mul3A_180 : vector<16xi32>
    %add3A_182 = arith.constant 26 : i32
    %add3A_183 = vector.broadcast %add3A_182 : i32 to vector<16xi32>
    %add3A_184 = arith.addi %mul3A_181, %add3A_183 : vector<16xi32>
    %swap3A_185 = arith.constant 7 : i32
    %swap3A_186 = arith.index_cast %swap3A_185 : i32 to index
    %swap3A_187 = arith.constant 0 : index
    %swap3A_188 = tpu.vector_load %arg15[%swap3A_186, %swap3A_187] {strides = array<i32>} : memref<16x16xi32, #tpu.memory_space<vmem>>, vector<16xi32>,
    tpu.vector_store %arg15[%swap3A_186, %swap3A_187], %add3A_184 {strides = array<i32>} : memref<16x16xi32, #tpu.memory_space<vmem>>, vector<16xi32>,
    %dma_start3A = arith.constant 0 : i32
    %dma_start3A_189 = arith.constant 0 : i32
    %dma_start3A_190 = arith.constant 0 : i32
    %dma_start3A_191 = tpu.memref_slice %arg12[%dma_start3A_189, %dma_start3A_190] : memref<256x128xf32, #tpu.memory_space<vmem>> -> memref<16x128xf32, #tpu.memory_space<vmem>>
    %dma_start3A_192 = arith.constant 0 : i32
    %dma_start3A_193 = tpu.memref_slice %arg15[%dma_start3A, %dma_start3A_192] : memref<16x16xi32, #tpu.memory_space<vmem>> -> memref<1x16xi32, #tpu.memory_space<vmem>>
    %dma_start3A_194 = tpu.memref_squeeze %dma_start3A_193 : memref<1x16xi32, #tpu.memory_space<vmem>> -> memref<16xi32, #tpu.memory_space<vmem>>
    %dma_start3A_195 = arith.constant 0 : i32
    %dma_start3A_196 = arith.constant 0 : i32
    %dma_start3A_197 = tpu.memref_slice %arg8[%dma_start3A_195, %dma_start3A_196] : memref<110592x128xf32, #tpu.memory_space<hbm>> -> memref<110592x128xf32, #tpu.memory_space<hbm>>
    tpu.enqueue_indirect_dma source(%dma_start3A_191 : memref<16x128xf32, #tpu.memory_space<vmem>>) target(%dma_start3A_197 : memref<110592x128xf32, #tpu.memory_space<hbm>>) offsets(%dma_start3A_194 : memref<16xi32, #tpu.memory_space<vmem>>) semaphore(%arg21 : memref<!tpu.dma_semaphore, #tpu.memory_space<semaphore_mem>>)
    %dma_start3A_198 = arith.constant 1 : i32
    %dma_start3A_199 = arith.constant 16 : i32
    %dma_start3A_200 = arith.constant 0 : i32
    %dma_start3A_201 = tpu.memref_slice %arg12[%dma_start3A_199, %dma_start3A_200] : memref<256x128xf32, #tpu.memory_space<vmem>> -> memref<16x128xf32, #tpu.memory_space<vmem>>
    %dma_start3A_202 = arith.constant 0 : i32
    %dma_start3A_203 = tpu.memref_slice %arg15[%dma_start3A_198, %dma_start3A_202] : memref<16x16xi32, #tpu.memory_space<vmem>> -> memref<1x16xi32, #tpu.memory_space<vmem>>
    %dma_start3A_204 = tpu.memref_squeeze %dma_start3A_203 : memref<1x16xi32, #tpu.memory_space<vmem>> -> memref<16xi32, #tpu.memory_space<vmem>>
    %dma_start3A_205 = arith.constant 0 : i32
    %dma_start3A_206 = arith.constant 0 : i32
    %dma_start3A_207 = tpu.memref_slice %arg8[%dma_start3A_205, %dma_start3A_206] : memref<110592x128xf32, #tpu.memory_space<hbm>> -> memref<110592x128xf32, #tpu.memory_space<hbm>>
    tpu.enqueue_indirect_dma source(%dma_start3A_201 : memref<16x128xf32, #tpu.memory_space<vmem>>) target(%dma_start3A_207 : memref<110592x128xf32, #tpu.memory_space<hbm>>) offsets(%dma_start3A_204 : memref<16xi32, #tpu.memory_space<vmem>>) semaphore(%arg21 : memref<!tpu.dma_semaphore, #tpu.memory_space<semaphore_mem>>)
    %dma_start3A_208 = arith.constant 2 : i32
    %dma_start3A_209 = arith.constant 32 : i32
    %dma_start3A_210 = arith.constant 0 : i32
    %dma_start3A_211 = tpu.memref_slice %arg12[%dma_start3A_209, %dma_start3A_210] : memref<256x128xf32, #tpu.memory_space<vmem>> -> memref<16x128xf32, #tpu.memory_space<vmem>>
    %dma_start3A_212 = arith.constant 0 : i32
    %dma_start3A_213 = tpu.memref_slice %arg15[%dma_start3A_208, %dma_start3A_212] : memref<16x16xi32, #tpu.memory_space<vmem>> -> memref<1x16xi32, #tpu.memory_space<vmem>>
    %dma_start3A_214 = tpu.memref_squeeze %dma_start3A_213 : memref<1x16xi32, #tpu.memory_space<vmem>> -> memref<16xi32, #tpu.memory_space<vmem>>
    %dma_start3A_215 = arith.constant 0 : i32
    %dma_start3A_216 = arith.constant 0 : i32
    %dma_start3A_217 = tpu.memref_slice %arg8[%dma_start3A_215, %dma_start3A_216] : memref<110592x128xf32, #tpu.memory_space<hbm>> -> memref<110592x128xf32, #tpu.memory_space<hbm>>
    tpu.enqueue_indirect_dma source(%dma_start3A_211 : memref<16x128xf32, #tpu.memory_space<vmem>>) target(%dma_start3A_217 : memref<110592x128xf32, #tpu.memory_space<hbm>>) offsets(%dma_start3A_214 : memref<16xi32, #tpu.memory_space<vmem>>) semaphore(%arg21 : memref<!tpu.dma_semaphore, #tpu.memory_space<semaphore_mem>>)
    %dma_start3A_218 = arith.constant 3 : i32
    %dma_start3A_219 = arith.constant 48 : i32
    %dma_start3A_220 = arith.constant 0 : i32
    %dma_start3A_221 = tpu.memref_slice %arg12[%dma_start3A_219, %dma_start3A_220] : memref<256x128xf32, #tpu.memory_space<vmem>> -> memref<16x128xf32, #tpu.memory_space<vmem>>
    %dma_start3A_222 = arith.constant 0 : i32
    %dma_start3A_223 = tpu.memref_slice %arg15[%dma_start3A_218, %dma_start3A_222] : memref<16x16xi32, #tpu.memory_space<vmem>> -> memref<1x16xi32, #tpu.memory_space<vmem>>
    %dma_start3A_224 = tpu.memref_squeeze %dma_start3A_223 : memref<1x16xi32, #tpu.memory_space<vmem>> -> memref<16xi32, #tpu.memory_space<vmem>>
    %dma_start3A_225 = arith.constant 0 : i32
    %dma_start3A_226 = arith.constant 0 : i32
    %dma_start3A_227 = tpu.memref_slice %arg8[%dma_start3A_225, %dma_start3A_226] : memref<110592x128xf32, #tpu.memory_space<hbm>> -> memref<110592x128xf32, #tpu.memory_space<hbm>>
    tpu.enqueue_indirect_dma source(%dma_start3A_221 : memref<16x128xf32, #tpu.memory_space<vmem>>) target(%dma_start3A_227 : memref<110592x128xf32, #tpu.memory_space<hbm>>) offsets(%dma_start3A_224 : memref<16xi32, #tpu.memory_space<vmem>>) semaphore(%arg21 : memref<!tpu.dma_semaphore, #tpu.memory_space<semaphore_mem>>)
    %dma_start3A_228 = arith.constant 4 : i32
    %dma_start3A_229 = arith.constant 64 : i32
    %dma_start3A_230 = arith.constant 0 : i32
    %dma_start3A_231 = tpu.memref_slice %arg12[%dma_start3A_229, %dma_start3A_230] : memref<256x128xf32, #tpu.memory_space<vmem>> -> memref<16x128xf32, #tpu.memory_space<vmem>>
    %dma_start3A_232 = arith.constant 0 : i32
    %dma_start3A_233 = tpu.memref_slice %arg15[%dma_start3A_228, %dma_start3A_232] : memref<16x16xi32, #tpu.memory_space<vmem>> -> memref<1x16xi32, #tpu.memory_space<vmem>>
    %dma_start3A_234 = tpu.memref_squeeze %dma_start3A_233 : memref<1x16xi32, #tpu.memory_space<vmem>> -> memref<16xi32, #tpu.memory_space<vmem>>
    %dma_start3A_235 = arith.constant 0 : i32
    %dma_start3A_236 = arith.constant 0 : i32
    %dma_start3A_237 = tpu.memref_slice %arg8[%dma_start3A_235, %dma_start3A_236] : memref<110592x128xf32, #tpu.memory_space<hbm>> -> memref<110592x128xf32, #tpu.memory_space<hbm>>
    tpu.enqueue_indirect_dma source(%dma_start3A_231 : memref<16x128xf32, #tpu.memory_space<vmem>>) target(%dma_start3A_237 : memref<110592x128xf32, #tpu.memory_space<hbm>>) offsets(%dma_start3A_234 : memref<16xi32, #tpu.memory_space<vmem>>) semaphore(%arg21 : memref<!tpu.dma_semaphore, #tpu.memory_space<semaphore_mem>>)
    %dma_start3A_238 = arith.constant 5 : i32
    %dma_start3A_239 = arith.constant 80 : i32
    %dma_start3A_240 = arith.constant 0 : i32
    %dma_start3A_241 = tpu.memref_slice %arg12[%dma_start3A_239, %dma_start3A_240] : memref<256x128xf32, #tpu.memory_space<vmem>> -> memref<16x128xf32, #tpu.memory_space<vmem>>
    %dma_start3A_242 = arith.constant 0 : i32
    %dma_start3A_243 = tpu.memref_slice %arg15[%dma_start3A_238, %dma_start3A_242] : memref<16x16xi32, #tpu.memory_space<vmem>> -> memref<1x16xi32, #tpu.memory_space<vmem>>
    %dma_start3A_244 = tpu.memref_squeeze %dma_start3A_243 : memref<1x16xi32, #tpu.memory_space<vmem>> -> memref<16xi32, #tpu.memory_space<vmem>>
    %dma_start3A_245 = arith.constant 0 : i32
    %dma_start3A_246 = arith.constant 0 : i32
    %dma_start3A_247 = tpu.memref_slice %arg8[%dma_start3A_245, %dma_start3A_246] : memref<110592x128xf32, #tpu.memory_space<hbm>> -> memref<110592x128xf32, #tpu.memory_space<hbm>>
    tpu.enqueue_indirect_dma source(%dma_start3A_241 : memref<16x128xf32, #tpu.memory_space<vmem>>) target(%dma_start3A_247 : memref<110592x128xf32, #tpu.memory_space<hbm>>) offsets(%dma_start3A_244 : memref<16xi32, #tpu.memory_space<vmem>>) semaphore(%arg21 : memref<!tpu.dma_semaphore, #tpu.memory_space<semaphore_mem>>)
    %dma_start3A_248 = arith.constant 6 : i32
    %dma_start3A_249 = arith.constant 96 : i32
    %dma_start3A_250 = arith.constant 0 : i32
    %dma_start3A_251 = tpu.memref_slice %arg12[%dma_start3A_249, %dma_start3A_250] : memref<256x128xf32, #tpu.memory_space<vmem>> -> memref<16x128xf32, #tpu.memory_space<vmem>>
    %dma_start3A_252 = arith.constant 0 : i32
    %dma_start3A_253 = tpu.memref_slice %arg15[%dma_start3A_248, %dma_start3A_252] : memref<16x16xi32, #tpu.memory_space<vmem>> -> memref<1x16xi32, #tpu.memory_space<vmem>>
    %dma_start3A_254 = tpu.memref_squeeze %dma_start3A_253 : memref<1x16xi32, #tpu.memory_space<vmem>> -> memref<16xi32, #tpu.memory_space<vmem>>
    %dma_start3A_255 = arith.constant 0 : i32
    %dma_start3A_256 = arith.constant 0 : i32
    %dma_start3A_257 = tpu.memref_slice %arg8[%dma_start3A_255, %dma_start3A_256] : memref<110592x128xf32, #tpu.memory_space<hbm>> -> memref<110592x128xf32, #tpu.memory_space<hbm>>
    tpu.enqueue_indirect_dma source(%dma_start3A_251 : memref<16x128xf32, #tpu.memory_space<vmem>>) target(%dma_start3A_257 : memref<110592x128xf32, #tpu.memory_space<hbm>>) offsets(%dma_start3A_254 : memref<16xi32, #tpu.memory_space<vmem>>) semaphore(%arg21 : memref<!tpu.dma_semaphore, #tpu.memory_space<semaphore_mem>>)
    %dma_start3A_258 = arith.constant 7 : i32
    %dma_start3A_259 = arith.constant 112 : i32
    %dma_start3A_260 = arith.constant 0 : i32
    %dma_start3A_261 = tpu.memref_slice %arg12[%dma_start3A_259, %dma_start3A_260] : memref<256x128xf32, #tpu.memory_space<vmem>> -> memref<16x128xf32, #tpu.memory_space<vmem>>
    %dma_start3A_262 = arith.constant 0 : i32
    %dma_start3A_263 = tpu.memref_slice %arg15[%dma_start3A_258, %dma_start3A_262] : memref<16x16xi32, #tpu.memory_space<vmem>> -> memref<1x16xi32, #tpu.memory_space<vmem>>
    %dma_start3A_264 = tpu.memref_squeeze %dma_start3A_263 : memref<1x16xi32, #tpu.memory_space<vmem>> -> memref<16xi32, #tpu.memory_space<vmem>>
    %dma_start3A_265 = arith.constant 0 : i32
    %dma_start3A_266 = arith.constant 0 : i32
    %dma_start3A_267 = tpu.memref_slice %arg8[%dma_start3A_265, %dma_start3A_266] : memref<110592x128xf32, #tpu.memory_space<hbm>> -> memref<110592x128xf32, #tpu.memory_space<hbm>>
    tpu.enqueue_indirect_dma source(%dma_start3A_261 : memref<16x128xf32, #tpu.memory_space<vmem>>) target(%dma_start3A_267 : memref<110592x128xf32, #tpu.memory_space<hbm>>) offsets(%dma_start3A_264 : memref<16xi32, #tpu.memory_space<vmem>>) semaphore(%arg21 : memref<!tpu.dma_semaphore, #tpu.memory_space<semaphore_mem>>)
    %dma_wait3A = arith.constant 0 : i32
    %dma_wait3A_268 = arith.constant 0 : i32
    %dma_wait3A_269 = arith.constant 0 : i32
    %dma_wait3A_270 = tpu.memref_slice %arg12[%dma_wait3A_268, %dma_wait3A_269] : memref<256x128xf32, #tpu.memory_space<vmem>> -> memref<16x128xf32, #tpu.memory_space<vmem>>
    %dma_wait3A_271 = arith.constant 0 : i32
    %dma_wait3A_272 = tpu.memref_slice %arg15[%dma_wait3A, %dma_wait3A_271] : memref<16x16xi32, #tpu.memory_space<vmem>> -> memref<1x16xi32, #tpu.memory_space<vmem>>
    %dma_wait3A_273 = tpu.memref_squeeze %dma_wait3A_272 : memref<1x16xi32, #tpu.memory_space<vmem>> -> memref<16xi32, #tpu.memory_space<vmem>>
    %dma_wait3A_274 = arith.constant 0 : i32
    %dma_wait3A_275 = arith.constant 0 : i32
    %dma_wait3A_276 = tpu.memref_slice %arg8[%dma_wait3A_274, %dma_wait3A_275] : memref<110592x128xf32, #tpu.memory_space<hbm>> -> memref<110592x128xf32, #tpu.memory_space<hbm>>
    tpu.wait_indirect_dma semaphore(%arg21 : memref<!tpu.dma_semaphore, #tpu.memory_space<semaphore_mem>>) src(%dma_wait3A_270 : memref<16x128xf32, #tpu.memory_space<vmem>>) dst(%dma_wait3A_276 : memref<110592x128xf32, #tpu.memory_space<hbm>>)
    %dma_wait3A_277 = arith.constant 0 : i32
    %dma_wait3A_278 = arith.constant 0 : i32
    %dma_wait3A_279 = arith.constant 0 : i32
    %dma_wait3A_280 = tpu.memref_slice %arg12[%dma_wait3A_278, %dma_wait3A_279] : memref<256x128xf32, #tpu.memory_space<vmem>> -> memref<16x128xf32, #tpu.memory_space<vmem>>
    %dma_wait3A_281 = arith.constant 0 : i32
    %dma_wait3A_282 = tpu.memref_slice %arg15[%dma_wait3A_277, %dma_wait3A_281] : memref<16x16xi32, #tpu.memory_space<vmem>> -> memref<1x16xi32, #tpu.memory_space<vmem>>
    %dma_wait3A_283 = tpu.memref_squeeze %dma_wait3A_282 : memref<1x16xi32, #tpu.memory_space<vmem>> -> memref<16xi32, #tpu.memory_space<vmem>>
    %dma_wait3A_284 = arith.constant 0 : i32
    %dma_wait3A_285 = arith.constant 0 : i32
    %dma_wait3A_286 = tpu.memref_slice %arg8[%dma_wait3A_284, %dma_wait3A_285] : memref<110592x128xf32, #tpu.memory_space<hbm>> -> memref<110592x128xf32, #tpu.memory_space<hbm>>
    tpu.wait_indirect_dma semaphore(%arg21 : memref<!tpu.dma_semaphore, #tpu.memory_space<semaphore_mem>>) src(%dma_wait3A_280 : memref<16x128xf32, #tpu.memory_space<vmem>>) dst(%dma_wait3A_286 : memref<110592x128xf32, #tpu.memory_space<hbm>>)
    %dma_wait3A_287 = arith.constant 0 : i32
    %dma_wait3A_288 = arith.constant 0 : i32
    %dma_wait3A_289 = arith.constant 0 : i32
    %dma_wait3A_290 = tpu.memref_slice %arg12[%dma_wait3A_288, %dma_wait3A_289] : memref<256x128xf32, #tpu.memory_space<vmem>> -> memref<16x128xf32, #tpu.memory_space<vmem>>
    %dma_wait3A_291 = arith.constant 0 : i32
    %dma_wait3A_292 = tpu.memref_slice %arg15[%dma_wait3A_287, %dma_wait3A_291] : memref<16x16xi32, #tpu.memory_space<vmem>> -> memref<1x16xi32, #tpu.memory_space<vmem>>
    %dma_wait3A_293 = tpu.memref_squeeze %dma_wait3A_292 : memref<1x16xi32, #tpu.memory_space<vmem>> -> memref<16xi32, #tpu.memory_space<vmem>>
    %dma_wait3A_294 = arith.constant 0 : i32
    %dma_wait3A_295 = arith.constant 0 : i32
    %dma_wait3A_296 = tpu.memref_slice %arg8[%dma_wait3A_294, %dma_wait3A_295] : memref<110592x128xf32, #tpu.memory_space<hbm>> -> memref<110592x128xf32, #tpu.memory_space<hbm>>
    tpu.wait_indirect_dma semaphore(%arg21 : memref<!tpu.dma_semaphore, #tpu.memory_space<semaphore_mem>>) src(%dma_wait3A_290 : memref<16x128xf32, #tpu.memory_space<vmem>>) dst(%dma_wait3A_296 : memref<110592x128xf32, #tpu.memory_space<hbm>>)
    %dma_wait3A_297 = arith.constant 0 : i32
    %dma_wait3A_298 = arith.constant 0 : i32
    %dma_wait3A_299 = arith.constant 0 : i32
    %dma_wait3A_300 = tpu.memref_slice %arg12[%dma_wait3A_298, %dma_wait3A_299] : memref<256x128xf32, #tpu.memory_space<vmem>> -> memref<16x128xf32, #tpu.memory_space<vmem>>
    %dma_wait3A_301 = arith.constant 0 : i32
    %dma_wait3A_302 = tpu.memref_slice %arg15[%dma_wait3A_297, %dma_wait3A_301] : memref<16x16xi32, #tpu.memory_space<vmem>> -> memref<1x16xi32, #tpu.memory_space<vmem>>
    %dma_wait3A_303 = tpu.memref_squeeze %dma_wait3A_302 : memref<1x16xi32, #tpu.memory_space<vmem>> -> memref<16xi32, #tpu.memory_space<vmem>>
    %dma_wait3A_304 = arith.constant 0 : i32
    %dma_wait3A_305 = arith.constant 0 : i32
    %dma_wait3A_306 = tpu.memref_slice %arg8[%dma_wait3A_304, %dma_wait3A_305] : memref<110592x128xf32, #tpu.memory_space<hbm>> -> memref<110592x128xf32, #tpu.memory_space<hbm>>
    tpu.wait_indirect_dma semaphore(%arg21 : memref<!tpu.dma_semaphore, #tpu.memory_space<semaphore_mem>>) src(%dma_wait3A_300 : memref<16x128xf32, #tpu.memory_space<vmem>>) dst(%dma_wait3A_306 : memref<110592x128xf32, #tpu.memory_space<hbm>>)
    %dma_wait3A_307 = arith.constant 0 : i32
    %dma_wait3A_308 = arith.constant 0 : i32
    %dma_wait3A_309 = arith.constant 0 : i32
    %dma_wait3A_310 = tpu.memref_slice %arg12[%dma_wait3A_308, %dma_wait3A_309] : memref<256x128xf32, #tpu.memory_space<vmem>> -> memref<16x128xf32, #tpu.memory_space<vmem>>
    %dma_wait3A_311 = arith.constant 0 : i32
    %dma_wait3A_312 = tpu.memref_slice %arg15[%dma_wait3A_307, %dma_wait3A_311] : memref<16x16xi32, #tpu.memory_space<vmem>> -> memref<1x16xi32, #tpu.memory_space<vmem>>
    %dma_wait3A_313 = tpu.memref_squeeze %dma_wait3A_312 : memref<1x16xi32, #tpu.memory_space<vmem>> -> memref<16xi32, #tpu.memory_space<vmem>>
    %dma_wait3A_314 = arith.constant 0 : i32
    %dma_wait3A_315 = arith.constant 0 : i32
    %dma_wait3A_316 = tpu.memref_slice %arg8[%dma_wait3A_314, %dma_wait3A_315] : memref<110592x128xf32, #tpu.memory_space<hbm>> -> memref<110592x128xf32, #tpu.memory_space<hbm>>
    tpu.wait_indirect_dma semaphore(%arg21 : memref<!tpu.dma_semaphore, #tpu.memory_space<semaphore_mem>>) src(%dma_wait3A_310 : memref<16x128xf32, #tpu.memory_space<vmem>>) dst(%dma_wait3A_316 : memref<110592x128xf32, #tpu.memory_space<hbm>>)
    %dma_wait3A_317 = arith.constant 0 : i32
    %dma_wait3A_318 = arith.constant 0 : i32
    %dma_wait3A_319 = arith.constant 0 : i32
    %dma_wait3A_320 = tpu.memref_slice %arg12[%dma_wait3A_318, %dma_wait3A_319] : memref<256x128xf32, #tpu.memory_space<vmem>> -> memref<16x128xf32, #tpu.memory_space<vmem>>
    %dma_wait3A_321 = arith.constant 0 : i32
    %dma_wait3A_322 = tpu.memref_slice %arg15[%dma_wait3A_317, %dma_wait3A_321] : memref<16x16xi32, #tpu.memory_space<vmem>> -> memref<1x16xi32, #tpu.memory_space<vmem>>
    %dma_wait3A_323 = tpu.memref_squeeze %dma_wait3A_322 : memref<1x16xi32, #tpu.memory_space<vmem>> -> memref<16xi32, #tpu.memory_space<vmem>>
    %dma_wait3A_324 = arith.constant 0 : i32
    %dma_wait3A_325 = arith.constant 0 : i32
    %dma_wait3A_326 = tpu.memref_slice %arg8[%dma_wait3A_324, %dma_wait3A_325] : memref<110592x128xf32, #tpu.memory_space<hbm>> -> memref<110592x128xf32, #tpu.memory_space<hbm>>
    tpu.wait_indirect_dma semaphore(%arg21 : memref<!tpu.dma_semaphore, #tpu.memory_space<semaphore_mem>>) src(%dma_wait3A_320 : memref<16x128xf32, #tpu.memory_space<vmem>>) dst(%dma_wait3A_326 : memref<110592x128xf32, #tpu.memory_space<hbm>>)
    %dma_wait3A_327 = arith.constant 0 : i32
    %dma_wait3A_328 = arith.constant 0 : i32
    %dma_wait3A_329 = arith.constant 0 : i32
    %dma_wait3A_330 = tpu.memref_slice %arg12[%dma_wait3A_328, %dma_wait3A_329] : memref<256x128xf32, #tpu.memory_space<vmem>> -> memref<16x128xf32, #tpu.memory_space<vmem>>
    %dma_wait3A_331 = arith.constant 0 : i32
    %dma_wait3A_332 = tpu.memref_slice %arg15[%dma_wait3A_327, %dma_wait3A_331] : memref<16x16xi32, #tpu.memory_space<vmem>> -> memref<1x16xi32, #tpu.memory_space<vmem>>
    %dma_wait3A_333 = tpu.memref_squeeze %dma_wait3A_332 : memref<1x16xi32, #tpu.memory_space<vmem>> -> memref<16xi32, #tpu.memory_space<vmem>>
    %dma_wait3A_334 = arith.constant 0 : i32
    %dma_wait3A_335 = arith.constant 0 : i32
    %dma_wait3A_336 = tpu.memref_slice %arg8[%dma_wait3A_334, %dma_wait3A_335] : memref<110592x128xf32, #tpu.memory_space<hbm>> -> memref<110592x128xf32, #tpu.memory_space<hbm>>
    tpu.wait_indirect_dma semaphore(%arg21 : memref<!tpu.dma_semaphore, #tpu.memory_space<semaphore_mem>>) src(%dma_wait3A_330 : memref<16x128xf32, #tpu.memory_space<vmem>>) dst(%dma_wait3A_336 : memref<110592x128xf32, #tpu.memory_space<hbm>>)
    %dma_wait3A_337 = arith.constant 0 : i32
    %dma_wait3A_338 = arith.constant 0 : i32
    %dma_wait3A_339 = arith.constant 0 : i32
    %dma_wait3A_340 = tpu.memref_slice %arg12[%dma_wait3A_338, %dma_wait3A_339] : memref<256x128xf32, #tpu.memory_space<vmem>> -> memref<16x128xf32, #tpu.memory_space<vmem>>
    %dma_wait3A_341 = arith.constant 0 : i32
    %dma_wait3A_342 = tpu.memref_slice %arg15[%dma_wait3A_337, %dma_wait3A_341] : memref<16x16xi32, #tpu.memory_space<vmem>> -> memref<1x16xi32, #tpu.memory_space<vmem>>
    %dma_wait3A_343 = tpu.memref_squeeze %dma_wait3A_342 : memref<1x16xi32, #tpu.memory_space<vmem>> -> memref<16xi32, #tpu.memory_space<vmem>>
    %dma_wait3A_344 = arith.constant 0 : i32
    %dma_wait3A_345 = arith.constant 0 : i32
    %dma_wait3A_346 = tpu.memref_slice %arg8[%dma_wait3A_344, %dma_wait3A_345] : memref<110592x128xf32, #tpu.memory_space<hbm>> -> memref<110592x128xf32, #tpu.memory_space<hbm>>
    tpu.wait_indirect_dma semaphore(%arg21 : memref<!tpu.dma_semaphore, #tpu.memory_space<semaphore_mem>>) src(%dma_wait3A_340 : memref<16x128xf32, #tpu.memory_space<vmem>>) dst(%dma_wait3A_346 : memref<110592x128xf32, #tpu.memory_space<hbm>>)
    return
  }
}

</mosaic_0001>

<sc_bundles>
// kernel: kernel.3.cloned.1.call-start
scs
__scs_entry_jumppad:
0x0: {  	(pc) =	sbr.rel $0x88, $3  }
0x1: {  	(tag) =	ssettag $0x0;
	lr =	simm.s32 $0x1  }
0x2: {  	[smem:$0x3F9C] =	sst lr;
	_ =	strace $0xD0000000  }
0x3: {  	_ = 	snop  }
0x4: {  	_ = 	snop  }
0x5: {  	_ = 	snop  }
0x6: {  	_ = 	snop  }
0x7: {  	_ = 	snop  }
__scs_overlays_trampoline_lowered:
0x8: {  	[smem:$0x3FAB] =	sst s0  }
0x9: {  	[smem:$0x3FAC] =	sst s1  }
0xa: {  	[smem:$0x3FAD] =	sst s2  }
0xb: {  	[smem:$0x3FAE] =	sst s3  }
0xc: {  	[smem:$0x3FAF] =	sst s4  }
0xd: {  	[smem:$0x3FB0] =	sst s5  }
0xe: {  	[smem:$0x3FB1] =	sst s6  }
0xf: {  	[smem:$0x3FB2] =	sst s7  }
0x10: {  	[smem:$0x3FB3] =	sst s8  }
0x11: {  	[smem:$0x3FB4] =	sst s9;
	s0 =	simm.s32 @!p0 $0x0  }
0x12: {  	s1 =	sld [smem:$0x3F9A];
	s0 =	simm.s32 @p0 $0x1  }
0x13: {  	[smem:$0x3FB5] =	sst s0;
	s0 =	simm.s32 @!p1 $0x0  }
0x14: {  	s2 =	sld [smem:$0x3F99];
	s0 =	simm.s32 @p1 $0x1  }
0x15: {  	[smem:$0x3FB6] =	sst s0;
	s0 =	simm.s32 @!p2 $0x0  }
0x16: {  	s3 =	sld [smem:$0x3FDB];
	s0 =	simm.s32 @p2 $0x1  }
0x17: {  	s4 =	simm.s32 $0x1BF5;
	[smem:$0x3FB8] =	sst s0  }
0x18: {  	s0 =	sld [smem:$0x3F9B];
	_ =	swait.ge [sflag:s4], $0x0  }
0x19: {  	s7 =	sld [smem:$0x3F9C]  }
0x1a: {  	s8 =	sadd.s32 $0xFFFFE003, lr  }
0x1b: {  	s9 =	sadd.s32 $0xFFFFFEF7, lr;
	s5 =	simm.s32 $0xFFFFFFFF;
	p2 =	slt.u32 s8, $0xFFFFF086  }
0x1c: {  	p1 =	slt.u32 s9, $0xF7A;
	s5 =	simm.s32 @!p2 $0x0  }
0x1d: {  	s5 =	simm.s32 @p1 $0x1;
	p0 =	seq.s32 s7, s2  }
0x1e: {  	s7 =	smul.u32 @!p0 $0xF7A, s2;
	p2 =	seq.s32 @!p0 s5, $0x0  }
0x1f: {  	s9 =	smul.u32 $0xF7A, s1;
	s8 =	simm.s32 @!p0 $0x1BF5;
	p2 =	por !p2, p0  }
0x20: {  	[sflag:s8] =	ssyncset.s32 @!p0 $0xFFFFF086;
	s6 =	sadd.s32 @!p0 s3, s7;
	s7 =	simm.s32 @!p0 $0x108  }
0x21: {  	s3 =	sadd.s32 s3, s9;
	s6 =	sadd.s32 @!p0 $0x88, s6;
	s7 =	simm.s32 @p2 $0x1082  }
0x22: {  	[simem:s7], [sflag:s8] =	dma.local @!p0 [hbm:s6], $0xF7A  }
0x23: {  	s9 =	sor.u32 $0xD0000000, s2;
	s6 =	simm.s32 $0x108;
	_ =	swait.ge @!p0 [sflag:s8], $0x0  }
0x24: {  	s3 =	sadd.s32 $0x88, s3;
	s6 =	simm.s32 @!p1 $0x1082;
	[sflag:s4] =	ssyncset.s32 $0xFFFFF086  }
0x25: {  	[simem:s6], [sflag:s4] =	dma.local [hbm:s3], $0xF7A  }
0x26: {  	[smem:$0x3F9C] =	sst s1;
	(tag) =	ssettag s2;
	_ =	strace s9  }
0x27: {  	s1 =	sld [smem:$0x3FAC]  }
0x28: {  	s2 =	sld [smem:$0x3FAD]  }
0x29: {  	s4 =	sld [smem:$0x3FAF]  }
0x2a: {  	p0 =	seq.s32 s5, $0x0;
	s5 =	sld [smem:$0x3FB0]  }
0x2b: {  	s6 =	sld [smem:$0x3FB1]  }
0x2c: {  	s7 =	sld [smem:$0x3FB2]  }
0x2d: {  	s3 =	simm.s32 $0x108;
	s8 =	sld [smem:$0x3FB3]  }
0x2e: {  	s3 =	simm.s32 @!p0 $0x1082;
	s9 =	sld [smem:$0x3FB4]  }
0x2f: {  	lr =	sadd.s32 s0, s3;
	s0 =	sld [smem:$0x3FAB]  }
0x30: {  	s3 =	sld [smem:$0x3FAE]  }
0x31: {  	[smem:$0x3FB7] =	sst s10  }
0x32: {  	s10 =	sld [smem:$0x3FB5];
	_ =	sdelay $0x3  }
0x33: {  	p0 =	seq.s32 s10, $0x1;
	s10 =	sld [smem:$0x3FB7];
	_ =	sdelay $0x3  }
0x34: {  	[smem:$0x3FB7] =	sst s10  }
0x35: {  	s10 =	sld [smem:$0x3FB6];
	_ =	sdelay $0x3  }
0x36: {  	p1 =	seq.s32 s10, $0x1;
	s10 =	sld [smem:$0x3FB7];
	_ =	sdelay $0x3  }
0x37: {  	[smem:$0x3FB7] =	sst s10  }
0x38: {  	s10 =	sld [smem:$0x3FB8]  }
0x39: {  	_ = 	snop;
	(pc) =	sbr.ind lr, $3  }
0x3a: {  	_ = 	snop  }
0x3b: {  	_ = 	snop  }
0x3c: {  	p2 =	seq.s32 s10, $0x1;
	s10 =	sld [smem:$0x3FB7]  }
0x3d: {  	_ =	shalt  }
0x3e: {  	_ =	shalt  }
0x3f: {  	_ =	shalt  }
0x40: {  	_ =	shalt  }
0x41: {  	_ =	shalt  }
0x42: {  	_ =	shalt  }
0x43: {  	_ =	shalt  }
0x44: {  	_ =	shalt  }
0x45: {  	_ =	shalt  }
0x46: {  	_ =	shalt  }
0x47: {  	_ =	shalt  }
0x48: {  	_ =	shalt  }
0x49: {  	_ =	shalt  }
0x4a: {  	_ =	shalt  }
0x4b: {  	_ =	shalt  }
0x4c: {  	_ =	shalt  }
0x4d: {  	_ =	shalt  }
0x4e: {  	_ =	shalt  }
0x4f: {  	_ =	shalt  }
0x50: {  	_ =	shalt  }
0x51: {  	_ =	shalt  }
0x52: {  	_ =	shalt  }
0x53: {  	_ =	shalt  }
0x54: {  	_ =	shalt  }
0x55: {  	_ =	shalt  }
0x56: {  	_ =	shalt  }
0x57: {  	_ =	shalt  }
0x58: {  	_ =	shalt  }
0x59: {  	_ =	shalt  }
0x5a: {  	_ =	shalt  }
0x5b: {  	_ =	shalt  }
0x5c: {  	_ =	shalt  }
0x5d: {  	_ =	shalt  }
0x5e: {  	_ =	shalt  }
0x5f: {  	_ =	shalt  }
0x60: {  	_ =	shalt  }
0x61: {  	_ =	shalt  }
0x62: {  	_ =	shalt  }
0x63: {  	_ =	shalt  }
0x64: {  	_ =	shalt  }
0x65: {  	_ =	shalt  }
0x66: {  	_ =	shalt  }
0x67: {  	_ =	shalt  }
0x68: {  	_ =	shalt  }
0x69: {  	_ =	shalt  }
0x6a: {  	_ =	shalt  }
0x6b: {  	_ =	shalt  }
0x6c: {  	_ =	shalt  }
0x6d: {  	_ =	shalt  }
0x6e: {  	_ =	shalt  }
0x6f: {  	_ =	shalt  }
0x70: {  	_ =	shalt  }
0x71: {  	_ =	shalt  }
0x72: {  	_ =	shalt  }
0x73: {  	_ =	shalt  }
0x74: {  	_ =	shalt  }
0x75: {  	_ =	shalt  }
0x76: {  	_ =	shalt  }
0x77: {  	_ =	shalt  }
0x78: {  	_ =	shalt  }
0x79: {  	_ =	shalt  }
0x7a: {  	_ =	shalt  }
0x7b: {  	_ =	shalt  }
0x7c: {  	_ =	shalt  }
0x7d: {  	_ =	shalt  }
0x7e: {  	_ =	shalt  }
0x7f: {  	_ =	shalt  }
0x80: {  	_ =	shalt  }
0x81: {  	_ =	shalt  }
0x82: {  	_ =	shalt  }
0x83: {  	_ =	shalt  }
0x84: {  	_ =	shalt  }
0x85: {  	_ =	shalt  }
0x86: {  	_ =	shalt  }
0x87: {  	_ =	shalt  }
.Lfunc_end0:
.L_simem_size_0:
called_computation_lowered:
.L_overlay_start_0:
0x88: {  	s2 =	sld [smem:$0x3FD9]  }
0x89: {  	s3 =	sld [smem:$0x3FFE];
	_ =	sdelay $0x1  }
0x8a: {  	s1 =	srdreg.scid  }
0x8b: {  	s0 =	sand.u32 $0x1, s1  }
0x8c: {  	s17 =	sshll.u32 s0, $0xA;
	s2 =	sadd.s32 s3, s2  }
0x8d: {  	s2 =	sadd.s32 s2, s17  }
0x8e: {  	[smem:$0x3FC3] =	sst s2  }
0x8f: {  	_ = 	snop  }
0x90: {  	s2 =	sld [smem:$0x3FC7]  }
0x91: {  	s18 =	sld [smem:$0x3FC6]  }
0x92: {  	s4 =	sld [smem:$0x3FC5]  }
0x93: {  	s5 =	sld [smem:$0x3FD0];
	(tm) =	ssettm $0x1  }
0x94: {  	s6 =	sld [smem:$0x3FFB];
	_ =	sdelay $0x3  }
0x95: {  	_ =	strace s6  }
0x96: {  	s6 =	sld [smem:$0x3FFC];
	_ =	sdelay $0x3  }
0x97: {  	_ =	strace s6  }
0x98: {  	s6 =	sld [smem:$0x3FFD];
	_ =	sdelay $0x3  }
0x99: {  	_ =	strace s6  }
0x9a: {  	_ =	strace $0x8FFFFFFF  }
0x9b: {  	s19 =	sld [smem:$0x3FDB];
	_ =	sdelay $0x1  }
0x9c: {  	s7 =	simm.s32 $_scs_section_size  }
0x9d: {  	s8 =	simm.s32 $_size__tile_overlayer_lowered;
	s9 =	simm.s32 $_tile_overlayer_lowered  }
0x9e: {  	s22 =	simm.s32 $0x1BFF;
	s21 =	sshll.u32 s9, $0x1;
	s6 =	sadd.s32 s7, s19  }
0x9f: {  	s10 =	simm.s32 $0x0;
	s20 =	sshll.u32 s8, $0x1;
	s8 =	sadd.s32 s21, s6  }
0xa0: {  	[timem:s10], [sflag:s22] =	dma.local [hbm:s8], s20  }
0xa1: {  	_ =	swait.ge [sflag:s22], s20  }
0xa2: {  	s7 =	ssub.s32 $0x0, s20;
	[sflag:s22] =	ssyncset.done $0x0  }
0xa3: {  	[sflag:s22] =	ssyncadd.s32 s7;
	_ =	sdelay $0x1  }
0xa4: {  	s23 =	simm.s32 $0x1B8B  }
0xa5: {  	_ =	swait.ge [sflag:s23], $0x1  }
0xa6: {  	[sflag:s23] =	ssyncset.done $0x0  }
0xa7: {  	s25 =	simm.s32 $0x1B8E;
	s24 =	sld [smem:$0x3FFE];
	[sflag:s23] =	ssyncadd.s32 $0xFFFFFFFF  }
0xa8: {  	s26 =	simm.s32 $execute0_lowered;
	[smem:$0x3FD2] =	sst s25  }
0xa9: {  	s8 =	sshll.u32 s26, $0x1;
	_ =	strace $0x80000046;
	[dreg:$0x1] =	wrdreg $0xFFFFFFFF  }
0xaa: {  	s28 =	simm.s32 $_size_execute0_lowered;
	s6 =	sadd.s32 s6, s8;
	[dreg:$0x0] =	wrdreg $0x0  }
0xab: {  	s8 =	sshll.u32 s28, $0x1;
	[dreg:$0x2] =	wrdreg s6  }
0xac: {  	[dreg:$0x3] =	wrdreg s8  }
0xad: {  	[dreg:$0x4] =	wrdreg $0xC0  }
0xae: {  	_ =	task [dreg:s10], $0x5FFFF  }
0xaf: {  	[dreg:$0x1] =	wrdreg $0xFFFFFFFF  }
0xb0: {  	[dreg:$0x0] =	wrdreg $0x60  }
0xb1: {  	[dreg:$0x2] =	wrdreg s2  }
0xb2: {  	[dreg:$0x3] =	wrdreg s5  }
0xb3: {  	[dreg:$0x4] =	wrdreg s24  }
0xb4: {  	[dreg:$0x5] =	wrdreg s18  }
0xb5: {  	[dreg:$0x6] =	wrdreg s4  }
0xb6: {  	[dreg:$0x7] =	wrdreg $0x9  }
0xb7: {  	_ =	task.clear_ibuf [dreg:s10], $0x8FFFF;
	_ =	strace $0x90000046  }
0xb8: {  	s29 =	simm.s32 $0x9;
	_ =	strace $0x80000048  }
0xb9: {  	_ =	swait.ge [sflag:s29], $0x1  }
0xba: {  	[sflag:s29] =	ssyncadd.s32 $0xFFFFFFFF  }
0xbb: {  	_ =	strace $0x90000048  }
0xbc: {  	_ =	sfence  }
0xbd: {  	s30 =	sld [smem:$0x0];
	_ =	sdelay $0x2  }
0xbe: {  	s31 =	sshll.u32 s1, $0xD;
	s1 =	sshrl.u32 s1, $0x2  }
0xbf: {  	s3 =	sand.u32 $0x4000, s31;
	s1 =	sadd.s32 s1, s30  }
0xc0: {  	s0 =	sor.u32 s3, s0;
	s1 =	sshll.u32 s1, $0x11  }
0xc1: {  	s0 =	sor.u32 s1, s0  }
0xc2: {  	s0 =	sadd.s32 $0x8F2B, s0  }
0xc3: {  	[sflag:s0] =	ssyncadd.remote.s32 $0x1  }
0xc4: {  	_ =	sfence.sel $0xFFFF  }
0xc5: {  	[dreg:$0x0] =	wrdreg $0xFFFFFFFF;
	(pc) =	sbr.abs _section_cstart, $3  }
0xc6: {  	[dreg:$0x1] =	wrdreg $0xFFFFFFFF  }
0xc7: {  	_ =	task.clear_ibuf [dreg:s10], $0x2FFFF;
	_ =	strace $0x9FFFFFFF  }
0xc8: {  	(tm) =	ssettm $0x7FFFFFFF  }
0xc9: {  	_ =	shalt  }
tec
execute0_lowered:
.L_overlay_start_1:
0x0: {  	(tag) =	ssettag $0x1  }
0x1: {  	s0 =	rddreg [dreg:$0x0]  }
0x2: {  	s2 =	rddreg [dreg:$0x1]  }
0x3: {  	s3 =	srdreg.scid;
	s4 =	stileid.u32  }
0x4: {  	s1 =	rddreg [dreg:$0x2];
	s3 =	sand.u32 $0x1, s3;
	s4 =	sshll.u32 s4, $0x1  }
0x5: {  	s6 =	simm.s32 $0x0;
	s5 =	simm.s32 $0x30E000;
	s7 =	sor.u32 s3, s4  }
0x6: {  	s14 =	simm.s32 $0x11000;
	s15 =	simm.s32 $0x3;
	s13 =	sshll.u32 s7, $0x7  }
0x7: {  	s16 =	simm.s32 $0x1A000;
	s17 =	simm.s32 $0x1A100;
	v0 =	vmov s13;
	s26 =	sor.u32 $0x10, s13  }
0x8: {  	s29 =	sor.u32 $0x20, s13;
	s30 =	sor.u32 $0x30, s13;
	s31 =	sor.u32 $0x40, s13;
	v2 =	vmul.u32 $0x1B, v0;
	v0 =	vlaneseq.u32;
	v3 =	vmov s26  }
0x9: {  	s20 =	sor.u32 $0x50, s13;
	s21 =	sor.u32 $0x60, s13;
	s22 =	sor.u32 $0x70, s13;
	v4 =	vmov s29;
	v5 =	vmov s30;
	v6 =	vmov s31  }
0xa: {  	s18 =	simm.s32 $0x2;
	s19 =	simm.s32 $0x12000;
	s28 =	simm.s32 $0x0;
	v7 =	vmov s20;
	v8 =	vmov s21;
	v10 =	vmov s22  }
0xb: {  	[smem:$0x7FF] =	sst s6;
	s8 =	sadd.s32 $0x400, s1;
	s9 =	sadd.s32 $0x5800, s1;
	v1 =	vmul.u32 $0x1B, v0;
	v3 =	vmul.u32 $0x1B, v3;
	v4 =	vmul.u32 $0x1B, v4  }
0xc: {  	_ =	strace $0x80000047;
	s23 =	ssub.s32 $0x2, s3;
	s4 =	sshll.u32 s7, $0x8;
	v5 =	vmul.u32 $0x1B, v5;
	v6 =	vmul.u32 $0x1B, v6;
	v7 =	vmul.u32 $0x1B, v7  }
0xd: {  	s24 =	sadd.s32 $0xFFFFFFE7, s7;
	p0 =	sgt.u32 s7, $0x18;
	s10 =	sshrl.u32 s23, $0x1;
	v8 =	vmul.u32 $0x1B, v8;
	v2 =	vbroadcast v2, $0x0;
	v3 =	vbroadcast v3, $0x0  }
0xe: {  	s4 =	sadd.s32 s4, s1;
	s3 =	smin.u32 s7, s24;
	s5 =	simm.s32 @!p0 $0x0;
	v10 =	vmul.u32 $0x1B, v10;
	v4 =	vbroadcast v4, $0x0;
	v5 =	vbroadcast v5, $0x0  }
0xf: {  	s1 =	ssub.s32 s23, s10;
	s11 =	sshll.u32 s3, $0xF;
	s12 =	sshrl.u32 s5, $0x3;
	v11 =	vmul.u32 $0x80, v0;
	v6 =	vbroadcast v6, $0x0;
	v7 =	vbroadcast v7, $0x0  }
0x10: {  	s13 =	smax.u32 s1, $0x1;
	s5 =	sadd.s32 s11, s5;
	s25 =	sadd.s32 s12, s0;
	v9 =	vadd.s32 $0x1A, v1;
	v8 =	vbroadcast v8, $0x0;
	v10 =	vbroadcast v10, $0x0  }
0x11: {  	p0 =	sgt.u32 s3, $0x17;
	s5 =	sshrl.u32 s5, $0x3;
	s10 =	sadd.s32 $0x18000, s25;
	v2 =	vadd.s32 v9, v2;
	v3 =	vadd.s32 v9, v3;
	v4 =	vadd.s32 v9, v4  }
0x12: {  	s20 =	simm.s32 $0x10000;
	[dreg:$0x6] =	wrdreg s10;
	s5 =	sadd.s32 s0, s5;
	v5 =	vadd.s32 v9, v5;
	v6 =	vadd.s32 v9, v6;
	v7 =	vadd.s32 v9, v7  }
0x13: {  	s21 =	simm.s32 $0x10;
	s12 =	sadd.s32 $0x3800, s4;
	[dreg:$0x7] =	wrdreg s5;
	v8 =	vadd.s32 v9, v8;
	v9 =	vadd.s32 v9, v10;
	v10 =	vimm.s32 $0x0  }
.LBB2_1:
0x14: {  	s3 =	rddreg [dreg:$0x6]  }
.Ltmp0:
0x15: {  	s1 =	simm.s32 @p0 $0x0;
	[smem:$0x0] =	sst s6;
	(pc) =	sbr.rel .LBB2_2-.Ltmp0, $4  }
0x16: {  	[tilespmem:s1], [sflag:$0x1] =	stream.linear.gather @p0 [hbm4b:s3+s1], $0x3400, $0x38;
	[tilespmem:$0x1BA80] =	vst v63  }
0x17: {  	s5 =	simm.s32 $0x0;
	s1 =	simm.s32 @!p0 $0x0;
	s3 =	rddreg [dreg:$0x7]  }
0x18: {  	[tilespmem:s1], [sflag:$0x1] =	stream.linear.gather @!p0 [hbm4b:s3+s1], $0x8000, $0x38;
	[tilespmem:$0x1BA80] =	vst v63  }
0x19: {  	[smem:$0x1] =	sst s6;
	s3 =	simm.s32 $0x0;
	s1 =	simm.s32 $0x0  }
.LBB2_15:
0x1a: {  	s3 =	smov.u32 s4  }
.LBB2_30:
0x1b: {  	p1 =	sne.s32 s5, $0x54  }
.Ltmp1:
0x1c: {  	_ = 	snop;
	(pc) =	sbr.rel @!p1 .LBB2_31-.Ltmp1, $1  }
0x1d: {  	_ =	sdelay $0x3  }
.LBB2_2:
0x1e: {  	s29 =	smov.u32 s5  }
0x1f: {  	s5 =	sadd.s32 $0x1, s5;
	p1 =	seq.s32 s29, $0x53  }
0x20: {  	s4 =	sshll.u32 @!p1 s5, $0x3  }
0x21: {  	s4 =	sand.u32 @!p1 $0x7E0, s4  }
0x22: {  	s4 =	sor.u32 @!p1 s7, s4  }
0x23: {  	p2 =	slt.s32 @!p1 s4, $0x289  }
0x24: {  	p2 =	por !p2, p1  }
0x25: {  	s4 =	simm.s32 @p2 $0x289  }
0x26: {  	s22 =	smulhi.u32 @!p1 $0x51EB851F, s4;
	_ =	sdelay $0x1  }
0x27: {  	s22 =	sshrl.u32 @!p1 s22, $0x3  }
0x28: {  	s23 =	smul.u32 @!p1 $0x19, s22  }
0x29: {  	s24 =	sand.u32 @!p1 $0x3, s5;
	s22 =	sshll.u32 @!p1 s22, $0x2  }
0x2a: {  	s22 =	sor.u32 @!p1 s24, s22;
	s4 =	ssub.s32 @!p1 s4, s23  }
0x2b: {  	s22 =	smul.u32 @!p1 $0xC3800, s22;
	p2 =	sgt.u32 @!p1 s4, $0x17  }
0x2c: {  	s25 =	sshll.u32 s29, $0x3;
	p3 =	por !p2, p1  }
0x2d: {  	s10 =	sand.u32 $0x3E0, s25;
	s24 =	sshrl.u32 @!p3 s22, $0x3  }
0x2e: {  	s25 =	sand.u32 @!p1 $0x1, s5;
	p2 =	por p2, p1;
	s24 =	sadd.s32 @!p3 s0, s24  }
0x2f: {  	s26 =	sshll.u32 @!p3 s25, $0xF;
	s31 =	simm.s32 @!p3 $0x0;
	s24 =	sadd.s32 @!p3 $0x18000, s24  }
0x30: {  	[tilespmem:s26], [sflag:$0x1] =	stream.linear.gather @!p3 [hbm4b:s24+s31], $0x3400, $0x38;
	[tilespmem:$0x1BA80] =	vst v63  }
0x31: {  	s30 =	sor.u32 s7, s10;
	s26 =	sshll.u32 @!p2 s4, $0xF  }
0x32: {  	p4 =	slt.s32 s30, $0x289;
	s23 =	smov.u32 s30;
	s22 =	sadd.s32 @!p2 s26, s22  }
0x33: {  	s23 =	simm.s32 @!p4 $0x289;
	s25 =	sshll.u32 @!p2 s25, $0xF;
	s22 =	sshrl.u32 @!p2 s22, $0x3  }
0x34: {  	s31 =	sand.u32 $0x3, s29;
	s26 =	simm.s32 @!p2 $0x0;
	s22 =	sadd.s32 @!p2 s0, s22  }
0x35: {  	[tilespmem:s25], [sflag:$0x1] =	stream.linear.gather @!p2 [hbm4b:s22+s26], $0x8000, $0x38;
	[tilespmem:$0x1BA80] =	vst v63  }
0x36: {  	s11 =	smulhi.u32 $0x51EB851F, s23;
	p2 =	sne.s32 @!p1 s31, $0x0  }
0x37: {  	p2 =	por p1, p2  }
.Ltmp2:
0x38: {  	s4 =	sshrl.u32 s11, $0x3;
	(pc) =	sbr.rel @!p2 .LBB2_4-.Ltmp2, $3  }
0x39: {  	s24 =	smul.u32 $0x19, s4;
	_ =	sdelay $0x1  }
0x3a: {  	s23 =	ssub.s32 s23, s24  }
0x3b: {  	s22 =	sshll.u32 s23, $0xC  }
.Ltmp3:
0x3c: {  	(pc) =	sbr.rel .LBB2_14-.Ltmp3, $3  }
0x3d: {  	_ =	sdelay $0x1  }
0x3e: {  	s3 =	smov.u32 @p1 s3  }
0x3f: {  	s1 =	smov.u32 @p1 s1;
	s4 =	smov.u32 s3  }
.LBB2_4:
0x40: {  	s1 =	sshll.u32 s4, $0x9  }
0x41: {  	s24 =	sadd.s32 s8, s1  }
0x42: {  	[tilespmem:s14], [sflag:$0x3] =	stream.linear.gather [hbm4b:s24+s6], $0x1000, $0x38;
	[tilespmem:$0x1BA80] =	vst v63  }
0x43: {  	p1 =	sne.s32 s23, $0x18;
	_ =	swait.ge [sflag:s15], $0x1000  }
0x44: {  	s1 =	sadd.s32 @!p1 s2, s1;
	[sflag:s15] =	ssyncset.done $0x0  }
0x45: {  	s25 =	simm.s32 @!p1 $0x10000;
	s24 =	simm.s32 @!p1 $0x0;
	[sflag:s15] =	ssyncadd.s32 $0xFFFFF000  }
0x46: {  	[tilespmem:s25], [sflag:$0x3] =	stream.linear.gather @!p1 [hbm4b:s1+s24], $0x1000, $0x38;
	[tilespmem:$0x1BA80] =	vst v63  }
0x47: {  	s1 =	simm.s32 @!p1 $0x3  }
0x48: {  	_ =	swait.ge @!p1 [sflag:s1], $0x1000  }
0x49: {  	[sflag:s1] =	ssyncset.done @!p1 $0x0  }
0x4a: {  	[sflag:s1] =	ssyncadd.s32 @!p1 $0xFFFFF000;
	s1 =	simm.s32 $0x11020  }
0x4b: {  	v15 =	vld [tilespmem:s1+$0xFFFFFFE0];
	_ =	sdelay $0x1  }
0x4c: {  	s10 =	smin.u32 s22, $0x176A0  }
0x4d: {  	s24 =	sadd.s32 $0x1000, s10  }
0x4e: {  	v13 =	vmov s22;
	v14 =	vmov s24  }
0x4f: {  	vm0 =	vge.s32 v15, v13;
	vm1 =	vlt.s32 v15, v14  }
0x50: {  	vm0 =	vmand vm0, vm1  }
0x51: {  	v12 =	vsel vm0, $0x1, v10  }
0x52: {  	(xrf0) =	vadd.scan.msk.s32 $0xffff, v12;
	_ =	sdelay $0x4  }
0x53: {  	s11 =	simm.s32 $0x0;
	v12 =	vsel vm0, $0xFFFFFFFF, v10  }
0x54: {  	v16 =	vmov s11;
	v12 =	vadd.s32 s11, v12;
	v17, _, _ =	vpop (xrf0)  }
0x55: {  	v16 =	vmul.u32 $0x1B, v16;
	v18 =	vadd.s32 v17, v12  }
0x56: {  	v12 =	vmov s4  }
0x57: {  	v16 =	vadd.s32 v12, v16  }
0x58: {  	v16 =	vbroadcast v16, $0x0;
	_ =	sdelay $0x1  }
0x59: {  	v16 =	vadd.s32 v1, v16;
	[tilespmem:v18+s16+$0x0] =	vst.idx.msk vm0, v15  }
0x5a: {  	(v2sf) =	vpush v17, $0xF;
	[tilespmem:v18+s17+$0x0] =	vst.idx.msk vm0, v16  }
0x5b: {  	v15 =	vld [tilespmem:s1+$0xFFFFFFF0];
	_ =	sdelay $0x4  }
0x5c: {  	vm0 =	vge.s32 v15, v13;
	vm1 =	vlt.s32 v15, v14  }
0x5d: {  	vm0 =	vmand vm0, vm1  }
0x5e: {  	v16 =	vsel vm0, $0x1, v10  }
0x5f: {  	(xrf0) =	vadd.scan.msk.s32 $0xffff, v16;
	_ =	sdelay $0x5  }
0x60: {  	s26 =	simm.s32 $0x10;
	s25 =	spop (v2sf);
	v16 =	vsel vm0, $0xFFFFFFFF, v10;
	v17, _, _ =	vpop (xrf0)  }
0x61: {  	v18 =	vmov s26;
	s4 =	sadd.s32 $0x0, s25;
	v16 =	vadd.s32 v16, v17  }
0x62: {  	v18 =	vmul.u32 $0x1B, v18;
	v16 =	vadd.s32 s4, v16;
	_ =	sdelay $0x1  }
0x63: {  	v18 =	vadd.s32 v12, v18  }
0x64: {  	v18 =	vbroadcast v18, $0x0;
	_ =	sdelay $0x1  }
0x65: {  	v18 =	vadd.s32 v1, v18;
	[tilespmem:v16+s16+$0x0] =	vst.idx.msk vm0, v15  }
0x66: {  	(v2sf) =	vpush v17, $0xF;
	[tilespmem:v16+s17+$0x0] =	vst.idx.msk vm0, v18  }
0x67: {  	v15 =	vld [tilespmem:s1+$0x0];
	_ =	sdelay $0x4  }
0x68: {  	vm0 =	vge.s32 v15, v13;
	vm1 =	vlt.s32 v15, v14  }
0x69: {  	vm0 =	vmand vm0, vm1  }
0x6a: {  	v16 =	vsel vm0, $0x1, v10  }
0x6b: {  	(xrf0) =	vadd.scan.msk.s32 $0xffff, v16;
	_ =	sdelay $0x5  }
0x6c: {  	s11 =	simm.s32 $0x20;
	s10 =	spop (v2sf);
	v16 =	vsel vm0, $0xFFFFFFFF, v10;
	v17, _, _ =	vpop (xrf0)  }
0x6d: {  	v18 =	vmov s11;
	s4 =	sadd.s32 s4, s10;
	v16 =	vadd.s32 v16, v17  }
0x6e: {  	v18 =	vmul.u32 $0x1B, v18;
	v16 =	vadd.s32 s4, v16;
	_ =	sdelay $0x1  }
0x6f: {  	v18 =	vadd.s32 v12, v18  }
0x70: {  	v18 =	vbroadcast v18, $0x0;
	_ =	sdelay $0x1  }
0x71: {  	v18 =	vadd.s32 v1, v18;
	[tilespmem:v16+s16+$0x0] =	vst.idx.msk vm0, v15  }
0x72: {  	(v2sf) =	vpush v17, $0xF;
	[tilespmem:v16+s17+$0x0] =	vst.idx.msk vm0, v18  }
0x73: {  	v15 =	vld [tilespmem:s1+$0x10];
	_ =	sdelay $0x4  }
0x74: {  	vm0 =	vge.s32 v15, v13;
	vm1 =	vlt.s32 v15, v14  }
0x75: {  	vm0 =	vmand vm0, vm1  }
0x76: {  	v16 =	vsel vm0, $0x1, v10  }
0x77: {  	(xrf0) =	vadd.scan.msk.s32 $0xffff, v16;
	_ =	sdelay $0x5  }
0x78: {  	s26 =	simm.s32 $0x30;
	s25 =	spop (v2sf);
	v16 =	vsel vm0, $0xFFFFFFFF, v10;
	v17, _, _ =	vpop (xrf0)  }
0x79: {  	v18 =	vmov s26;
	s25 =	sadd.s32 s4, s25;
	v16 =	vadd.s32 v16, v17;
	(v2sf) =	vpush v17, $0xF  }
0x7a: {  	v17 =	vmul.u32 $0x1B, v18;
	v16 =	vadd.s32 s25, v16;
	_ =	sdelay $0x1  }
0x7b: {  	v17 =	vadd.s32 v12, v17  }
0x7c: {  	v17 =	vbroadcast v17, $0x0;
	_ =	sdelay $0x1  }
0x7d: {  	v17 =	vadd.s32 v1, v17;
	[tilespmem:v16+s16+$0x0] =	vst.idx.msk vm0, v15  }
0x7e: {  	s4 =	simm.s32 $0x11060;
	[tilespmem:v16+s17+$0x0] =	vst.idx.msk vm0, v17  }
0x7f: {  	v15 =	vld [tilespmem:s4+$0xFFFFFFE0];
	_ =	sdelay $0x4  }
0x80: {  	vm0 =	vge.s32 v15, v13;
	vm1 =	vlt.s32 v15, v14  }
0x81: {  	vm0 =	vmand vm0, vm1  }
0x82: {  	s24 =	simm.s32 $0x80;
	s1 =	simm.s32 $0x40;
	v16 =	vsel vm0, $0x1, v10;
	s26 =	spop (v2sf)  }
.LBB2_5:
0x83: {  	p1 =	sne.s32 s24, $0xFC0  }
0x84: {  	(xrf0) =	vadd.scan.msk.s32 $0xffff, v16;
	s26 =	sadd.s32 s25, s26;
	s25 =	smov.u32 s24;
	s24 =	sadd.s32 $0x40, s24  }
0x85: {  	_ =	sdelay $0x3  }
0x86: {  	v16 =	vsel vm0, $0xFFFFFFFF, v10  }
0x87: {  	v17 =	vmov s1;
	v16 =	vadd.s32 s26, v16;
	v18, _, _ =	vpop (xrf0)  }
0x88: {  	v17 =	vmul.u32 $0x1B, v17;
	v16 =	vadd.s32 v18, v16;
	(v2sf) =	vpush v18, $0xF;
	_ =	sdelay $0x1  }
0x89: {  	v17 =	vadd.s32 v12, v17  }
0x8a: {  	v17 =	vbroadcast v17, $0x0;
	_ =	sdelay $0x1  }
0x8b: {  	v17 =	vadd.s32 v1, v17;
	[tilespmem:v16+s16+$0x0] =	vst.idx.msk vm0, v15  }
0x8c: {  	[tilespmem:v16+s17+$0x0] =	vst.idx.msk vm0, v17  }
0x8d: {  	v15 =	vld [tilespmem:s4+$0xFFFFFFF0];
	_ =	sdelay $0x4  }
0x8e: {  	vm0 =	vge.s32 v15, v13;
	vm1 =	vlt.s32 v15, v14  }
0x8f: {  	vm0 =	vmand vm0, vm1  }
0x90: {  	v16 =	vsel vm0, $0x1, v10  }
0x91: {  	s10 =	spop (v2sf);
	(xrf0) =	vadd.scan.msk.s32 $0xffff, v16;
	_ =	sdelay $0x5  }
0x92: {  	s11 =	sadd.s32 $0x10, s1;
	v16 =	vsel vm0, $0xFFFFFFFF, v10;
	v17, _, _ =	vpop (xrf0)  }
0x93: {  	v18 =	vmov s11;
	s10 =	sadd.s32 s26, s10;
	v16 =	vadd.s32 v16, v17;
	(v2sf) =	vpush v17, $0xF  }
0x94: {  	v17 =	vmul.u32 $0x1B, v18;
	v16 =	vadd.s32 s10, v16;
	_ =	sdelay $0x1  }
0x95: {  	v17 =	vadd.s32 v12, v17  }
0x96: {  	v17 =	vbroadcast v17, $0x0;
	_ =	sdelay $0x1  }
0x97: {  	v17 =	vadd.s32 v1, v17;
	[tilespmem:v16+s16+$0x0] =	vst.idx.msk vm0, v15  }
0x98: {  	[tilespmem:v16+s17+$0x0] =	vst.idx.msk vm0, v17  }
0x99: {  	v15 =	vld [tilespmem:s4+$0x0];
	_ =	sdelay $0x4  }
0x9a: {  	vm0 =	vge.s32 v15, v13;
	vm1 =	vlt.s32 v15, v14  }
0x9b: {  	vm0 =	vmand vm0, vm1  }
0x9c: {  	v16 =	vsel vm0, $0x1, v10;
	s11 =	spop (v2sf)  }
0x9d: {  	s10 =	sadd.s32 s10, s11;
	(xrf0) =	vadd.scan.msk.s32 $0xffff, v16;
	_ =	sdelay $0x5  }
0x9e: {  	s11 =	sadd.s32 $0x20, s1;
	v16 =	vsel vm0, $0xFFFFFFFF, v10;
	v17, _, _ =	vpop (xrf0)  }
0x9f: {  	v18 =	vmov s11;
	v16 =	vadd.s32 v16, v17;
	(v2sf) =	vpush v17, $0xF  }
0xa0: {  	v17 =	vmul.u32 $0x1B, v18;
	v16 =	vadd.s32 s10, v16;
	_ =	sdelay $0x1  }
0xa1: {  	v17 =	vadd.s32 v12, v17  }
0xa2: {  	v17 =	vbroadcast v17, $0x0;
	_ =	sdelay $0x1  }
0xa3: {  	v17 =	vadd.s32 v1, v17;
	[tilespmem:v16+s16+$0x0] =	vst.idx.msk vm0, v15  }
0xa4: {  	[tilespmem:v16+s17+$0x0] =	vst.idx.msk vm0, v17  }
0xa5: {  	v15 =	vld [tilespmem:s4+$0x10];
	_ =	sdelay $0x4  }
0xa6: {  	vm0 =	vge.s32 v15, v13;
	vm1 =	vlt.s32 v15, v14  }
0xa7: {  	vm0 =	vmand vm0, vm1  }
0xa8: {  	v16 =	vsel vm0, $0x1, v10;
	s11 =	spop (v2sf)  }
0xa9: {  	(xrf0) =	vadd.scan.msk.s32 $0xffff, v16;
	_ =	sdelay $0x5  }
0xaa: {  	s26 =	sadd.s32 $0x30, s1;
	s1 =	smov.u32 s25;
	v16 =	vsel vm0, $0xFFFFFFFF, v10;
	v17, _, _ =	vpop (xrf0)  }
0xab: {  	v18 =	vmov s26;
	s25 =	sadd.s32 s10, s11;
	v16 =	vadd.s32 v16, v17;
	(v2sf) =	vpush v17, $0xF  }
0xac: {  	v17 =	vmul.u32 $0x1B, v18;
	v16 =	vadd.s32 s25, v16;
	_ =	sdelay $0x1  }
0xad: {  	v17 =	vadd.s32 v12, v17  }
0xae: {  	v17 =	vbroadcast v17, $0x0;
	_ =	sdelay $0x1  }
0xaf: {  	v17 =	vadd.s32 v1, v17;
	[tilespmem:v16+s16+$0x0] =	vst.idx.msk vm0, v15  }
0xb0: {  	s4 =	sadd.s32 $0x40, s4;
	[tilespmem:v16+s17+$0x0] =	vst.idx.msk vm0, v17  }
0xb1: {  	v15 =	vld [tilespmem:s4+$0xFFFFFFE0];
	_ =	sdelay $0x2  }
.Ltmp4:
0xb2: {  	(pc) =	sbr.rel @p1 .LBB2_5-.Ltmp4, $4  }
0xb3: {  	_ = 	snop  }
0xb4: {  	vm0 =	vge.s32 v15, v13;
	vm1 =	vlt.s32 v15, v14  }
0xb5: {  	vm0 =	vmand vm0, vm1  }
0xb6: {  	v16 =	vsel vm0, $0x1, v10;
	s26 =	spop (v2sf)  }
0xb7: {  	(xrf0) =	vadd.scan.msk.s32 $0xffff, v16;
	_ =	sdelay $0x4  }
0xb8: {  	s10 =	sadd.s32 s25, s26;
	v50 =	vsel vm0, $0xFFFFFFFF, v10  }
0xb9: {  	v17 =	vmov s1;
	v16 =	vadd.s32 s10, v50;
	v18, _, _ =	vpop (xrf0)  }
0xba: {  	v17 =	vmul.u32 $0x1B, v17;
	v16 =	vadd.s32 v18, v16;
	_ =	sdelay $0x1  }
0xbb: {  	v17 =	vadd.s32 v12, v17  }
0xbc: {  	v17 =	vbroadcast v17, $0x0;
	_ =	sdelay $0x1  }
0xbd: {  	v17 =	vadd.s32 v1, v17;
	[tilespmem:v16+s16+$0x0] =	vst.idx.msk vm0, v15  }
0xbe: {  	(v2sf) =	vpush v18, $0xF;
	[tilespmem:v16+s17+$0x0] =	vst.idx.msk vm0, v17  }
0xbf: {  	v15 =	vld [tilespmem:s4+$0xFFFFFFF0];
	_ =	sdelay $0x4  }
0xc0: {  	vm11 =	vge.s32 v15, v13;
	vm1 =	vlt.s32 v15, v14  }
0xc1: {  	vm0 =	vmand vm11, vm1  }
0xc2: {  	v51 =	vsel vm0, $0x1, v10  }
0xc3: {  	(xrf0) =	vadd.scan.msk.s32 $0xffff, v51;
	_ =	sdelay $0x5  }
0xc4: {  	s24 =	sadd.s32 $0x10, s1;
	v52 =	vsel vm0, $0xFFFFFFFF, v10;
	s11 =	spop (v2sf);
	v53, _, _ =	vpop (xrf0)  }
0xc5: {  	v54 =	vmov s24;
	s10 =	sadd.s32 s10, s11;
	v16 =	vadd.s32 v52, v53  }
0xc6: {  	v18 =	vmul.u32 $0x1B, v54;
	v16 =	vadd.s32 s10, v16;
	_ =	sdelay $0x1  }
0xc7: {  	v18 =	vadd.s32 v12, v18  }
0xc8: {  	v18 =	vbroadcast v18, $0x0;
	_ =	sdelay $0x1  }
0xc9: {  	v18 =	vadd.s32 v1, v18;
	[tilespmem:v16+s16+$0x0] =	vst.idx.msk vm0, v15  }
0xca: {  	(v2sf) =	vpush v53, $0xF;
	[tilespmem:v16+s17+$0x0] =	vst.idx.msk vm0, v18  }
0xcb: {  	v15 =	vld [tilespmem:s4+$0x0];
	_ =	sdelay $0x4  }
0xcc: {  	vm12 =	vge.s32 v15, v13;
	vm13 =	vlt.s32 v15, v14  }
0xcd: {  	vm0 =	vmand vm12, vm13  }
0xce: {  	v55 =	vsel vm0, $0x1, v10  }
0xcf: {  	(xrf0) =	vadd.scan.msk.s32 $0xffff, v55;
	_ =	sdelay $0x5  }
0xd0: {  	s26 =	sadd.s32 $0x20, s1;
	s25 =	spop (v2sf);
	v56 =	vsel vm0, $0xFFFFFFFF, v10;
	v57, _, _ =	vpop (xrf0)  }
0xd1: {  	v58 =	vmov s26;
	s10 =	sadd.s32 s10, s25;
	v16 =	vadd.s32 v56, v57  }
0xd2: {  	v18 =	vmul.u32 $0x1B, v58;
	v16 =	vadd.s32 s10, v16;
	_ =	sdelay $0x1  }
0xd3: {  	v18 =	vadd.s32 v12, v18  }
0xd4: {  	v18 =	vbroadcast v18, $0x0;
	_ =	sdelay $0x1  }
0xd5: {  	v18 =	vadd.s32 v1, v18;
	[tilespmem:v16+s16+$0x0] =	vst.idx.msk vm0, v15  }
0xd6: {  	[tilespmem:v16+s17+$0x0] =	vst.idx.msk vm0, v18  }
0xd7: {  	v15 =	vld [tilespmem:s4+$0x10];
	_ =	sdelay $0x4  }
0xd8: {  	vm14 =	vge.s32 v15, v13;
	vm15 =	vlt.s32 v15, v14  }
0xd9: {  	vm0 =	vmand vm14, vm15  }
0xda: {  	v59 =	vsel vm0, $0x1, v10  }
0xdb: {  	(xrf0) =	vadd.scan.msk.s32 $0xffff, v59  }
0xdc: {  	(v2sf) =	vpush v57, $0xF;
	_ =	sdelay $0x4  }
0xdd: {  	v13, _, _ =	vpop (xrf0)  }
0xde: {  	(v2sf) =	vpush v13, $0xF;
	_ =	sdelay $0x8  }
0xdf: {  	s25 =	sadd.s32 $0x30, s1;
	s24 =	spop (v2sf);
	v60 =	vsel vm0, $0xFFFFFFFF, v10  }
0xe0: {  	v61 =	vmov s25;
	s4 =	sadd.s32 s10, s24;
	v13 =	vadd.s32 v60, v13  }
0xe1: {  	v62 =	vmul.u32 $0x1B, v61;
	v13 =	vadd.s32 s4, v13  }
0xe2: {  	p1 =	slt.s32 s3, $0x1  }
.Ltmp5:
0xe3: {  	v63 =	vadd.s32 v12, v62;
	(pc) =	sbr.rel @p1 .LBB2_10-.Ltmp5, $4  }
0xe4: {  	v12 =	vbroadcast v63, $0x0  }
0xe5: {  	s26 =	spop (v2sf)  }
0xe6: {  	v12 =	vadd.s32 v1, v12;
	[tilespmem:v13+s16+$0x0] =	vst.idx.msk vm0, v15;
	s1 =	sadd.s32 s4, s26  }
0xe7: {  	[tilespmem:v13+s17+$0x0] =	vst.idx.msk vm0, v12;
	[smem:$0x0] =	sst s1  }
0xe8: {  	p1 =	sne.s32 s3, $0x1  }
.Ltmp6:
0xe9: {  	_ = 	snop;
	(pc) =	sbr.rel @!p1 .LBB2_9-.Ltmp6, $3  }
0xea: {  	_ =	sdelay $0x1  }
0xeb: {  	_ =	swait.ge [sflag:s18], $0x800  }
0xec: {  	s3 =	sadd.s32 $0xFFFFFFFF, s3;
	[sflag:s18] =	ssyncset.done $0x0  }
.LBB2_8:
0xed: {  	p1 =	sne.s32 s3, $0x1;
	s3 =	sadd.s32 $0xFFFFFFFF, s3;
	[sflag:s18] =	ssyncadd.s32 $0xFFFFF800  }
.Ltmp7:
0xee: {  	(pc) =	sbr.rel @p1 .LBB2_8-.Ltmp7, $3  }
0xef: {  	_ =	sdelay $0x1  }
0xf0: {  	_ =	swait.ge [sflag:s18], $0x800  }
0xf1: {  	[sflag:s18] =	ssyncset.done $0x0  }
.LBB2_9:
0xf2: {  	[sflag:s18] =	ssyncadd.s32 $0xFFFFF800  }
.LBB2_10:
0xf3: {  	p1 =	slt.s32 s1, $0x1  }
.Ltmp8:
0xf4: {  	_ = 	snop;
	(pc) =	sbr.rel @p1 .LBB2_14-.Ltmp8, $3  }
0xf5: {  	_ =	sdelay $0x1  }
0xf6: {  	s4 =	simm.s32 $0x0  }
0xf7: {  	[smem:$0x1] =	sst s4  }
0xf8: {  	v12 =	vld.msk [tilespmem:$0x1A000 ss:$0x0], $0xffff  }
0xf9: {  	s3 =	simm.s32 $0x1A000;
	v13 =	vld.msk [tilespmem:$0x1A100 ss:$0x0], $0xffff  }
0xfa: {  	s24 =	simm.s32 $0x1A100;
	v15 =	vld [tilespmem:s3+$0x0]  }
0xfb: {  	v16 =	vld [tilespmem:s24+$0x0]  }
0xfc: {  	s4 =	simm.s32 $0x0  }
0xfd: {  	v14 =	vmov s1;
	v17 =	vor.u32 s4, v0  }
0xfe: {  	vm0 =	vlt.s32 v17, v14  }
0xff: {  	v15 =	vsel vm0, v15, v12  }
0x100: {  	[tilespmem:s3+$0x0] =	vst v15;
	v15 =	vsel vm0, v16, v13  }
0x101: {  	s25 =	simm.s32 $0x1A200;
	s26 =	simm.s32 $0x10;
	[tilespmem:s24+$0x0] =	vst v15  }
.LBB2_12:
0x102: {  	[tilespmem:s25+$0x0] =	vst v15;
	s25 =	sadd.s32 $0x80, s25;
	s3 =	sadd.s32 $0x10, s3;
	s24 =	sadd.s32 $0x10, s24  }
0x103: {  	p1 =	sne.s32 s26, $0xF0;
	s10 =	smov.u32 s26;
	s26 =	sadd.s32 $0x10, s26;
	v15 =	vld [tilespmem:s3+$0x0]  }
0x104: {  	v16 =	vld [tilespmem:s24+$0x0];
	_ =	sdelay $0x1  }
.Ltmp9:
0x105: {  	v17 =	vor.u32 s10, v0;
	(pc) =	sbr.rel @p1 .LBB2_12-.Ltmp9, $4  }
0x106: {  	vm0 =	vlt.s32 v17, v14  }
0x107: {  	v15 =	vsel vm0, v15, v12  }
0x108: {  	[tilespmem:s3+$0x0] =	vst v15;
	v15 =	vsel vm0, v16, v13  }
0x109: {  	[tilespmem:s24+$0x0] =	vst v15  }
0x10a: {  	[tilespmem:s25+$0x0] =	vst v15  }
.LBB2_14:
0x10b: {  	p1 =	sgt.u32 s23, $0x17  }
0x10c: {  	s3 =	simm.s32 @p1 $0x1  }
0x10d: {  	p2 =	slt.s32 s1, $0x1;
	_ =	swait.ge @p1 [sflag:s3], $0x3400  }
.Ltmp10:
0x10e: {  	[sflag:s3] =	ssyncset.done @p1 $0x0;
	(pc) =	sbr.rel @p2 .LBB2_15-.Ltmp10, $4  }
0x10f: {  	[sflag:s3] =	ssyncadd.s32 @p1 $0xFFFFCC00;
	s3 =	simm.s32 @!p1 $0x1  }
0x110: {  	_ =	swait.ge @!p1 [sflag:s3], $0x8000  }
0x111: {  	[sflag:s3] =	ssyncset.done @!p1 $0x0  }
0x112: {  	[sflag:s3] =	ssyncadd.s32 @!p1 $0xFFFF8000  }
0x113: {  	s3 =	sadd.s32 $0xF, s1  }
0x114: {  	s10 =	sand.u32 $0xF, s3  }
0x115: {  	s26 =	sshra.s32 s3, $0x1F;
	p3 =	slt.s32 s3, $0x1;
	p2 =	sne.s32 s10, $0x0  }
0x116: {  	s10 =	sshrl.u32 s26, $0x1C;
	p2 =	por !p3, !p2  }
0x117: {  	s3 =	sadd.s32 s10, s3;
	s10 =	simm.s32 $0x1;
	p2 =	por !p2, !p2  }
0x118: {  	s3 =	sshra.s32 s3, $0x4;
	s10 =	simm.s32 @!p2 $0x0  }
0x119: {  	s3 =	ssub.s32 s3, s10  }
0x11a: {  	p2 =	slt.s32 @!p1 s3, $0x1  }
0x11b: {  	p2 =	por p1, p2  }
.Ltmp11:
0x11c: {  	_ = 	snop;
	(pc) =	sbr.rel @p2 .LBB2_20-.Ltmp11, $4  }
0x11d: {  	_ = 	snop  }
0x11e: {  	s29 =	sand.u32 $0x1, s29  }
0x11f: {  	s23 =	sshll.u32 s31, $0x3;
	s10 =	sshll.u32 s29, $0xF  }
0x120: {  	v12 =	vmov s22;
	v14 =	vmov s23;
	s24 =	sor.u32 $0x1, s23;
	v13 =	vmov s10  }
0x121: {  	s22 =	simm.s32 $0x1A000  }
0x122: {  	v15 =	vld [tilespmem:s22+$0x0];
	_ =	sdelay $0x4  }
0x123: {  	v16 =	vsub.s32 v15, v12  }
0x124: {  	v16 =	vshll.u32 v16, $0x3  }
0x125: {  	v16 =	vand.u32 $0xFFFFFC00, v16  }
0x126: {  	v15 =	vand.u32 $0x7F, v15;
	v16 =	vadd.s32 v13, v16  }
0x127: {  	v21 =	vor.u32 v15, v16  }
0x128: {  	s29 =	simm.s32 $0x0  }
0x129: {  	v15 =	vmov s29  }
0x12a: {  	v15 =	vshll.u32 v15, $0x7  }
0x12b: {  	v23 =	vor.u32 v11, v15  }
0x12c: {  	v17 =	vor.u32 v14, v23;
	v16 =	vld.idx.msk [tilespmem:v21+s6+$0x0], $0xffff  }
0x12d: {  	v18 =	vor.u32 $0x80, v21;
	_ =	sdelay $0x3  }
0x12e: {  	v15 =	vmov s24;
	[tilespmem:v17+s19+$0x0] =	vst.idx.msk $0xffff, v16  }
0x12f: {  	v17 =	vld.idx.msk [tilespmem:v18+s6+$0x0], $0xffff;
	v18 =	vor.u32 v15, v23  }
0x130: {  	v19 =	vor.u32 $0x100, v21;
	_ =	sdelay $0x2  }
0x131: {  	s10 =	sor.u32 $0x2, s23  }
0x132: {  	v16 =	vmov s10;
	[tilespmem:v18+s19+$0x0] =	vst.idx.msk $0xffff, v17  }
0x133: {  	v18 =	vld.idx.msk [tilespmem:v19+s6+$0x0], $0xffff;
	v19 =	vor.u32 v16, v23  }
0x134: {  	v20 =	vor.u32 $0x180, v21;
	_ =	sdelay $0x2  }
0x135: {  	s25 =	sor.u32 $0x3, s23  }
0x136: {  	v17 =	vmov s25;
	[tilespmem:v19+s19+$0x0] =	vst.idx.msk $0xffff, v18  }
0x137: {  	v19 =	vld.idx.msk [tilespmem:v20+s6+$0x0], $0xffff;
	v20 =	vor.u32 v17, v23  }
0x138: {  	v22 =	vor.u32 $0x200, v21;
	_ =	sdelay $0x2  }
0x139: {  	s26 =	sor.u32 $0x4, s23  }
0x13a: {  	v18 =	vmov s26;
	[tilespmem:v20+s19+$0x0] =	vst.idx.msk $0xffff, v19  }
0x13b: {  	v20 =	vld.idx.msk [tilespmem:v22+s6+$0x0], $0xffff;
	v22 =	vor.u32 v18, v23  }
0x13c: {  	v24 =	vor.u32 $0x280, v21;
	_ =	sdelay $0x2  }
0x13d: {  	s11 =	sor.u32 $0x5, s23  }
0x13e: {  	v19 =	vmov s11;
	[tilespmem:v22+s19+$0x0] =	vst.idx.msk $0xffff, v20  }
0x13f: {  	v61 =	vor.u32 v19, v23;
	v22 =	vld.idx.msk [tilespmem:v24+s6+$0x0], $0xffff  }
0x140: {  	v25 =	vor.u32 $0x300, v21;
	_ =	sdelay $0x2  }
0x141: {  	s25 =	sor.u32 $0x6, s23  }
0x142: {  	v20 =	vmov s25;
	[tilespmem:v61+s19+$0x0] =	vst.idx.msk $0xffff, v22  }
0x143: {  	v62 =	vor.u32 v20, v23;
	v22 =	vld.idx.msk [tilespmem:v25+s6+$0x0], $0xffff  }
0x144: {  	p2 =	sne.s32 s3, $0x1;
	v63 =	vor.u32 $0x380, v21  }
.Ltmp12:
0x145: {  	_ = 	snop;
	(pc) =	sbr.rel @!p2 .LBB2_19-.Ltmp12, $4  }
0x146: {  	_ = 	snop  }
0x147: {  	s26 =	sshllo.u32 s31, $0x3  }
0x148: {  	v21 =	vmov s26;
	[tilespmem:v62+s19+$0x0] =	vst.idx.msk $0xffff, v22  }
0x149: {  	s25 =	sadd.s32 $0xFFFFFFFF, s3;
	v23 =	vor.u32 v21, v23;
	v22 =	vld.idx.msk [tilespmem:v63+s6+$0x0], $0xffff  }
.LBB2_18:
0x14a: {  	_ =	sdelay $0x3  }
0x14b: {  	p2 =	sne.s32 s25, $0x1;
	s22 =	sadd.s32 $0x10, s22;
	s29 =	sadd.s32 $0x10, s29;
	[tilespmem:v23+s19+$0x0] =	vst.idx.msk $0xffff, v22  }
0x14c: {  	s25 =	sadd.s32 $0xFFFFFFFF, s25;
	v22 =	vld [tilespmem:s22+$0x0];
	_ =	sdelay $0x4  }
0x14d: {  	v23 =	vsub.s32 v22, v12  }
0x14e: {  	v23 =	vshll.u32 v23, $0x3  }
0x14f: {  	v23 =	vand.u32 $0xFFFFFC00, v23  }
0x150: {  	v22 =	vand.u32 $0x7F, v22;
	v23 =	vadd.s32 v13, v23  }
0x151: {  	v22 =	vor.u32 v22, v23;
	_ =	sdelay $0x2  }
0x152: {  	v23 =	vmov s29  }
0x153: {  	v23 =	vshll.u32 v23, $0x7  }
0x154: {  	v23 =	vor.u32 v11, v23;
	v24 =	vld.idx.msk [tilespmem:v22+s6+$0x0], $0xffff  }
0x155: {  	v25 =	vor.u32 v14, v23  }
0x156: {  	v26 =	vor.u32 $0x80, v22;
	_ =	sdelay $0x3  }
0x157: {  	[tilespmem:v25+s19+$0x0] =	vst.idx.msk $0xffff, v24  }
0x158: {  	v24 =	vld.idx.msk [tilespmem:v26+s6+$0x0], $0xffff  }
0x159: {  	v25 =	vor.u32 v15, v23  }
0x15a: {  	v26 =	vor.u32 $0x100, v22;
	_ =	sdelay $0x3  }
0x15b: {  	[tilespmem:v25+s19+$0x0] =	vst.idx.msk $0xffff, v24  }
0x15c: {  	v24 =	vld.idx.msk [tilespmem:v26+s6+$0x0], $0xffff  }
0x15d: {  	v25 =	vor.u32 v16, v23  }
0x15e: {  	v26 =	vor.u32 $0x180, v22;
	_ =	sdelay $0x3  }
0x15f: {  	[tilespmem:v25+s19+$0x0] =	vst.idx.msk $0xffff, v24  }
0x160: {  	v24 =	vld.idx.msk [tilespmem:v26+s6+$0x0], $0xffff  }
0x161: {  	v25 =	vor.u32 v17, v23  }
0x162: {  	v26 =	vor.u32 $0x200, v22;
	_ =	sdelay $0x3  }
0x163: {  	[tilespmem:v25+s19+$0x0] =	vst.idx.msk $0xffff, v24  }
0x164: {  	v24 =	vld.idx.msk [tilespmem:v26+s6+$0x0], $0xffff  }
0x165: {  	v25 =	vor.u32 v18, v23  }
0x166: {  	v26 =	vor.u32 $0x280, v22;
	_ =	sdelay $0x3  }
0x167: {  	[tilespmem:v25+s19+$0x0] =	vst.idx.msk $0xffff, v24  }
0x168: {  	v24 =	vld.idx.msk [tilespmem:v26+s6+$0x0], $0xffff  }
0x169: {  	v25 =	vor.u32 v19, v23  }
0x16a: {  	v26 =	vor.u32 $0x300, v22;
	_ =	sdelay $0x3  }
0x16b: {  	[tilespmem:v25+s19+$0x0] =	vst.idx.msk $0xffff, v24  }
0x16c: {  	v24 =	vld.idx.msk [tilespmem:v26+s6+$0x0], $0xffff  }
0x16d: {  	v25 =	vor.u32 v20, v23  }
0x16e: {  	v22 =	vor.u32 $0x380, v22;
	_ =	sdelay $0x1  }
.Ltmp13:
0x16f: {  	(pc) =	sbr.rel @p2 .LBB2_18-.Ltmp13, $4  }
0x170: {  	_ = 	snop  }
0x171: {  	[tilespmem:v25+s19+$0x0] =	vst.idx.msk $0xffff, v24  }
0x172: {  	v22 =	vld.idx.msk [tilespmem:v22+s6+$0x0], $0xffff  }
0x173: {  	v23 =	vor.u32 v21, v23  }
.LBB2_19:
0x174: {  	_ =	sdelay $0x3  }
0x175: {  	[tilespmem:v23+s19+$0x0] =	vst.idx.msk $0xffff, v22  }
.LBB2_20:
0x176: {  	p2 =	sgt.s32 s3, $0x0  }
0x177: {  	p1 =	por !p1, !p2  }
0x178: {  	p1 =	por !p1, !p1  }
.Ltmp14:
0x179: {  	_ = 	snop;
	(pc) =	sbr.rel @!p1 .LBB2_24-.Ltmp14, $1  }
0x17a: {  	_ =	sdelay $0x3  }
0x17b: {  	s22 =	simm.s32 $0x1A000  }
0x17c: {  	v15 =	vld [tilespmem:s22+$0x0];
	_ =	sdelay $0x4  }
0x17d: {  	v15 =	vsub.s32 v15, v12  }
0x17e: {  	vm0 =	vgt.s32 v15, $0x67F;
	v16 =	vadd.s32 $0xFFFFF980, v15  }
0x17f: {  	v17 =	vsel vm0, $0x67F, v15;
	vm1 =	vgt.s32 v16, $0x0  }
0x180: {  	v16 =	vnsel vm1, $0x0, v16;
	v18 =	vshll.u32 v17, $0x3  }
0x181: {  	v15 =	vshll.u32 v14, $0x7;
	v30 =	vmin.u32 v16, $0x1F;
	v16 =	vand.u32 $0xFFFFFC00, v18  }
0x182: {  	v17 =	vand.u32 $0x7F, v17;
	v16 =	vadd.s32 v13, v16;
	v18 =	vor.u32 v15, v30  }
0x183: {  	v28 =	vor.u32 v17, v16;
	_ =	sdelay $0x1  }
0x184: {  	s29 =	simm.s32 $0x0  }
0x185: {  	v16 =	vmov s29  }
0x186: {  	v16 =	vshll.u32 v16, $0x7;
	v18 =	vld.idx.msk [tilespmem:v18+s20+$0x0], $0xffff  }
0x187: {  	v32 =	vor.u32 v11, v16;
	v19 =	vld.idx.msk [tilespmem:v28+s6+$0x0], $0xffff  }
0x188: {  	v16 =	vmov s24;
	v20 =	vor.u32 v14, v32  }
0x189: {  	v21 =	vor.u32 $0x80, v28;
	v17 =	vshll.u32 v16, $0x7  }
0x18a: {  	v22 =	vor.u32 v17, v30;
	_ =	sdelay $0x1  }
0x18b: {  	v18 =	vsel vm0, v18, v19  }
0x18c: {  	[tilespmem:v20+s19+$0x0] =	vst.idx.msk $0xffff, v18  }
0x18d: {  	v20 =	vld.idx.msk [tilespmem:v21+s6+$0x0], $0xffff  }
0x18e: {  	s10 =	sor.u32 $0x2, s23;
	v21 =	vld.idx.msk [tilespmem:v22+s20+$0x0], $0xffff  }
0x18f: {  	v18 =	vmov s10;
	v22 =	vor.u32 v16, v32  }
0x190: {  	v23 =	vor.u32 $0x100, v28;
	v19 =	vshll.u32 v18, $0x7  }
0x191: {  	v24 =	vor.u32 v19, v30;
	_ =	sdelay $0x1  }
0x192: {  	v20 =	vsel vm0, v21, v20  }
0x193: {  	[tilespmem:v22+s19+$0x0] =	vst.idx.msk $0xffff, v20  }
0x194: {  	v22 =	vld.idx.msk [tilespmem:v23+s6+$0x0], $0xffff  }
0x195: {  	s26 =	sor.u32 $0x3, s23;
	v23 =	vld.idx.msk [tilespmem:v24+s20+$0x0], $0xffff  }
0x196: {  	v20 =	vmov s26;
	v24 =	vor.u32 v18, v32  }
0x197: {  	v25 =	vor.u32 $0x180, v28;
	v21 =	vshll.u32 v20, $0x7  }
0x198: {  	v26 =	vor.u32 v21, v30;
	_ =	sdelay $0x1  }
0x199: {  	v22 =	vsel vm0, v23, v22  }
0x19a: {  	[tilespmem:v24+s19+$0x0] =	vst.idx.msk $0xffff, v22  }
0x19b: {  	v24 =	vld.idx.msk [tilespmem:v25+s6+$0x0], $0xffff  }
0x19c: {  	s11 =	sor.u32 $0x4, s23;
	v25 =	vld.idx.msk [tilespmem:v26+s20+$0x0], $0xffff  }
0x19d: {  	v22 =	vmov s11;
	v26 =	vor.u32 v20, v32  }
0x19e: {  	v27 =	vor.u32 $0x200, v28;
	v23 =	vshll.u32 v22, $0x7  }
0x19f: {  	v29 =	vor.u32 v23, v30;
	_ =	sdelay $0x1  }
0x1a0: {  	v24 =	vsel vm0, v25, v24  }
0x1a1: {  	[tilespmem:v26+s19+$0x0] =	vst.idx.msk $0xffff, v24  }
0x1a2: {  	v26 =	vld.idx.msk [tilespmem:v27+s6+$0x0], $0xffff  }
0x1a3: {  	s24 =	sor.u32 $0x5, s23;
	v27 =	vld.idx.msk [tilespmem:v29+s20+$0x0], $0xffff  }
0x1a4: {  	v24 =	vmov s24;
	v29 =	vor.u32 v22, v32  }
0x1a5: {  	v31 =	vor.u32 $0x280, v28;
	v25 =	vshll.u32 v24, $0x7  }
0x1a6: {  	v33 =	vor.u32 v25, v30;
	_ =	sdelay $0x1  }
0x1a7: {  	v26 =	vsel vm0, v27, v26  }
0x1a8: {  	[tilespmem:v29+s19+$0x0] =	vst.idx.msk $0xffff, v26  }
0x1a9: {  	v29 =	vld.idx.msk [tilespmem:v31+s6+$0x0], $0xffff  }
0x1aa: {  	s25 =	sor.u32 $0x6, s23;
	v31 =	vld.idx.msk [tilespmem:v33+s20+$0x0], $0xffff  }
0x1ab: {  	v61 =	vor.u32 v24, v32;
	v26 =	vmov s25  }
0x1ac: {  	v34 =	vor.u32 $0x300, v28;
	v27 =	vshll.u32 v26, $0x7  }
0x1ad: {  	v35 =	vor.u32 v27, v30;
	_ =	sdelay $0x1  }
0x1ae: {  	v29 =	vsel vm0, v31, v29  }
0x1af: {  	[tilespmem:v61+s19+$0x0] =	vst.idx.msk $0xffff, v29  }
0x1b0: {  	v29 =	vld.idx.msk [tilespmem:v34+s6+$0x0], $0xffff  }
0x1b1: {  	v31 =	vld.idx.msk [tilespmem:v35+s20+$0x0], $0xffff  }
0x1b2: {  	v62 =	vor.u32 v26, v32;
	_ =	sdelay $0x1  }
0x1b3: {  	s26 =	sshllo.u32 s31, $0x3  }
0x1b4: {  	v63 =	vor.u32 $0x380, v28;
	v28 =	vmov s26  }
0x1b5: {  	p1 =	sne.s32 s3, $0x1;
	v31 =	vsel vm0, v31, v29;
	v29 =	vshll.u32 v28, $0x7  }
.Ltmp15:
0x1b6: {  	[tilespmem:v62+s19+$0x0] =	vst.idx.msk $0xffff, v31;
	v31 =	vor.u32 v29, v30;
	(pc) =	sbr.rel @!p1 .LBB2_23-.Ltmp15, $2  }
0x1b7: {  	_ =	sdelay $0x2  }
0x1b8: {  	s23 =	sadd.s32 $0xFFFFFFFF, s3;
	v30 =	vor.u32 v28, v32;
	v32 =	vld.idx.msk [tilespmem:v63+s6+$0x0], $0xffff  }
.LBB2_22:
0x1b9: {  	p1 =	sne.s32 s23, $0x1;
	v31 =	vld.idx.msk [tilespmem:v31+s20+$0x0], $0xffff;
	s22 =	sadd.s32 $0x10, s22;
	s29 =	sadd.s32 $0x10, s29  }
0x1ba: {  	s23 =	sadd.s32 $0xFFFFFFFF, s23;
	_ =	sdelay $0x4  }
0x1bb: {  	v31 =	vsel vm0, v31, v32  }
0x1bc: {  	[tilespmem:v30+s19+$0x0] =	vst.idx.msk $0xffff, v31  }
0x1bd: {  	v30 =	vld [tilespmem:s22+$0x0];
	_ =	sdelay $0x4  }
0x1be: {  	v30 =	vsub.s32 v30, v12  }
0x1bf: {  	vm0 =	vgt.s32 v30, $0x67F;
	v31 =	vadd.s32 $0xFFFFF980, v30  }
0x1c0: {  	v30 =	vsel vm0, $0x67F, v30;
	vm1 =	vgt.s32 v31, $0x0  }
0x1c1: {  	v31 =	vnsel vm1, $0x0, v31;
	v32 =	vshll.u32 v30, $0x3  }
0x1c2: {  	v31 =	vmin.u32 v31, $0x1F;
	v32 =	vand.u32 $0xFFFFFC00, v32  }
0x1c3: {  	v30 =	vand.u32 $0x7F, v30;
	v32 =	vadd.s32 v13, v32;
	v33 =	vor.u32 v15, v31  }
0x1c4: {  	v30 =	vor.u32 v30, v32;
	_ =	sdelay $0x3  }
0x1c5: {  	v32 =	vmov s29;
	v33 =	vld.idx.msk [tilespmem:v33+s20+$0x0], $0xffff  }
0x1c6: {  	v32 =	vshll.u32 v32, $0x7;
	v34 =	vld.idx.msk [tilespmem:v30+s6+$0x0], $0xffff  }
0x1c7: {  	v32 =	vor.u32 v11, v32  }
0x1c8: {  	v35 =	vor.u32 v14, v32  }
0x1c9: {  	v37 =	vor.u32 v17, v31;
	v36 =	vor.u32 $0x80, v30;
	_ =	sdelay $0x2  }
0x1ca: {  	v33 =	vsel vm0, v33, v34  }
0x1cb: {  	[tilespmem:v35+s19+$0x0] =	vst.idx.msk $0xffff, v33  }
0x1cc: {  	v33 =	vld.idx.msk [tilespmem:v36+s6+$0x0], $0xffff  }
0x1cd: {  	v34 =	vld.idx.msk [tilespmem:v37+s20+$0x0], $0xffff  }
0x1ce: {  	v35 =	vor.u32 v16, v32;
	_ =	sdelay $0x1  }
0x1cf: {  	v36 =	vor.u32 $0x100, v30;
	v37 =	vor.u32 v19, v31;
	_ =	sdelay $0x2  }
0x1d0: {  	v33 =	vsel vm0, v34, v33  }
0x1d1: {  	[tilespmem:v35+s19+$0x0] =	vst.idx.msk $0xffff, v33  }
0x1d2: {  	v33 =	vld.idx.msk [tilespmem:v36+s6+$0x0], $0xffff  }
0x1d3: {  	v35 =	vor.u32 v18, v32;
	v34 =	vld.idx.msk [tilespmem:v37+s20+$0x0], $0xffff;
	_ =	sdelay $0x2  }
0x1d4: {  	v36 =	vor.u32 $0x180, v30;
	v37 =	vor.u32 v21, v31;
	_ =	sdelay $0x2  }
0x1d5: {  	v33 =	vsel vm0, v34, v33  }
0x1d6: {  	[tilespmem:v35+s19+$0x0] =	vst.idx.msk $0xffff, v33  }
0x1d7: {  	v34 =	vor.u32 v20, v32;
	v33 =	vld.idx.msk [tilespmem:v36+s6+$0x0], $0xffff  }
0x1d8: {  	v35 =	vld.idx.msk [tilespmem:v37+s20+$0x0], $0xffff;
	_ =	sdelay $0x2  }
0x1d9: {  	v36 =	vor.u32 $0x200, v30;
	v37 =	vor.u32 v23, v31;
	_ =	sdelay $0x2  }
0x1da: {  	v33 =	vsel vm0, v35, v33  }
0x1db: {  	[tilespmem:v34+s19+$0x0] =	vst.idx.msk $0xffff, v33;
	v33 =	vor.u32 v22, v32  }
0x1dc: {  	v34 =	vld.idx.msk [tilespmem:v36+s6+$0x0], $0xffff  }
0x1dd: {  	v35 =	vld.idx.msk [tilespmem:v37+s20+$0x0], $0xffff;
	_ =	sdelay $0x2  }
0x1de: {  	v36 =	vor.u32 $0x280, v30;
	v37 =	vor.u32 v25, v31;
	_ =	sdelay $0x2  }
0x1df: {  	v34 =	vsel vm0, v35, v34;
	v35 =	vor.u32 v24, v32  }
0x1e0: {  	[tilespmem:v33+s19+$0x0] =	vst.idx.msk $0xffff, v34  }
0x1e1: {  	v33 =	vld.idx.msk [tilespmem:v36+s6+$0x0], $0xffff  }
0x1e2: {  	v34 =	vld.idx.msk [tilespmem:v37+s20+$0x0], $0xffff;
	_ =	sdelay $0x2  }
0x1e3: {  	v36 =	vor.u32 $0x300, v30;
	v37 =	vor.u32 v27, v31;
	_ =	sdelay $0x1  }
0x1e4: {  	v38 =	vor.u32 v26, v32  }
0x1e5: {  	v33 =	vsel vm0, v34, v33  }
0x1e6: {  	[tilespmem:v35+s19+$0x0] =	vst.idx.msk $0xffff, v33  }
0x1e7: {  	v33 =	vld.idx.msk [tilespmem:v36+s6+$0x0], $0xffff  }
0x1e8: {  	v34 =	vld.idx.msk [tilespmem:v37+s20+$0x0], $0xffff;
	_ =	sdelay $0x2  }
0x1e9: {  	v31 =	vor.u32 v29, v31;
	v35 =	vor.u32 $0x380, v30  }
.Ltmp16:
0x1ea: {  	v30 =	vor.u32 v28, v32;
	(pc) =	sbr.rel @p1 .LBB2_22-.Ltmp16, $4  }
0x1eb: {  	_ = 	snop  }
0x1ec: {  	v32 =	vsel vm0, v34, v33  }
0x1ed: {  	[tilespmem:v38+s19+$0x0] =	vst.idx.msk $0xffff, v32  }
0x1ee: {  	v32 =	vld.idx.msk [tilespmem:v35+s6+$0x0], $0xffff  }
.LBB2_23:
0x1ef: {  	_ =	sdelay $0x3  }
0x1f0: {  	v12 =	vld.idx.msk [tilespmem:v31+s20+$0x0], $0xffff;
	_ =	sdelay $0x4  }
0x1f1: {  	v12 =	vsel vm0, v12, v32  }
0x1f2: {  	[tilespmem:v30+s19+$0x0] =	vst.idx.msk $0xffff, v12  }
.LBB2_24:
0x1f3: {  	p1 =	sne.s32 s31, $0x3  }
0x1f4: {  	p2 =	sgt.u32 @!p1 s30, $0x289  }
0x1f5: {  	p2 =	por p1, p2  }
.Ltmp17:
0x1f6: {  	_ = 	snop;
	(pc) =	sbr.rel @p2 .LBB2_25-.Ltmp17, $1  }
0x1f7: {  	_ =	sdelay $0x3  }
0x1f8: {  	p1 =	slt.s32 s3, $0x1  }
.Ltmp18:
0x1f9: {  	_ = 	snop;
	(pc) =	sbr.rel @p1 .LBB2_29-.Ltmp18, $1  }
0x1fa: {  	_ =	sdelay $0x3  }
0x1fb: {  	p1 =	sne.s32 s3, $0x1  }
.Ltmp19:
0x1fc: {  	_ = 	snop;
	(pc) =	sbr.rel @!p1 .LBB2_29-.Ltmp19, $3  }
0x1fd: {  	_ =	sdelay $0x1  }
0x1fe: {  	s4 =	simm.s32 $0x1A200;
	s22 =	simm.s32 $0x12000;
	s23 =	sadd.s32 $0xFFFFFFFF, s3  }
0x1ff: {  	[hbm4b:s9+s21] =	stream.indirect.scatter [tilespmem:s22], [sflag:$0x2], $0x80, s4, s21, $0xb8;
	[tilespmem:$0x1BA80] =	vst v63  }
.LBB2_28:
0x200: {  	p1 =	sne.s32 s23, $0x1  }
.Ltmp20:
0x201: {  	_ = 	snop;
	(pc) =	sbr.rel @p1 .LBB2_28-.Ltmp20, $4  }
0x202: {  	_ = 	snop  }
0x203: {  	s4 =	sadd.s32 $0x80, s4;
	s22 =	sadd.s32 $0x800, s22  }
0x204: {  	s23 =	sadd.s32 $0xFFFFFFFF, s23  }
0x205: {  	[hbm4b:s9+s21] =	stream.indirect.scatter [tilespmem:s22], [sflag:$0x2], $0x80, s4, s21, $0xb8;
	[tilespmem:$0x1BA80] =	vst v63  }
.LBB2_29:
.Ltmp21:
0x206: {  	(pc) =	sbr.rel .LBB2_30-.Ltmp21, $2  }
0x207: {  	_ =	sdelay $0x2  }
0x208: {  	[smem:$0x1] =	sst s3  }
.LBB2_25:
.Ltmp22:
0x209: {  	(pc) =	sbr.rel .LBB2_30-.Ltmp22, $3  }
0x20a: {  	_ =	sdelay $0x1  }
0x20b: {  	s4 =	smov.u32 @p1 s4  }
0x20c: {  	s3 =	smov.u32 s4  }
.LBB2_31:
0x20d: {  	p1 =	slt.s32 s3, $0x1  }
.Ltmp23:
0x20e: {  	_ = 	snop;
	(pc) =	sbr.rel @p1 .LBB2_35-.Ltmp23, $1  }
0x20f: {  	_ =	sdelay $0x3  }
0x210: {  	p1 =	sne.s32 s3, $0x1  }
.Ltmp24:
0x211: {  	_ = 	snop;
	(pc) =	sbr.rel @!p1 .LBB2_34-.Ltmp24, $3  }
0x212: {  	_ =	sdelay $0x1  }
0x213: {  	_ =	swait.ge [sflag:s18], $0x800  }
0x214: {  	s1 =	sadd.s32 $0xFFFFFFFF, s3;
	[sflag:s18] =	ssyncset.done $0x0  }
.LBB2_33:
0x215: {  	p1 =	sne.s32 s1, $0x1;
	s1 =	sadd.s32 $0xFFFFFFFF, s1;
	[sflag:s18] =	ssyncadd.s32 $0xFFFFF800  }
.Ltmp25:
0x216: {  	(pc) =	sbr.rel @p1 .LBB2_33-.Ltmp25, $3  }
0x217: {  	_ =	sdelay $0x1  }
0x218: {  	_ =	swait.ge [sflag:s18], $0x800  }
0x219: {  	[sflag:s18] =	ssyncset.done $0x0  }
.LBB2_34:
0x21a: {  	[sflag:s18] =	ssyncadd.s32 $0xFFFFF800  }
.LBB2_35:
0x21b: {  	s1 =	simm.s32 $0x0;
	s3 =	simm.s32 $0x1AA00  }
0x21c: {  	[tilespmem:s3], [sflag:$0x3] =	stream.linear.gather [hbm4b:s12+s1], $0x800, $0x38;
	[tilespmem:$0x1BA80] =	vst v63  }
0x21d: {  	_ =	swait.ge [sflag:s15], $0x800  }
0x21e: {  	[sflag:s15] =	ssyncset.done $0x0  }
0x21f: {  	[sflag:s15] =	ssyncadd.s32 $0xFFFFF800  }
0x220: {  	s4 =	simm.s32 $0x1B200;
	s25 =	rddreg [dreg:$0x3]  }
0x221: {  	[tilespmem:s4], [sflag:$0x3] =	stream.linear.gather [hbm4b:s25+s1], $0x680, $0x38;
	[tilespmem:$0x1BA80] =	vst v63  }
0x222: {  	_ =	swait.ge [sflag:s15], $0x680  }
0x223: {  	[sflag:s15] =	ssyncset.done $0x0  }
0x224: {  	[sflag:s15] =	ssyncadd.s32 $0xFFFFF980  }
0x225: {  	s29 =	simm.s32 $0x1BA00;
	s26 =	rddreg [dreg:$0x4]  }
0x226: {  	[tilespmem:s29], [sflag:$0x3] =	stream.linear.gather [hbm4b:s26+s1], $0x80, $0x38;
	[tilespmem:$0x1BA80] =	vst v63  }
0x227: {  	_ =	swait.ge [sflag:s15], $0x80  }
0x228: {  	[sflag:s15] =	ssyncset.done $0x0  }
0x229: {  	s30 =	sand.u32 $0x1E00, s1;
	[sflag:s15] =	ssyncadd.s32 $0xFFFFFF80  }
0x22a: {  	s3 =	sshrl.u32 s30, $0x2;
	s1 =	sand.u32 $0x70, s1;
	v12 =	vld [tilespmem:$0x1BA00]  }
0x22b: {  	s1 =	sor.u32 s1, s3;
	v13 =	vld [tilespmem:$0x1BA10]  }
0x22c: {  	v14 =	vld [tilespmem:s1+$0x1AA00]  }
0x22d: {  	v15 =	vld [tilespmem:$0x1B210]  }
0x22e: {  	v16 =	vld [tilespmem:$0x1B200]  }
0x22f: {  	v17 =	vld [tilespmem:$0x1B290]  }
0x230: {  	v18 =	vld [tilespmem:$0x1B280]  }
0x231: {  	v20 =	vld [tilespmem:$0x1B310];
	v19 =	vbroadcast v14, $0x0  }
0x232: {  	v22 =	vld [tilespmem:$0x1B300];
	v21 =	vbroadcast v14, $0x1  }
0x233: {  	v36 =	vld [tilespmem:$0x1B390];
	v16 =	vmul.f32 v16, v19;
	v15 =	vmul.f32 v15, v19  }
0x234: {  	v24 =	vld [tilespmem:$0x1B380];
	v23 =	vbroadcast v14, $0x2;
	v17 =	vmul.f32 v17, v21  }
0x235: {  	v37 =	vld [tilespmem:$0x1B410];
	v18 =	vmul.f32 v18, v21;
	v16 =	vadd.f32 v16, v12;
	v15 =	vadd.f32 v15, v13  }
0x236: {  	v26 =	vld [tilespmem:$0x1B400];
	v25 =	vbroadcast v14, $0x3;
	v20 =	vmul.f32 v20, v23  }
0x237: {  	v38 =	vld [tilespmem:$0x1B490];
	v16 =	vadd.f32 v18, v16;
	v15 =	vadd.f32 v17, v15;
	v17 =	vmul.f32 v22, v23  }
0x238: {  	v40 =	vld [tilespmem:$0x1B480];
	v39 =	vbroadcast v14, $0x4;
	v19 =	vmul.f32 v36, v25  }
0x239: {  	v41 =	vld [tilespmem:$0x1B510];
	v16 =	vadd.f32 v17, v16;
	v15 =	vadd.f32 v20, v15;
	v17 =	vmul.f32 v24, v25  }
0x23a: {  	v43 =	vld [tilespmem:$0x1B500];
	v42 =	vbroadcast v14, $0x5;
	v21 =	vmul.f32 v37, v39  }
0x23b: {  	v44 =	vld [tilespmem:$0x1B590];
	v16 =	vadd.f32 v17, v16;
	v15 =	vadd.f32 v19, v15;
	v17 =	vmul.f32 v26, v39  }
0x23c: {  	v46 =	vld [tilespmem:$0x1B580];
	v45 =	vbroadcast v14, $0x6;
	v18 =	vmul.f32 v38, v42  }
0x23d: {  	v47 =	vld [tilespmem:$0x1B610];
	v16 =	vadd.f32 v17, v16;
	v15 =	vadd.f32 v21, v15;
	v17 =	vmul.f32 v40, v42  }
0x23e: {  	v49 =	vld [tilespmem:$0x1B600];
	v48 =	vbroadcast v14, $0x7;
	v20 =	vmul.f32 v41, v45  }
0x23f: {  	v50 =	vld [tilespmem:$0x1B690];
	v16 =	vadd.f32 v17, v16;
	v15 =	vadd.f32 v18, v15;
	v17 =	vmul.f32 v43, v45  }
0x240: {  	v52 =	vld [tilespmem:$0x1B680];
	v51 =	vbroadcast v14, $0x8;
	v19 =	vmul.f32 v44, v48  }
0x241: {  	v53 =	vld [tilespmem:$0x1B710];
	v16 =	vadd.f32 v17, v16;
	v15 =	vadd.f32 v20, v15;
	v17 =	vmul.f32 v46, v48  }
0x242: {  	v55 =	vld [tilespmem:$0x1B700];
	v54 =	vbroadcast v14, $0x9;
	v21 =	vmul.f32 v47, v51  }
0x243: {  	v56 =	vld [tilespmem:$0x1B790];
	v16 =	vadd.f32 v17, v16;
	v15 =	vadd.f32 v19, v15;
	v17 =	vmul.f32 v49, v51  }
0x244: {  	v58 =	vld [tilespmem:$0x1B780];
	v57 =	vbroadcast v14, $0xA;
	v18 =	vmul.f32 v50, v54  }
0x245: {  	v59 =	vld [tilespmem:$0x1B810];
	v16 =	vadd.f32 v17, v16;
	v15 =	vadd.f32 v21, v15;
	v17 =	vmul.f32 v52, v54  }
0x246: {  	v61 =	vld [tilespmem:$0x1B800];
	v60 =	vbroadcast v14, $0xB;
	v20 =	vmul.f32 v53, v57  }
0x247: {  	v16 =	vadd.f32 v17, v16;
	v15 =	vadd.f32 v18, v15;
	v17 =	vmul.f32 v55, v57  }
0x248: {  	v14 =	vbroadcast v14, $0xC;
	v62 =	vmul.f32 v56, v60  }
0x249: {  	v16 =	vadd.f32 v17, v16;
	v15 =	vadd.f32 v20, v15;
	v17 =	vmul.f32 v58, v60  }
0x24a: {  	v63 =	vmul.f32 v59, v14  }
0x24b: {  	s31 =	simm.s32 $0x10;
	s5 =	simm.s32 $0x40;
	v14 =	vmul.f32 v61, v14;
	v16 =	vadd.f32 v17, v16;
	v17 =	vadd.f32 v62, v15  }
0x24c: {  	s24 =	simm.s32 $0x80;
	s23 =	sand.u32 $0x1E00, s5;
	s5 =	simm.s32 $0x20  }
0x24d: {  	s4 =	sand.u32 $0x70, s31;
	s3 =	simm.s32 $0x12010;
	s1 =	simm.s32 $0x12090;
	v15 =	vadd.f32 v14, v16;
	v14 =	vadd.f32 v63, v17  }
.LBB2_36:
0x24e: {  	s10 =	sand.u32 $0x70, s5  }
0x24f: {  	s11 =	sshrl.u32 s23, $0x2;
	[tilespmem:s3+$0xFFFFFFF0] =	vst v15;
	s23 =	smov.u32 s24;
	s22 =	sadd.s32 $0x40, s24  }
0x250: {  	p1 =	sne.s32 s24, $0x1FC0;
	s11 =	sor.u32 s4, s11;
	[tilespmem:s3+$0x0] =	vst v14;
	s4 =	smov.u32 s10  }
0x251: {  	s3 =	smov.u32 s1;
	v14 =	vld [tilespmem:s11+$0x1AA00]  }
0x252: {  	v15 =	vld [tilespmem:$0x1B210]  }
0x253: {  	v16 =	vld [tilespmem:$0x1B200]  }
0x254: {  	v17 =	vld [tilespmem:$0x1B290]  }
0x255: {  	v18 =	vld [tilespmem:$0x1B280]  }
0x256: {  	v19 =	vbroadcast v14, $0x0;
	v20 =	vbroadcast v14, $0x1;
	v21 =	vld [tilespmem:$0x1B310]  }
0x257: {  	v23 =	vbroadcast v14, $0x2;
	v24 =	vbroadcast v14, $0x3;
	v22 =	vld [tilespmem:$0x1B300]  }
0x258: {  	v16 =	vmul.f32 v16, v19;
	v15 =	vmul.f32 v15, v19;
	v19 =	vld [tilespmem:$0x1B390]  }
0x259: {  	v26 =	vbroadcast v14, $0x4;
	v17 =	vmul.f32 v17, v20;
	v25 =	vld [tilespmem:$0x1B380]  }
0x25a: {  	v16 =	vadd.f32 v16, v12;
	v15 =	vadd.f32 v15, v13;
	v18 =	vmul.f32 v18, v20;
	v20 =	vld [tilespmem:$0x1B410]  }
0x25b: {  	v28 =	vbroadcast v14, $0x5;
	v21 =	vmul.f32 v21, v23;
	v27 =	vld [tilespmem:$0x1B400]  }
0x25c: {  	v16 =	vadd.f32 v18, v16;
	v15 =	vadd.f32 v17, v15;
	v17 =	vmul.f32 v22, v23;
	v18 =	vld [tilespmem:$0x1B490]  }
0x25d: {  	v23 =	vbroadcast v14, $0x6;
	v19 =	vmul.f32 v19, v24;
	v22 =	vld [tilespmem:$0x1B480]  }
0x25e: {  	v16 =	vadd.f32 v17, v16;
	v15 =	vadd.f32 v21, v15;
	v17 =	vmul.f32 v25, v24;
	v21 =	vld [tilespmem:$0x1B510]  }
0x25f: {  	v25 =	vbroadcast v14, $0x7;
	v20 =	vmul.f32 v20, v26;
	v24 =	vld [tilespmem:$0x1B500]  }
0x260: {  	v16 =	vadd.f32 v17, v16;
	v15 =	vadd.f32 v19, v15;
	v17 =	vmul.f32 v27, v26;
	v19 =	vld [tilespmem:$0x1B590]  }
0x261: {  	v27 =	vbroadcast v14, $0x8;
	v18 =	vmul.f32 v18, v28;
	v26 =	vld [tilespmem:$0x1B580]  }
0x262: {  	v16 =	vadd.f32 v17, v16;
	v15 =	vadd.f32 v20, v15;
	v17 =	vmul.f32 v22, v28;
	v20 =	vld [tilespmem:$0x1B610]  }
0x263: {  	v28 =	vbroadcast v14, $0x9;
	v21 =	vmul.f32 v21, v23;
	v22 =	vld [tilespmem:$0x1B600]  }
0x264: {  	v16 =	vadd.f32 v17, v16;
	v15 =	vadd.f32 v18, v15;
	v17 =	vmul.f32 v24, v23;
	v18 =	vld [tilespmem:$0x1B690]  }
0x265: {  	v24 =	vbroadcast v14, $0xA;
	v19 =	vmul.f32 v19, v25;
	v23 =	vld [tilespmem:$0x1B680]  }
0x266: {  	v16 =	vadd.f32 v17, v16;
	v15 =	vadd.f32 v21, v15;
	v17 =	vmul.f32 v26, v25;
	v21 =	vld [tilespmem:$0x1B710]  }
0x267: {  	v26 =	vbroadcast v14, $0xB;
	v20 =	vmul.f32 v20, v27;
	v25 =	vld [tilespmem:$0x1B700]  }
0x268: {  	v16 =	vadd.f32 v17, v16;
	v15 =	vadd.f32 v19, v15;
	v17 =	vmul.f32 v22, v27;
	v19 =	vld [tilespmem:$0x1B790]  }
0x269: {  	v14 =	vbroadcast v14, $0xC;
	v18 =	vmul.f32 v18, v28;
	v22 =	vld [tilespmem:$0x1B780]  }
0x26a: {  	v16 =	vadd.f32 v17, v16;
	v15 =	vadd.f32 v20, v15;
	v17 =	vmul.f32 v23, v28;
	v20 =	vld [tilespmem:$0x1B810]  }
0x26b: {  	v21 =	vmul.f32 v21, v24;
	v23 =	vld [tilespmem:$0x1B800]  }
0x26c: {  	v16 =	vadd.f32 v17, v16;
	v15 =	vadd.f32 v18, v15;
	v17 =	vmul.f32 v25, v24  }
0x26d: {  	v18 =	vmul.f32 v19, v26  }
0x26e: {  	v16 =	vadd.f32 v17, v16;
	v15 =	vadd.f32 v21, v15;
	v17 =	vmul.f32 v22, v26  }
.Ltmp26:
0x26f: {  	v19 =	vmul.f32 v20, v14;
	(pc) =	sbr.rel @p1 .LBB2_36-.Ltmp26, $3  }
0x270: {  	v16 =	vadd.f32 v17, v16;
	v17 =	vadd.f32 v18, v15;
	v14 =	vmul.f32 v23, v14;
	_ =	sdelay $0x1  }
0x271: {  	s5 =	sadd.s32 $0x10, s5;
	v15 =	vadd.f32 v14, v16;
	v14 =	vadd.f32 v19, v17  }
0x272: {  	s23 =	sand.u32 $0x1E00, s23;
	s1 =	sadd.s32 $0x80, s1;
	s24 =	smov.u32 s22  }
0x273: {  	s5 =	sshrl.u32 s23, $0x2;
	[tilespmem:s3+$0xFFFFFFF0] =	vst v15  }
0x274: {  	[tilespmem:s3+$0x0] =	vst v14;
	s4 =	sor.u32 s4, s5  }
0x275: {  	v14 =	vld [tilespmem:s4+$0x1AA00];
	_ =	sdelay $0x1  }
0x276: {  	v15 =	vld [tilespmem:$0x1B200]  }
0x277: {  	v16 =	vld [tilespmem:$0x1B210]  }
0x278: {  	v17 =	vld [tilespmem:$0x1B280]  }
0x279: {  	v18 =	vld [tilespmem:$0x1B290];
	v19 =	vbroadcast v14, $0x0  }
0x27a: {  	v20 =	vld [tilespmem:$0x1B300]  }
0x27b: {  	v22 =	vld [tilespmem:$0x1B310];
	v21 =	vbroadcast v14, $0x1;
	v15 =	vmul.f32 v15, v19  }
0x27c: {  	v50 =	vld [tilespmem:$0x1B380];
	v16 =	vmul.f32 v16, v19  }
0x27d: {  	v24 =	vld [tilespmem:$0x1B390];
	v23 =	vbroadcast v14, $0x2;
	v51 =	vmul.f32 v17, v21;
	v12 =	vadd.f32 v15, v12  }
0x27e: {  	v53 =	vld [tilespmem:$0x1B400];
	v52 =	vmul.f32 v18, v21;
	v13 =	vadd.f32 v16, v13  }
0x27f: {  	v55 =	vld [tilespmem:$0x1B410];
	v54 =	vbroadcast v14, $0x3;
	v56 =	vmul.f32 v20, v23;
	v12 =	vadd.f32 v51, v12  }
0x280: {  	v58 =	vld [tilespmem:$0x1B480];
	v57 =	vmul.f32 v22, v23;
	v13 =	vadd.f32 v52, v13  }
0x281: {  	v60 =	vld [tilespmem:$0x1B490];
	v59 =	vbroadcast v14, $0x4;
	v61 =	vmul.f32 v50, v54;
	v12 =	vadd.f32 v56, v12  }
0x282: {  	v62 =	vld [tilespmem:$0x1B500];
	v18 =	vmul.f32 v24, v54;
	v13 =	vadd.f32 v57, v13  }
0x283: {  	v28 =	vld [tilespmem:$0x1B510];
	v63 =	vbroadcast v14, $0x5;
	v29 =	vmul.f32 v53, v59;
	v12 =	vadd.f32 v61, v12  }
0x284: {  	v31 =	vld [tilespmem:$0x1B580];
	v30 =	vmul.f32 v55, v59;
	v13 =	vadd.f32 v18, v13  }
0x285: {  	v33 =	vld [tilespmem:$0x1B590];
	v32 =	vbroadcast v14, $0x6;
	v34 =	vmul.f32 v58, v63;
	v12 =	vadd.f32 v29, v12  }
0x286: {  	v36 =	vld [tilespmem:$0x1B600];
	v35 =	vmul.f32 v60, v63;
	v13 =	vadd.f32 v30, v13  }
0x287: {  	v38 =	vld [tilespmem:$0x1B610];
	v37 =	vbroadcast v14, $0x7;
	v39 =	vmul.f32 v62, v32;
	v12 =	vadd.f32 v34, v12  }
0x288: {  	v41 =	vld [tilespmem:$0x1B680];
	v40 =	vmul.f32 v28, v32;
	v13 =	vadd.f32 v35, v13  }
0x289: {  	v43 =	vld [tilespmem:$0x1B690];
	v42 =	vbroadcast v14, $0x8;
	v44 =	vmul.f32 v31, v37;
	v12 =	vadd.f32 v39, v12  }
0x28a: {  	v46 =	vld [tilespmem:$0x1B700];
	v45 =	vmul.f32 v33, v37;
	v13 =	vadd.f32 v40, v13  }
0x28b: {  	v48 =	vld [tilespmem:$0x1B710];
	v47 =	vbroadcast v14, $0x9;
	v49 =	vmul.f32 v36, v42;
	v12 =	vadd.f32 v44, v12  }
0x28c: {  	v50 =	vmul.f32 v38, v42;
	v51 =	vld [tilespmem:$0x1B780];
	v13 =	vadd.f32 v45, v13  }
0x28d: {  	v53 =	vld [tilespmem:$0x1B790];
	v54 =	vmul.f32 v41, v47;
	v52 =	vbroadcast v14, $0xA;
	v12 =	vadd.f32 v49, v12  }
0x28e: {  	v55 =	vmul.f32 v43, v47;
	v56 =	vld [tilespmem:$0x1B800];
	v13 =	vadd.f32 v50, v13  }
0x28f: {  	v58 =	vld [tilespmem:$0x1B810];
	v57 =	vbroadcast v14, $0xB;
	v59 =	vmul.f32 v46, v52;
	v12 =	vadd.f32 v54, v12  }
0x290: {  	v60 =	vmul.f32 v48, v52;
	v13 =	vadd.f32 v55, v13  }
0x291: {  	v14 =	vbroadcast v14, $0xC;
	v61 =	vmul.f32 v51, v57;
	v12 =	vadd.f32 v59, v12  }
0x292: {  	v62 =	vmul.f32 v53, v57;
	v13 =	vadd.f32 v60, v13  }
0x293: {  	v63 =	vmul.f32 v56, v14;
	v12 =	vadd.f32 v61, v12  }
0x294: {  	v14 =	vmul.f32 v58, v14;
	v13 =	vadd.f32 v62, v13  }
0x295: {  	v12 =	vadd.f32 v63, v12  }
0x296: {  	v13 =	vadd.f32 v14, v13  }
0x297: {  	[tilespmem:s1+$0xFFFFFFF0] =	vst v12  }
0x298: {  	[tilespmem:s1+$0x0] =	vst v13  }
0x299: {  	[tilespmem:$0x1A200] =	vst v2  }
0x29a: {  	[tilespmem:$0x1A280] =	vst v3  }
0x29b: {  	[tilespmem:$0x1A300] =	vst v4  }
0x29c: {  	[tilespmem:$0x1A380] =	vst v5  }
0x29d: {  	[tilespmem:$0x1A400] =	vst v6  }
0x29e: {  	[tilespmem:$0x1A480] =	vst v7  }
0x29f: {  	[tilespmem:$0x1A500] =	vst v8  }
0x2a0: {  	s29 =	simm.s32 $0x1A200;
	[tilespmem:$0x1A580] =	vst v9  }
0x2a1: {  	[hbm4b:s9+s21] =	stream.indirect.scatter [tilespmem:s19], [sflag:$0x2], $0x80, s29, s21, $0xb8;
	[tilespmem:$0x1BA80] =	vst v63  }
0x2a2: {  	s30 =	simm.s32 $0x1A280;
	s31 =	simm.s32 $0x12800  }
0x2a3: {  	[hbm4b:s9+s21] =	stream.indirect.scatter [tilespmem:s31], [sflag:$0x2], $0x80, s30, s21, $0xb8;
	[tilespmem:$0x1BA80] =	vst v63  }
0x2a4: {  	s5 =	simm.s32 $0x13000;
	s4 =	simm.s32 $0x1A300  }
0x2a5: {  	[hbm4b:s9+s21] =	stream.indirect.scatter [tilespmem:s5], [sflag:$0x2], $0x80, s4, s21, $0xb8;
	[tilespmem:$0x1BA80] =	vst v63  }
0x2a6: {  	s10 =	simm.s32 $0x1A380;
	s11 =	simm.s32 $0x13800  }
0x2a7: {  	[hbm4b:s9+s21] =	stream.indirect.scatter [tilespmem:s11], [sflag:$0x2], $0x80, s10, s21, $0xb8;
	[tilespmem:$0x1BA80] =	vst v63  }
0x2a8: {  	s22 =	simm.s32 $0x1A400;
	s23 =	simm.s32 $0x14000  }
0x2a9: {  	[hbm4b:s9+s21] =	stream.indirect.scatter [tilespmem:s23], [sflag:$0x2], $0x80, s22, s21, $0xb8;
	[tilespmem:$0x1BA80] =	vst v63  }
0x2aa: {  	s24 =	simm.s32 $0x1A480;
	s25 =	simm.s32 $0x14800  }
0x2ab: {  	[hbm4b:s9+s21] =	stream.indirect.scatter [tilespmem:s25], [sflag:$0x2], $0x80, s24, s21, $0xb8;
	[tilespmem:$0x1BA80] =	vst v63  }
0x2ac: {  	s26 =	simm.s32 $0x1A500;
	s29 =	simm.s32 $0x15000  }
0x2ad: {  	[hbm4b:s9+s21] =	stream.indirect.scatter [tilespmem:s29], [sflag:$0x2], $0x80, s26, s21, $0xb8;
	[tilespmem:$0x1BA80] =	vst v63  }
0x2ae: {  	s30 =	simm.s32 $0x1A580;
	s31 =	simm.s32 $0x15800  }
0x2af: {  	[hbm4b:s9+s21] =	stream.indirect.scatter [tilespmem:s31], [sflag:$0x2], $0x80, s30, s21, $0xb8;
	[tilespmem:$0x1BA80] =	vst v63  }
0x2b0: {  	_ =	swait.ge [sflag:s18], $0x800  }
0x2b1: {  	[sflag:s18] =	ssyncset.done $0x0  }
0x2b2: {  	[sflag:s18] =	ssyncadd.s32 $0xFFFFF800  }
0x2b3: {  	_ =	swait.ge [sflag:s18], $0x800  }
0x2b4: {  	[sflag:s18] =	ssyncset.done $0x0  }
0x2b5: {  	[sflag:s18] =	ssyncadd.s32 $0xFFFFF800  }
0x2b6: {  	_ =	swait.ge [sflag:s18], $0x800  }
0x2b7: {  	[sflag:s18] =	ssyncset.done $0x0  }
0x2b8: {  	[sflag:s18] =	ssyncadd.s32 $0xFFFFF800  }
0x2b9: {  	_ =	swait.ge [sflag:s18], $0x800  }
0x2ba: {  	[sflag:s18] =	ssyncset.done $0x0  }
0x2bb: {  	[sflag:s18] =	ssyncadd.s32 $0xFFFFF800  }
0x2bc: {  	_ =	swait.ge [sflag:s18], $0x800  }
0x2bd: {  	[sflag:s18] =	ssyncset.done $0x0  }
0x2be: {  	[sflag:s18] =	ssyncadd.s32 $0xFFFFF800  }
0x2bf: {  	_ =	swait.ge [sflag:s18], $0x800  }
0x2c0: {  	[sflag:s18] =	ssyncset.done $0x0  }
0x2c1: {  	s28 =	sadd.s32 $0x1, s28;
	[sflag:s18] =	ssyncadd.s32 $0xFFFFF800  }
0x2c2: {  	p1 =	sne.s32 s28, s13;
	_ =	swait.ge [sflag:s18], $0x800  }
.Ltmp27:
0x2c3: {  	[sflag:s18] =	ssyncset.done $0x0;
	(pc) =	sbr.rel @p1 .LBB2_1-.Ltmp27, $4  }
0x2c4: {  	[sflag:s18] =	ssyncadd.s32 $0xFFFFF800  }
0x2c5: {  	_ =	swait.ge [sflag:s18], $0x800  }
0x2c6: {  	[sflag:s18] =	ssyncset.done $0x0  }
0x2c7: {  	[sflag:s18] =	ssyncadd.s32 $0xFFFFF800  }
0x2c8: {  	_ =	sfence.sel $0x180000  }
0x2c9: {  	[bflag:$0x0] =	sbarrier.arrive $0xFFFF  }
0x2ca: {  	_ =	strace $0x90000047  }
0x2cb: {  	s0 =	stileid.u32;
	[bflag:$0x2] =	sbarrier.arrive $0xFFFF  }
0x2cc: {  	p0 =	sne.s32 s0, $0x0;
	s0 =	rddreg [dreg:$0x5]  }
0x2cd: {  	s0 =	sadd.s32 @!p0 $0x100000, s0  }
0x2ce: {  	[sflag:s0] =	ssyncadd.tile.s32 @!p0 $0x1;
	_ =	shalt  }
.Lfunc_end2:
_tile_overlayer_lowered:
.L_overlay_start_2:
0x2cf: {  	(tag) =	ssettag $0x2  }
0x2d0: {  	s0 =	rddreg [dreg:$0x0];
	s2 =	stileid.u32  }
0x2d1: {  	s1 =	rddreg [dreg:$0x1];
	p0 =	sne.s32 s2, $0x0  }
0x2d2: {  	s3 =	rddreg [dreg:$0x2];
	[bflag:$0x3] =	sbarrier.arrive $0xFFFF;
	s2 =	simm.s32 @!p0 $0x1C03  }
0x2d3: {  	[timem:s3], [sflag:s2] =	dma.local @!p0 [hbm:s0], s1  }
0x2d4: {  	s0 =	simm.s32 @!p0 $0x3  }
0x2d5: {  	_ =	swait.ge @!p0 [sflag:s0], s1  }
0x2d6: {  	s1 =	ssub.s32 @!p0 $0x0, s1;
	[sflag:s0] =	ssyncset.done @!p0 $0x0  }
0x2d7: {  	[sflag:s0] =	ssyncadd.s32 @!p0 s1  }
0x2d8: {  	[bflag:$0x3] =	sbarrier.arrive $0xFFFF  }
0x2d9: {  	_ =	shalt  }

</sc_bundles>
